<compile_context>
chip_gen: v7x
topology: tpu7x:2x2x1
jax: 0.10.2.dev20260603
libtpu: 0.0.44.dev20260713+nightly
codegen_flags: <defaults>
</compile_context>

<pallas_src>
import functools

import jax
import jax.numpy as jnp
from jax import lax
from jax.experimental import pallas as pl
from jax.experimental.pallas import tpu as pltpu
from jax.experimental.pallas import tpu_sc as plsc

NC, NS, L = 2, 16, 16
NW = NC * NS
SREP = 4


def _body(dim, tz, sz, bw,
          t_tab, s_tab, tweet, sent, out, ttab_v, stab_v, stab2_v, tidx,
          sidx, big, sem, sem2):
    sid = lax.axis_index("s")
    wid = sid * NC + lax.axis_index("c")
    row0 = wid * bw
    half = bw // 2
    with jax.named_scope("prologue_dma"):
        cp2 = [
            pltpu.async_copy(tweet.at[pl.ds(row0 + half, half)],
                             tidx.at[pl.ds(half, half)], sem2),
            pltpu.async_copy(sent.at[pl.ds(row0 + half, half)],
                             sidx.at[pl.ds(half, half)], sem2),
        ]
        cpi = [
            pltpu.async_copy(tweet.at[pl.ds(row0, half)],
                             tidx.at[pl.ds(0, half)], sem),
            pltpu.async_copy(sent.at[pl.ds(row0, half)],
                             sidx.at[pl.ds(0, half)], sem),
        ]
        cps = [
            pltpu.async_copy(t_tab, ttab_v, sem),
            pltpu.async_copy(s_tab, stab_v, sem),
        ]
        for c in cps + cpi:
            c.wait()

    lanes = lax.iota(jnp.int32, L)
    zero = jnp.zeros((L,), jnp.float32)
    ncol = (sz + 4) * SREP

    for r in range(dim):
        for k in range(ncol // L):
            stab2_v[r, pl.ds(k * L, L)] = zero
    for s in range(sz):
        for k in range(dim // L):
            v = stab_v[s, pl.ds(k * L, L)]
            for rep in range(SREP):
                plsc.store_scatter(
                    stab2_v,
                    [k * L + lanes, jnp.full((L,), s + 8 * rep, jnp.int32)], v)

    rep_off = (lanes & (SREP - 1)) * 8

    def chunk_body(ch):
        base = pl.multiple_of(ch * L, L)
        t16 = tidx[pl.ds(base, L)]
        s16 = sidx[pl.ds(base, L)]
        m = t16 == 0
        sr = jnp.where(m, sz, s16) + rep_off
        for g in range(0, 2 * dim, L):
            vals = []
            for k in range(L):
                c = g + k
                if c < dim:
                    v = plsc.load_gather(
                        ttab_v, [jnp.full((L,), c, jnp.int32), t16])
                    vals.append(jnp.where(m, 0.0, v))
                else:
                    vals.append(plsc.load_gather(
                        stab2_v, [jnp.full((L,), c - dim, jnp.int32), sr]))
            for k in range(L):
                big[g + k, pl.ds(base, L)] = vals[k]

    with jax.named_scope("gather_loop1"):
        @plsc.parallel_loop(0, half // L)
        def _loop1(ch):
            chunk_body(ch)

    cp1 = pltpu.async_copy(big.at[:, pl.ds(0, half)],
                           out.at[:, pl.ds(row0, half)], sem)
    with jax.named_scope("wait_idx2"):
        for c in cp2:
            c.wait()
    with jax.named_scope("gather_loop2"):
        @plsc.parallel_loop(half // L, bw // L)
        def _loop2(ch):
            chunk_body(ch)

    with jax.named_scope("out_dma"):
        cp1.wait()
        pltpu.sync_copy(big.at[:, pl.ds(half, half)],
                        out.at[:, pl.ds(row0 + half, half)])


def kernel(tweet, sentiment, tweet_table, sentiment_table):
    b = tweet.shape[0]
    dim = tweet_table.shape[1]
    tz = tweet_table.shape[0]
    sz = sentiment_table.shape[0]
    bw = b // NW

    mesh = plsc.VectorSubcoreMesh(core_axis_name="c", subcore_axis_name="s")
    run = pl.kernel(
        functools.partial(_body, dim, tz, sz, bw),
        out_type=jax.ShapeDtypeStruct((2 * dim, b), jnp.float32),
        mesh=mesh,
        scratch_types=[
            pltpu.VMEM((dim, tz), jnp.float32),
            pltpu.VMEM((sz, dim), jnp.float32),
            pltpu.VMEM((dim, (sz + 4) * SREP), jnp.float32),
            pltpu.VMEM((bw,), jnp.int32),
            pltpu.VMEM((bw,), jnp.int32),
            pltpu.VMEM((2 * dim, bw), jnp.float32),
            pltpu.SemaphoreType.DMA,
            pltpu.SemaphoreType.DMA,
        ],
        compiler_params=pltpu.CompilerParams(needs_layout_passes=False),
    )
    out_t = run(tweet_table.T, sentiment_table,
                tweet.astype(jnp.int32), sentiment.astype(jnp.int32))
    return out_t.T

# --- scband reference (transcript-rebuilt; emitter-appended) ---
"""Pipeline reference for scband-tweet-model-46059229283023 (READ-ONLY COPY).

The authoritative reference and input builder live on the scoring server;
editing this copy changes nothing except your own understanding.
"""

import jax, jax.numpy as jnp
import numpy as np

BATCH = 16384
TWEET_VOCAB = 129  # len(unique(tweet_ids)) + 1
SENT_VOCAB = 4     # len(unique(sentiments)) + 1
DIM = 32


def setup_inputs(seed: int = 0) -> dict:
    key = jax.random.key(seed)
    k1, k2, k3, k4 = jax.random.split(key, 4)
    tweet = jax.random.randint(k1, (BATCH,), 0, TWEET_VOCAB, dtype=jnp.int64 if jax.config.jax_enable_x64 else jnp.int32)
    sentiment = jax.random.randint(k2, (BATCH,), 0, SENT_VOCAB, dtype=jnp.int64 if jax.config.jax_enable_x64 else jnp.int32)
    tweet_table = jax.random.normal(k3, (TWEET_VOCAB, DIM), dtype=jnp.float32) * 0.05
    sentiment_table = jax.random.normal(k4, (SENT_VOCAB, DIM), dtype=jnp.float32) * 0.05
    return {"tweet": tweet, "sentiment": sentiment, "tweet_table": tweet_table, "sentiment_table": sentiment_table}


def reference(tweet, sentiment, tweet_table, sentiment_table):
    # Embedding lookups (keras Embedding == row gather from table)
    t_emb = jnp.take(tweet_table, tweet, axis=0)          # [B, 32]
    s_emb = jnp.take(sentiment_table, sentiment, axis=0)  # [B, 32]
    # mask_zero=True: compute_mask == (tweet_input != 0)
    mask = (tweet != 0).astype(jnp.float32)               # [B]
    # concat along feature axis (axis=1 for rank-2 inputs), then apply mask.
    # NOTE: original TF code multiplies [B, 64] by [B], which only works with an
    # implicit per-row broadcast; we make that explicit with mask[:, None].
    out = jnp.concatenate([t_emb, s_emb], axis=1) * mask[:, None]
    return out

if __name__ == "__main__":
    import jax
    _d = setup_inputs()
    print(jax.jit(kernel)(*tuple(_d.values())))

</pallas_src>

<mosaic_0001>
#map = affine_map<(d0, d1) -> (0, 0)>
#map1 = affine_map<(d0, d1) -> (0)>
module attributes {stable_mosaic.version = 14 : i64} {
  func.func @_body(%arg0: i32, %arg1: i32, %arg2: memref<32x129xf32, #tpu.memory_space<hbm>>, %arg3: memref<4x32xf32, #tpu.memory_space<hbm>>, %arg4: memref<16384xi32, #tpu.memory_space<hbm>>, %arg5: memref<16384xi32, #tpu.memory_space<hbm>>, %arg6: memref<64x16384xf32, #tpu.memory_space<hbm>>, %arg7: memref<32x129xf32, #tpu.memory_space<vmem>>, %arg8: memref<4x32xf32, #tpu.memory_space<vmem>>, %arg9: memref<32x32xf32, #tpu.memory_space<vmem>>, %arg10: memref<512xi32, #tpu.memory_space<vmem>>, %arg11: memref<512xi32, #tpu.memory_space<vmem>>, %arg12: memref<64x512xf32, #tpu.memory_space<vmem>>, %arg13: memref<!tpu.dma_semaphore, #tpu.memory_space<semaphore_mem>>, %arg14: memref<!tpu.dma_semaphore, #tpu.memory_space<semaphore_mem>>) attributes {dimension_semantics = [#tpu.dimension_semantics<core_parallel>, #tpu.dimension_semantics<subcore_parallel>], iteration_bounds = array<i64: 2, 16>, scalar_prefetch = 0 : i64, scratch_operands = 8 : i64, tpu.core_type = #tpu.core_type<sc_vector_subcore>, window_params = [{transform_indices = #map}, {transform_indices = #map}, {transform_indices = #map1}, {transform_indices = #map1}, {transform_indices = #map}]} {
    %mul3A = arith.constant 2 : i32
    %mul3A_0 = arith.muli %arg1, %mul3A : i32
    %add3A = arith.addi %mul3A_0, %arg0 : i32
    %mul3A_1 = arith.constant 512 : i32
    %mul3A_2 = arith.muli %add3A, %mul3A_1 : i32
    "tpu.trace_start"() <{level = 10 : i32, message = "prologue_dma"}> : () -> ()
    %add3A_3 = arith.constant 256 : i32
    %add3A_4 = arith.addi %mul3A_2, %add3A_3 : i32
    %dma_start3A = arith.constant 256 : i32
    %dma_start3A_5 = tpu.memref_slice %arg10[%dma_start3A] : memref<512xi32, #tpu.memory_space<vmem>> -> memref<256xi32, #tpu.memory_space<vmem>>
    %dma_start3A_6 = tpu.memref_slice %arg4[%add3A_4] : memref<16384xi32, #tpu.memory_space<hbm>> -> memref<256xi32, #tpu.memory_space<hbm>>
    %dma_start3A_7 = arith.constant 256 : i32
    %dma_start3A_8 = tpu.memref_slice %arg10[%dma_start3A_7] : memref<512xi32, #tpu.memory_space<vmem>> -> memref<256xi32, #tpu.memory_space<vmem>>
    %dma_start3A_9 = tpu.memref_slice %arg4[%add3A_4] : memref<16384xi32, #tpu.memory_space<hbm>> -> memref<256xi32, #tpu.memory_space<hbm>>
    tpu.enqueue_dma source(%dma_start3A_9 : memref<256xi32, #tpu.memory_space<hbm>>) target(%dma_start3A_8 : memref<256xi32, #tpu.memory_space<vmem>>) target_semaphore(%arg14 : memref<!tpu.dma_semaphore, #tpu.memory_space<semaphore_mem>>)
    %add3A_10 = arith.constant 256 : i32
    %add3A_11 = arith.addi %mul3A_2, %add3A_10 : i32
    %dma_start3A_12 = arith.constant 256 : i32
    %dma_start3A_13 = tpu.memref_slice %arg11[%dma_start3A_12] : memref<512xi32, #tpu.memory_space<vmem>> -> memref<256xi32, #tpu.memory_space<vmem>>
    %dma_start3A_14 = tpu.memref_slice %arg5[%add3A_11] : memref<16384xi32, #tpu.memory_space<hbm>> -> memref<256xi32, #tpu.memory_space<hbm>>
    %dma_start3A_15 = arith.constant 256 : i32
    %dma_start3A_16 = tpu.memref_slice %arg11[%dma_start3A_15] : memref<512xi32, #tpu.memory_space<vmem>> -> memref<256xi32, #tpu.memory_space<vmem>>
    %dma_start3A_17 = tpu.memref_slice %arg5[%add3A_11] : memref<16384xi32, #tpu.memory_space<hbm>> -> memref<256xi32, #tpu.memory_space<hbm>>
    tpu.enqueue_dma source(%dma_start3A_17 : memref<256xi32, #tpu.memory_space<hbm>>) target(%dma_start3A_16 : memref<256xi32, #tpu.memory_space<vmem>>) target_semaphore(%arg14 : memref<!tpu.dma_semaphore, #tpu.memory_space<semaphore_mem>>)
    %dma_start3A_18 = arith.constant 0 : i32
    %dma_start3A_19 = tpu.memref_slice %arg10[%dma_start3A_18] : memref<512xi32, #tpu.memory_space<vmem>> -> memref<256xi32, #tpu.memory_space<vmem>>
    %dma_start3A_20 = tpu.memref_slice %arg4[%mul3A_2] : memref<16384xi32, #tpu.memory_space<hbm>> -> memref<256xi32, #tpu.memory_space<hbm>>
    %dma_start3A_21 = arith.constant 0 : i32
    %dma_start3A_22 = tpu.memref_slice %arg10[%dma_start3A_21] : memref<512xi32, #tpu.memory_space<vmem>> -> memref<256xi32, #tpu.memory_space<vmem>>
    %dma_start3A_23 = tpu.memref_slice %arg4[%mul3A_2] : memref<16384xi32, #tpu.memory_space<hbm>> -> memref<256xi32, #tpu.memory_space<hbm>>
    tpu.enqueue_dma source(%dma_start3A_23 : memref<256xi32, #tpu.memory_space<hbm>>) target(%dma_start3A_22 : memref<256xi32, #tpu.memory_space<vmem>>) target_semaphore(%arg13 : memref<!tpu.dma_semaphore, #tpu.memory_space<semaphore_mem>>)
    %dma_start3A_24 = arith.constant 0 : i32
    %dma_start3A_25 = tpu.memref_slice %arg11[%dma_start3A_24] : memref<512xi32, #tpu.memory_space<vmem>> -> memref<256xi32, #tpu.memory_space<vmem>>
    %dma_start3A_26 = tpu.memref_slice %arg5[%mul3A_2] : memref<16384xi32, #tpu.memory_space<hbm>> -> memref<256xi32, #tpu.memory_space<hbm>>
    %dma_start3A_27 = arith.constant 0 : i32
    %dma_start3A_28 = tpu.memref_slice %arg11[%dma_start3A_27] : memref<512xi32, #tpu.memory_space<vmem>> -> memref<256xi32, #tpu.memory_space<vmem>>
    %dma_start3A_29 = tpu.memref_slice %arg5[%mul3A_2] : memref<16384xi32, #tpu.memory_space<hbm>> -> memref<256xi32, #tpu.memory_space<hbm>>
    tpu.enqueue_dma source(%dma_start3A_29 : memref<256xi32, #tpu.memory_space<hbm>>) target(%dma_start3A_28 : memref<256xi32, #tpu.memory_space<vmem>>) target_semaphore(%arg13 : memref<!tpu.dma_semaphore, #tpu.memory_space<semaphore_mem>>)
    tpu.enqueue_dma source(%arg2 : memref<32x129xf32, #tpu.memory_space<hbm>>) target(%arg7 : memref<32x129xf32, #tpu.memory_space<vmem>>) target_semaphore(%arg13 : memref<!tpu.dma_semaphore, #tpu.memory_space<semaphore_mem>>)
    tpu.enqueue_dma source(%arg3 : memref<4x32xf32, #tpu.memory_space<hbm>>) target(%arg8 : memref<4x32xf32, #tpu.memory_space<vmem>>) target_semaphore(%arg13 : memref<!tpu.dma_semaphore, #tpu.memory_space<semaphore_mem>>)
    tpu.wait_dma2 semaphore(%arg13 : memref<!tpu.dma_semaphore, #tpu.memory_space<semaphore_mem>>) src(%arg2 : memref<32x129xf32, #tpu.memory_space<hbm>>) dst(%arg7 : memref<32x129xf32, #tpu.memory_space<vmem>>)
    tpu.wait_dma2 semaphore(%arg13 : memref<!tpu.dma_semaphore, #tpu.memory_space<semaphore_mem>>) src(%arg3 : memref<4x32xf32, #tpu.memory_space<hbm>>) dst(%arg8 : memref<4x32xf32, #tpu.memory_space<vmem>>)
    %dma_wait3A = arith.constant 0 : i32
    %dma_wait3A_30 = tpu.memref_slice %arg10[%dma_wait3A] : memref<512xi32, #tpu.memory_space<vmem>> -> memref<256xi32, #tpu.memory_space<vmem>>
    %dma_wait3A_31 = tpu.memref_slice %arg4[%mul3A_2] : memref<16384xi32, #tpu.memory_space<hbm>> -> memref<256xi32, #tpu.memory_space<hbm>>
    %dma_wait3A_32 = arith.constant 0 : i32
    %dma_wait3A_33 = tpu.memref_slice %arg10[%dma_wait3A_32] : memref<512xi32, #tpu.memory_space<vmem>> -> memref<256xi32, #tpu.memory_space<vmem>>
    %dma_wait3A_34 = tpu.memref_slice %arg4[%mul3A_2] : memref<16384xi32, #tpu.memory_space<hbm>> -> memref<256xi32, #tpu.memory_space<hbm>>
    tpu.wait_dma2 semaphore(%arg13 : memref<!tpu.dma_semaphore, #tpu.memory_space<semaphore_mem>>) src(%dma_wait3A_34 : memref<256xi32, #tpu.memory_space<hbm>>) dst(%dma_wait3A_33 : memref<256xi32, #tpu.memory_space<vmem>>)
    %dma_wait3A_35 = arith.constant 0 : i32
    %dma_wait3A_36 = tpu.memref_slice %arg11[%dma_wait3A_35] : memref<512xi32, #tpu.memory_space<vmem>> -> memref<256xi32, #tpu.memory_space<vmem>>
    %dma_wait3A_37 = tpu.memref_slice %arg5[%mul3A_2] : memref<16384xi32, #tpu.memory_space<hbm>> -> memref<256xi32, #tpu.memory_space<hbm>>
    %dma_wait3A_38 = arith.constant 0 : i32
    %dma_wait3A_39 = tpu.memref_slice %arg11[%dma_wait3A_38] : memref<512xi32, #tpu.memory_space<vmem>> -> memref<256xi32, #tpu.memory_space<vmem>>
    %dma_wait3A_40 = tpu.memref_slice %arg5[%mul3A_2] : memref<16384xi32, #tpu.memory_space<hbm>> -> memref<256xi32, #tpu.memory_space<hbm>>
    tpu.wait_dma2 semaphore(%arg13 : memref<!tpu.dma_semaphore, #tpu.memory_space<semaphore_mem>>) src(%dma_wait3A_40 : memref<256xi32, #tpu.memory_space<hbm>>) dst(%dma_wait3A_39 : memref<256xi32, #tpu.memory_space<vmem>>)
    "tpu.trace_stop"() : () -> ()
    %iota3A = tpu.iota {dimensions = array<i32: 0>} : vector<16xi32>
    %broadcast_in_dim3A = arith.constant 0.000000e+00 : f32
    %broadcast_in_dim3A_41 = vector.broadcast %broadcast_in_dim3A : f32 to vector<16xf32>
    %swap3A = arith.constant 0 : i32
    %swap3A_42 = arith.index_cast %swap3A : i32 to index
    %swap3A_43 = arith.constant 0 : index
    %swap3A_44 = tpu.vector_load %arg9[%swap3A_42, %swap3A_43] {strides = array<i32>} : memref<32x32xf32, #tpu.memory_space<vmem>>, vector<16xf32>,
    tpu.vector_store %arg9[%swap3A_42, %swap3A_43], %broadcast_in_dim3A_41 {strides = array<i32>} : memref<32x32xf32, #tpu.memory_space<vmem>>, vector<16xf32>,
    %swap3A_45 = arith.constant 0 : i32
    %swap3A_46 = arith.index_cast %swap3A_45 : i32 to index
    %swap3A_47 = arith.constant 16 : index
    %swap3A_48 = tpu.vector_load %arg9[%swap3A_46, %swap3A_47] {strides = array<i32>} : memref<32x32xf32, #tpu.memory_space<vmem>>, vector<16xf32>,
    tpu.vector_store %arg9[%swap3A_46, %swap3A_47], %broadcast_in_dim3A_41 {strides = array<i32>} : memref<32x32xf32, #tpu.memory_space<vmem>>, vector<16xf32>,
    %swap3A_49 = arith.constant 1 : i32
    %swap3A_50 = arith.index_cast %swap3A_49 : i32 to index
    %swap3A_51 = arith.constant 0 : index
    %swap3A_52 = tpu.vector_load %arg9[%swap3A_50, %swap3A_51] {strides = array<i32>} : memref<32x32xf32, #tpu.memory_space<vmem>>, vector<16xf32>,
    tpu.vector_store %arg9[%swap3A_50, %swap3A_51], %broadcast_in_dim3A_41 {strides = array<i32>} : memref<32x32xf32, #tpu.memory_space<vmem>>, vector<16xf32>,
    %swap3A_53 = arith.constant 1 : i32
    %swap3A_54 = arith.index_cast %swap3A_53 : i32 to index
    %swap3A_55 = arith.constant 16 : index
    %swap3A_56 = tpu.vector_load %arg9[%swap3A_54, %swap3A_55] {strides = array<i32>} : memref<32x32xf32, #tpu.memory_space<vmem>>, vector<16xf32>,
    tpu.vector_store %arg9[%swap3A_54, %swap3A_55], %broadcast_in_dim3A_41 {strides = array<i32>} : memref<32x32xf32, #tpu.memory_space<vmem>>, vector<16xf32>,
    %swap3A_57 = arith.constant 2 : i32
    %swap3A_58 = arith.index_cast %swap3A_57 : i32 to index
    %swap3A_59 = arith.constant 0 : index
    %swap3A_60 = tpu.vector_load %arg9[%swap3A_58, %swap3A_59] {strides = array<i32>} : memref<32x32xf32, #tpu.memory_space<vmem>>, vector<16xf32>,
    tpu.vector_store %arg9[%swap3A_58, %swap3A_59], %broadcast_in_dim3A_41 {strides = array<i32>} : memref<32x32xf32, #tpu.memory_space<vmem>>, vector<16xf32>,
    %swap3A_61 = arith.constant 2 : i32
    %swap3A_62 = arith.index_cast %swap3A_61 : i32 to index
    %swap3A_63 = arith.constant 16 : index
    %swap3A_64 = tpu.vector_load %arg9[%swap3A_62, %swap3A_63] {strides = array<i32>} : memref<32x32xf32, #tpu.memory_space<vmem>>, vector<16xf32>,
    tpu.vector_store %arg9[%swap3A_62, %swap3A_63], %broadcast_in_dim3A_41 {strides = array<i32>} : memref<32x32xf32, #tpu.memory_space<vmem>>, vector<16xf32>,
    %swap3A_65 = arith.constant 3 : i32
    %swap3A_66 = arith.index_cast %swap3A_65 : i32 to index
    %swap3A_67 = arith.constant 0 : index
    %swap3A_68 = tpu.vector_load %arg9[%swap3A_66, %swap3A_67] {strides = array<i32>} : memref<32x32xf32, #tpu.memory_space<vmem>>, vector<16xf32>,
    tpu.vector_store %arg9[%swap3A_66, %swap3A_67], %broadcast_in_dim3A_41 {strides = array<i32>} : memref<32x32xf32, #tpu.memory_space<vmem>>, vector<16xf32>,
    %swap3A_69 = arith.constant 3 : i32
    %swap3A_70 = arith.index_cast %swap3A_69 : i32 to index
    %swap3A_71 = arith.constant 16 : index
    %swap3A_72 = tpu.vector_load %arg9[%swap3A_70, %swap3A_71] {strides = array<i32>} : memref<32x32xf32, #tpu.memory_space<vmem>>, vector<16xf32>,
    tpu.vector_store %arg9[%swap3A_70, %swap3A_71], %broadcast_in_dim3A_41 {strides = array<i32>} : memref<32x32xf32, #tpu.memory_space<vmem>>, vector<16xf32>,
    %swap3A_73 = arith.constant 4 : i32
    %swap3A_74 = arith.index_cast %swap3A_73 : i32 to index
    %swap3A_75 = arith.constant 0 : index
    %swap3A_76 = tpu.vector_load %arg9[%swap3A_74, %swap3A_75] {strides = array<i32>} : memref<32x32xf32, #tpu.memory_space<vmem>>, vector<16xf32>,
    tpu.vector_store %arg9[%swap3A_74, %swap3A_75], %broadcast_in_dim3A_41 {strides = array<i32>} : memref<32x32xf32, #tpu.memory_space<vmem>>, vector<16xf32>,
    %swap3A_77 = arith.constant 4 : i32
    %swap3A_78 = arith.index_cast %swap3A_77 : i32 to index
    %swap3A_79 = arith.constant 16 : index
    %swap3A_80 = tpu.vector_load %arg9[%swap3A_78, %swap3A_79] {strides = array<i32>} : memref<32x32xf32, #tpu.memory_space<vmem>>, vector<16xf32>,
    tpu.vector_store %arg9[%swap3A_78, %swap3A_79], %broadcast_in_dim3A_41 {strides = array<i32>} : memref<32x32xf32, #tpu.memory_space<vmem>>, vector<16xf32>,
    %swap3A_81 = arith.constant 5 : i32
    %swap3A_82 = arith.index_cast %swap3A_81 : i32 to index
    %swap3A_83 = arith.constant 0 : index
    %swap3A_84 = tpu.vector_load %arg9[%swap3A_82, %swap3A_83] {strides = array<i32>} : memref<32x32xf32, #tpu.memory_space<vmem>>, vector<16xf32>,
    tpu.vector_store %arg9[%swap3A_82, %swap3A_83], %broadcast_in_dim3A_41 {strides = array<i32>} : memref<32x32xf32, #tpu.memory_space<vmem>>, vector<16xf32>,
    %swap3A_85 = arith.constant 5 : i32
    %swap3A_86 = arith.index_cast %swap3A_85 : i32 to index
    %swap3A_87 = arith.constant 16 : index
    %swap3A_88 = tpu.vector_load %arg9[%swap3A_86, %swap3A_87] {strides = array<i32>} : memref<32x32xf32, #tpu.memory_space<vmem>>, vector<16xf32>,
    tpu.vector_store %arg9[%swap3A_86, %swap3A_87], %broadcast_in_dim3A_41 {strides = array<i32>} : memref<32x32xf32, #tpu.memory_space<vmem>>, vector<16xf32>,
    %swap3A_89 = arith.constant 6 : i32
    %swap3A_90 = arith.index_cast %swap3A_89 : i32 to index
    %swap3A_91 = arith.constant 0 : index
    %swap3A_92 = tpu.vector_load %arg9[%swap3A_90, %swap3A_91] {strides = array<i32>} : memref<32x32xf32, #tpu.memory_space<vmem>>, vector<16xf32>,
    tpu.vector_store %arg9[%swap3A_90, %swap3A_91], %broadcast_in_dim3A_41 {strides = array<i32>} : memref<32x32xf32, #tpu.memory_space<vmem>>, vector<16xf32>,
    %swap3A_93 = arith.constant 6 : i32
    %swap3A_94 = arith.index_cast %swap3A_93 : i32 to index
    %swap3A_95 = arith.constant 16 : index
    %swap3A_96 = tpu.vector_load %arg9[%swap3A_94, %swap3A_95] {strides = array<i32>} : memref<32x32xf32, #tpu.memory_space<vmem>>, vector<16xf32>,
    tpu.vector_store %arg9[%swap3A_94, %swap3A_95], %broadcast_in_dim3A_41 {strides = array<i32>} : memref<32x32xf32, #tpu.memory_space<vmem>>, vector<16xf32>,
    %swap3A_97 = arith.constant 7 : i32
    %swap3A_98 = arith.index_cast %swap3A_97 : i32 to index
    %swap3A_99 = arith.constant 0 : index
    %swap3A_100 = tpu.vector_load %arg9[%swap3A_98, %swap3A_99] {strides = array<i32>} : memref<32x32xf32, #tpu.memory_space<vmem>>, vector<16xf32>,
    tpu.vector_store %arg9[%swap3A_98, %swap3A_99], %broadcast_in_dim3A_41 {strides = array<i32>} : memref<32x32xf32, #tpu.memory_space<vmem>>, vector<16xf32>,
    %swap3A_101 = arith.constant 7 : i32
    %swap3A_102 = arith.index_cast %swap3A_101 : i32 to index
    %swap3A_103 = arith.constant 16 : index
    %swap3A_104 = tpu.vector_load %arg9[%swap3A_102, %swap3A_103] {strides = array<i32>} : memref<32x32xf32, #tpu.memory_space<vmem>>, vector<16xf32>,
    tpu.vector_store %arg9[%swap3A_102, %swap3A_103], %broadcast_in_dim3A_41 {strides = array<i32>} : memref<32x32xf32, #tpu.memory_space<vmem>>, vector<16xf32>,
    %swap3A_105 = arith.constant 8 : i32
    %swap3A_106 = arith.index_cast %swap3A_105 : i32 to index
    %swap3A_107 = arith.constant 0 : index
    %swap3A_108 = tpu.vector_load %arg9[%swap3A_106, %swap3A_107] {strides = array<i32>} : memref<32x32xf32, #tpu.memory_space<vmem>>, vector<16xf32>,
    tpu.vector_store %arg9[%swap3A_106, %swap3A_107], %broadcast_in_dim3A_41 {strides = array<i32>} : memref<32x32xf32, #tpu.memory_space<vmem>>, vector<16xf32>,
    %swap3A_109 = arith.constant 8 : i32
    %swap3A_110 = arith.index_cast %swap3A_109 : i32 to index
    %swap3A_111 = arith.constant 16 : index
    %swap3A_112 = tpu.vector_load %arg9[%swap3A_110, %swap3A_111] {strides = array<i32>} : memref<32x32xf32, #tpu.memory_space<vmem>>, vector<16xf32>,
    tpu.vector_store %arg9[%swap3A_110, %swap3A_111], %broadcast_in_dim3A_41 {strides = array<i32>} : memref<32x32xf32, #tpu.memory_space<vmem>>, vector<16xf32>,
    %swap3A_113 = arith.constant 9 : i32
    %swap3A_114 = arith.index_cast %swap3A_113 : i32 to index
    %swap3A_115 = arith.constant 0 : index
    %swap3A_116 = tpu.vector_load %arg9[%swap3A_114, %swap3A_115] {strides = array<i32>} : memref<32x32xf32, #tpu.memory_space<vmem>>, vector<16xf32>,
    tpu.vector_store %arg9[%swap3A_114, %swap3A_115], %broadcast_in_dim3A_41 {strides = array<i32>} : memref<32x32xf32, #tpu.memory_space<vmem>>, vector<16xf32>,
    %swap3A_117 = arith.constant 9 : i32
    %swap3A_118 = arith.index_cast %swap3A_117 : i32 to index
    %swap3A_119 = arith.constant 16 : index
    %swap3A_120 = tpu.vector_load %arg9[%swap3A_118, %swap3A_119] {strides = array<i32>} : memref<32x32xf32, #tpu.memory_space<vmem>>, vector<16xf32>,
    tpu.vector_store %arg9[%swap3A_118, %swap3A_119], %broadcast_in_dim3A_41 {strides = array<i32>} : memref<32x32xf32, #tpu.memory_space<vmem>>, vector<16xf32>,
    %swap3A_121 = arith.constant 10 : i32
    %swap3A_122 = arith.index_cast %swap3A_121 : i32 to index
    %swap3A_123 = arith.constant 0 : index
    %swap3A_124 = tpu.vector_load %arg9[%swap3A_122, %swap3A_123] {strides = array<i32>} : memref<32x32xf32, #tpu.memory_space<vmem>>, vector<16xf32>,
    tpu.vector_store %arg9[%swap3A_122, %swap3A_123], %broadcast_in_dim3A_41 {strides = array<i32>} : memref<32x32xf32, #tpu.memory_space<vmem>>, vector<16xf32>,
    %swap3A_125 = arith.constant 10 : i32
    %swap3A_126 = arith.index_cast %swap3A_125 : i32 to index
    %swap3A_127 = arith.constant 16 : index
    %swap3A_128 = tpu.vector_load %arg9[%swap3A_126, %swap3A_127] {strides = array<i32>} : memref<32x32xf32, #tpu.memory_space<vmem>>, vector<16xf32>,
    tpu.vector_store %arg9[%swap3A_126, %swap3A_127], %broadcast_in_dim3A_41 {strides = array<i32>} : memref<32x32xf32, #tpu.memory_space<vmem>>, vector<16xf32>,
    %swap3A_129 = arith.constant 11 : i32
    %swap3A_130 = arith.index_cast %swap3A_129 : i32 to index
    %swap3A_131 = arith.constant 0 : index
    %swap3A_132 = tpu.vector_load %arg9[%swap3A_130, %swap3A_131] {strides = array<i32>} : memref<32x32xf32, #tpu.memory_space<vmem>>, vector<16xf32>,
    tpu.vector_store %arg9[%swap3A_130, %swap3A_131], %broadcast_in_dim3A_41 {strides = array<i32>} : memref<32x32xf32, #tpu.memory_space<vmem>>, vector<16xf32>,
    %swap3A_133 = arith.constant 11 : i32
    %swap3A_134 = arith.index_cast %swap3A_133 : i32 to index
    %swap3A_135 = arith.constant 16 : index
    %swap3A_136 = tpu.vector_load %arg9[%swap3A_134, %swap3A_135] {strides = array<i32>} : memref<32x32xf32, #tpu.memory_space<vmem>>, vector<16xf32>,
    tpu.vector_store %arg9[%swap3A_134, %swap3A_135], %broadcast_in_dim3A_41 {strides = array<i32>} : memref<32x32xf32, #tpu.memory_space<vmem>>, vector<16xf32>,
    %swap3A_137 = arith.constant 12 : i32
    %swap3A_138 = arith.index_cast %swap3A_137 : i32 to index
    %swap3A_139 = arith.constant 0 : index
    %swap3A_140 = tpu.vector_load %arg9[%swap3A_138, %swap3A_139] {strides = array<i32>} : memref<32x32xf32, #tpu.memory_space<vmem>>, vector<16xf32>,
    tpu.vector_store %arg9[%swap3A_138, %swap3A_139], %broadcast_in_dim3A_41 {strides = array<i32>} : memref<32x32xf32, #tpu.memory_space<vmem>>, vector<16xf32>,
    %swap3A_141 = arith.constant 12 : i32
    %swap3A_142 = arith.index_cast %swap3A_141 : i32 to index
    %swap3A_143 = arith.constant 16 : index
    %swap3A_144 = tpu.vector_load %arg9[%swap3A_142, %swap3A_143] {strides = array<i32>} : memref<32x32xf32, #tpu.memory_space<vmem>>, vector<16xf32>,
    tpu.vector_store %arg9[%swap3A_142, %swap3A_143], %broadcast_in_dim3A_41 {strides = array<i32>} : memref<32x32xf32, #tpu.memory_space<vmem>>, vector<16xf32>,
    %swap3A_145 = arith.constant 13 : i32
    %swap3A_146 = arith.index_cast %swap3A_145 : i32 to index
    %swap3A_147 = arith.constant 0 : index
    %swap3A_148 = tpu.vector_load %arg9[%swap3A_146, %swap3A_147] {strides = array<i32>} : memref<32x32xf32, #tpu.memory_space<vmem>>, vector<16xf32>,
    tpu.vector_store %arg9[%swap3A_146, %swap3A_147], %broadcast_in_dim3A_41 {strides = array<i32>} : memref<32x32xf32, #tpu.memory_space<vmem>>, vector<16xf32>,
    %swap3A_149 = arith.constant 13 : i32
    %swap3A_150 = arith.index_cast %swap3A_149 : i32 to index
    %swap3A_151 = arith.constant 16 : index
    %swap3A_152 = tpu.vector_load %arg9[%swap3A_150, %swap3A_151] {strides = array<i32>} : memref<32x32xf32, #tpu.memory_space<vmem>>, vector<16xf32>,
    tpu.vector_store %arg9[%swap3A_150, %swap3A_151], %broadcast_in_dim3A_41 {strides = array<i32>} : memref<32x32xf32, #tpu.memory_space<vmem>>, vector<16xf32>,
    %swap3A_153 = arith.constant 14 : i32
    %swap3A_154 = arith.index_cast %swap3A_153 : i32 to index
    %swap3A_155 = arith.constant 0 : index
    %swap3A_156 = tpu.vector_load %arg9[%swap3A_154, %swap3A_155] {strides = array<i32>} : memref<32x32xf32, #tpu.memory_space<vmem>>, vector<16xf32>,
    tpu.vector_store %arg9[%swap3A_154, %swap3A_155], %broadcast_in_dim3A_41 {strides = array<i32>} : memref<32x32xf32, #tpu.memory_space<vmem>>, vector<16xf32>,
    %swap3A_157 = arith.constant 14 : i32
    %swap3A_158 = arith.index_cast %swap3A_157 : i32 to index
    %swap3A_159 = arith.constant 16 : index
    %swap3A_160 = tpu.vector_load %arg9[%swap3A_158, %swap3A_159] {strides = array<i32>} : memref<32x32xf32, #tpu.memory_space<vmem>>, vector<16xf32>,
    tpu.vector_store %arg9[%swap3A_158, %swap3A_159], %broadcast_in_dim3A_41 {strides = array<i32>} : memref<32x32xf32, #tpu.memory_space<vmem>>, vector<16xf32>,
    %swap3A_161 = arith.constant 15 : i32
    %swap3A_162 = arith.index_cast %swap3A_161 : i32 to index
    %swap3A_163 = arith.constant 0 : index
    %swap3A_164 = tpu.vector_load %arg9[%swap3A_162, %swap3A_163] {strides = array<i32>} : memref<32x32xf32, #tpu.memory_space<vmem>>, vector<16xf32>,
    tpu.vector_store %arg9[%swap3A_162, %swap3A_163], %broadcast_in_dim3A_41 {strides = array<i32>} : memref<32x32xf32, #tpu.memory_space<vmem>>, vector<16xf32>,
    %swap3A_165 = arith.constant 15 : i32
    %swap3A_166 = arith.index_cast %swap3A_165 : i32 to index
    %swap3A_167 = arith.constant 16 : index
    %swap3A_168 = tpu.vector_load %arg9[%swap3A_166, %swap3A_167] {strides = array<i32>} : memref<32x32xf32, #tpu.memory_space<vmem>>, vector<16xf32>,
    tpu.vector_store %arg9[%swap3A_166, %swap3A_167], %broadcast_in_dim3A_41 {strides = array<i32>} : memref<32x32xf32, #tpu.memory_space<vmem>>, vector<16xf32>,
    %swap3A_169 = arith.constant 16 : i32
    %swap3A_170 = arith.index_cast %swap3A_169 : i32 to index
    %swap3A_171 = arith.constant 0 : index
    %swap3A_172 = tpu.vector_load %arg9[%swap3A_170, %swap3A_171] {strides = array<i32>} : memref<32x32xf32, #tpu.memory_space<vmem>>, vector<16xf32>,
    tpu.vector_store %arg9[%swap3A_170, %swap3A_171], %broadcast_in_dim3A_41 {strides = array<i32>} : memref<32x32xf32, #tpu.memory_space<vmem>>, vector<16xf32>,
    %swap3A_173 = arith.constant 16 : i32
    %swap3A_174 = arith.index_cast %swap3A_173 : i32 to index
    %swap3A_175 = arith.constant 16 : index
    %swap3A_176 = tpu.vector_load %arg9[%swap3A_174, %swap3A_175] {strides = array<i32>} : memref<32x32xf32, #tpu.memory_space<vmem>>, vector<16xf32>,
    tpu.vector_store %arg9[%swap3A_174, %swap3A_175], %broadcast_in_dim3A_41 {strides = array<i32>} : memref<32x32xf32, #tpu.memory_space<vmem>>, vector<16xf32>,
    %swap3A_177 = arith.constant 17 : i32
    %swap3A_178 = arith.index_cast %swap3A_177 : i32 to index
    %swap3A_179 = arith.constant 0 : index
    %swap3A_180 = tpu.vector_load %arg9[%swap3A_178, %swap3A_179] {strides = array<i32>} : memref<32x32xf32, #tpu.memory_space<vmem>>, vector<16xf32>,
    tpu.vector_store %arg9[%swap3A_178, %swap3A_179], %broadcast_in_dim3A_41 {strides = array<i32>} : memref<32x32xf32, #tpu.memory_space<vmem>>, vector<16xf32>,
    %swap3A_181 = arith.constant 17 : i32
    %swap3A_182 = arith.index_cast %swap3A_181 : i32 to index
    %swap3A_183 = arith.constant 16 : index
    %swap3A_184 = tpu.vector_load %arg9[%swap3A_182, %swap3A_183] {strides = array<i32>} : memref<32x32xf32, #tpu.memory_space<vmem>>, vector<16xf32>,
    tpu.vector_store %arg9[%swap3A_182, %swap3A_183], %broadcast_in_dim3A_41 {strides = array<i32>} : memref<32x32xf32, #tpu.memory_space<vmem>>, vector<16xf32>,
    %swap3A_185 = arith.constant 18 : i32
    %swap3A_186 = arith.index_cast %swap3A_185 : i32 to index
    %swap3A_187 = arith.constant 0 : index
    %swap3A_188 = tpu.vector_load %arg9[%swap3A_186, %swap3A_187] {strides = array<i32>} : memref<32x32xf32, #tpu.memory_space<vmem>>, vector<16xf32>,
    tpu.vector_store %arg9[%swap3A_186, %swap3A_187], %broadcast_in_dim3A_41 {strides = array<i32>} : memref<32x32xf32, #tpu.memory_space<vmem>>, vector<16xf32>,
    %swap3A_189 = arith.constant 18 : i32
    %swap3A_190 = arith.index_cast %swap3A_189 : i32 to index
    %swap3A_191 = arith.constant 16 : index
    %swap3A_192 = tpu.vector_load %arg9[%swap3A_190, %swap3A_191] {strides = array<i32>} : memref<32x32xf32, #tpu.memory_space<vmem>>, vector<16xf32>,
    tpu.vector_store %arg9[%swap3A_190, %swap3A_191], %broadcast_in_dim3A_41 {strides = array<i32>} : memref<32x32xf32, #tpu.memory_space<vmem>>, vector<16xf32>,
    %swap3A_193 = arith.constant 19 : i32
    %swap3A_194 = arith.index_cast %swap3A_193 : i32 to index
    %swap3A_195 = arith.constant 0 : index
    %swap3A_196 = tpu.vector_load %arg9[%swap3A_194, %swap3A_195] {strides = array<i32>} : memref<32x32xf32, #tpu.memory_space<vmem>>, vector<16xf32>,
    tpu.vector_store %arg9[%swap3A_194, %swap3A_195], %broadcast_in_dim3A_41 {strides = array<i32>} : memref<32x32xf32, #tpu.memory_space<vmem>>, vector<16xf32>,
    %swap3A_197 = arith.constant 19 : i32
    %swap3A_198 = arith.index_cast %swap3A_197 : i32 to index
    %swap3A_199 = arith.constant 16 : index
    %swap3A_200 = tpu.vector_load %arg9[%swap3A_198, %swap3A_199] {strides = array<i32>} : memref<32x32xf32, #tpu.memory_space<vmem>>, vector<16xf32>,
    tpu.vector_store %arg9[%swap3A_198, %swap3A_199], %broadcast_in_dim3A_41 {strides = array<i32>} : memref<32x32xf32, #tpu.memory_space<vmem>>, vector<16xf32>,
    %swap3A_201 = arith.constant 20 : i32
    %swap3A_202 = arith.index_cast %swap3A_201 : i32 to index
    %swap3A_203 = arith.constant 0 : index
    %swap3A_204 = tpu.vector_load %arg9[%swap3A_202, %swap3A_203] {strides = array<i32>} : memref<32x32xf32, #tpu.memory_space<vmem>>, vector<16xf32>,
    tpu.vector_store %arg9[%swap3A_202, %swap3A_203], %broadcast_in_dim3A_41 {strides = array<i32>} : memref<32x32xf32, #tpu.memory_space<vmem>>, vector<16xf32>,
    %swap3A_205 = arith.constant 20 : i32
    %swap3A_206 = arith.index_cast %swap3A_205 : i32 to index
    %swap3A_207 = arith.constant 16 : index
    %swap3A_208 = tpu.vector_load %arg9[%swap3A_206, %swap3A_207] {strides = array<i32>} : memref<32x32xf32, #tpu.memory_space<vmem>>, vector<16xf32>,
    tpu.vector_store %arg9[%swap3A_206, %swap3A_207], %broadcast_in_dim3A_41 {strides = array<i32>} : memref<32x32xf32, #tpu.memory_space<vmem>>, vector<16xf32>,
    %swap3A_209 = arith.constant 21 : i32
    %swap3A_210 = arith.index_cast %swap3A_209 : i32 to index
    %swap3A_211 = arith.constant 0 : index
    %swap3A_212 = tpu.vector_load %arg9[%swap3A_210, %swap3A_211] {strides = array<i32>} : memref<32x32xf32, #tpu.memory_space<vmem>>, vector<16xf32>,
    tpu.vector_store %arg9[%swap3A_210, %swap3A_211], %broadcast_in_dim3A_41 {strides = array<i32>} : memref<32x32xf32, #tpu.memory_space<vmem>>, vector<16xf32>,
    %swap3A_213 = arith.constant 21 : i32
    %swap3A_214 = arith.index_cast %swap3A_213 : i32 to index
    %swap3A_215 = arith.constant 16 : index
    %swap3A_216 = tpu.vector_load %arg9[%swap3A_214, %swap3A_215] {strides = array<i32>} : memref<32x32xf32, #tpu.memory_space<vmem>>, vector<16xf32>,
    tpu.vector_store %arg9[%swap3A_214, %swap3A_215], %broadcast_in_dim3A_41 {strides = array<i32>} : memref<32x32xf32, #tpu.memory_space<vmem>>, vector<16xf32>,
    %swap3A_217 = arith.constant 22 : i32
    %swap3A_218 = arith.index_cast %swap3A_217 : i32 to index
    %swap3A_219 = arith.constant 0 : index
    %swap3A_220 = tpu.vector_load %arg9[%swap3A_218, %swap3A_219] {strides = array<i32>} : memref<32x32xf32, #tpu.memory_space<vmem>>, vector<16xf32>,
    tpu.vector_store %arg9[%swap3A_218, %swap3A_219], %broadcast_in_dim3A_41 {strides = array<i32>} : memref<32x32xf32, #tpu.memory_space<vmem>>, vector<16xf32>,
    %swap3A_221 = arith.constant 22 : i32
    %swap3A_222 = arith.index_cast %swap3A_221 : i32 to index
    %swap3A_223 = arith.constant 16 : index
    %swap3A_224 = tpu.vector_load %arg9[%swap3A_222, %swap3A_223] {strides = array<i32>} : memref<32x32xf32, #tpu.memory_space<vmem>>, vector<16xf32>,
    tpu.vector_store %arg9[%swap3A_222, %swap3A_223], %broadcast_in_dim3A_41 {strides = array<i32>} : memref<32x32xf32, #tpu.memory_space<vmem>>, vector<16xf32>,
    %swap3A_225 = arith.constant 23 : i32
    %swap3A_226 = arith.index_cast %swap3A_225 : i32 to index
    %swap3A_227 = arith.constant 0 : index
    %swap3A_228 = tpu.vector_load %arg9[%swap3A_226, %swap3A_227] {strides = array<i32>} : memref<32x32xf32, #tpu.memory_space<vmem>>, vector<16xf32>,
    tpu.vector_store %arg9[%swap3A_226, %swap3A_227], %broadcast_in_dim3A_41 {strides = array<i32>} : memref<32x32xf32, #tpu.memory_space<vmem>>, vector<16xf32>,
    %swap3A_229 = arith.constant 23 : i32
    %swap3A_230 = arith.index_cast %swap3A_229 : i32 to index
    %swap3A_231 = arith.constant 16 : index
    %swap3A_232 = tpu.vector_load %arg9[%swap3A_230, %swap3A_231] {strides = array<i32>} : memref<32x32xf32, #tpu.memory_space<vmem>>, vector<16xf32>,
    tpu.vector_store %arg9[%swap3A_230, %swap3A_231], %broadcast_in_dim3A_41 {strides = array<i32>} : memref<32x32xf32, #tpu.memory_space<vmem>>, vector<16xf32>,
    %swap3A_233 = arith.constant 24 : i32
    %swap3A_234 = arith.index_cast %swap3A_233 : i32 to index
    %swap3A_235 = arith.constant 0 : index
    %swap3A_236 = tpu.vector_load %arg9[%swap3A_234, %swap3A_235] {strides = array<i32>} : memref<32x32xf32, #tpu.memory_space<vmem>>, vector<16xf32>,
    tpu.vector_store %arg9[%swap3A_234, %swap3A_235], %broadcast_in_dim3A_41 {strides = array<i32>} : memref<32x32xf32, #tpu.memory_space<vmem>>, vector<16xf32>,
    %swap3A_237 = arith.constant 24 : i32
    %swap3A_238 = arith.index_cast %swap3A_237 : i32 to index
    %swap3A_239 = arith.constant 16 : index
    %swap3A_240 = tpu.vector_load %arg9[%swap3A_238, %swap3A_239] {strides = array<i32>} : memref<32x32xf32, #tpu.memory_space<vmem>>, vector<16xf32>,
    tpu.vector_store %arg9[%swap3A_238, %swap3A_239], %broadcast_in_dim3A_41 {strides = array<i32>} : memref<32x32xf32, #tpu.memory_space<vmem>>, vector<16xf32>,
    %swap3A_241 = arith.constant 25 : i32
    %swap3A_242 = arith.index_cast %swap3A_241 : i32 to index
    %swap3A_243 = arith.constant 0 : index
    %swap3A_244 = tpu.vector_load %arg9[%swap3A_242, %swap3A_243] {strides = array<i32>} : memref<32x32xf32, #tpu.memory_space<vmem>>, vector<16xf32>,
    tpu.vector_store %arg9[%swap3A_242, %swap3A_243], %broadcast_in_dim3A_41 {strides = array<i32>} : memref<32x32xf32, #tpu.memory_space<vmem>>, vector<16xf32>,
    %swap3A_245 = arith.constant 25 : i32
    %swap3A_246 = arith.index_cast %swap3A_245 : i32 to index
    %swap3A_247 = arith.constant 16 : index
    %swap3A_248 = tpu.vector_load %arg9[%swap3A_246, %swap3A_247] {strides = array<i32>} : memref<32x32xf32, #tpu.memory_space<vmem>>, vector<16xf32>,
    tpu.vector_store %arg9[%swap3A_246, %swap3A_247], %broadcast_in_dim3A_41 {strides = array<i32>} : memref<32x32xf32, #tpu.memory_space<vmem>>, vector<16xf32>,
    %swap3A_249 = arith.constant 26 : i32
    %swap3A_250 = arith.index_cast %swap3A_249 : i32 to index
    %swap3A_251 = arith.constant 0 : index
    %swap3A_252 = tpu.vector_load %arg9[%swap3A_250, %swap3A_251] {strides = array<i32>} : memref<32x32xf32, #tpu.memory_space<vmem>>, vector<16xf32>,
    tpu.vector_store %arg9[%swap3A_250, %swap3A_251], %broadcast_in_dim3A_41 {strides = array<i32>} : memref<32x32xf32, #tpu.memory_space<vmem>>, vector<16xf32>,
    %swap3A_253 = arith.constant 26 : i32
    %swap3A_254 = arith.index_cast %swap3A_253 : i32 to index
    %swap3A_255 = arith.constant 16 : index
    %swap3A_256 = tpu.vector_load %arg9[%swap3A_254, %swap3A_255] {strides = array<i32>} : memref<32x32xf32, #tpu.memory_space<vmem>>, vector<16xf32>,
    tpu.vector_store %arg9[%swap3A_254, %swap3A_255], %broadcast_in_dim3A_41 {strides = array<i32>} : memref<32x32xf32, #tpu.memory_space<vmem>>, vector<16xf32>,
    %swap3A_257 = arith.constant 27 : i32
    %swap3A_258 = arith.index_cast %swap3A_257 : i32 to index
    %swap3A_259 = arith.constant 0 : index
    %swap3A_260 = tpu.vector_load %arg9[%swap3A_258, %swap3A_259] {strides = array<i32>} : memref<32x32xf32, #tpu.memory_space<vmem>>, vector<16xf32>,
    tpu.vector_store %arg9[%swap3A_258, %swap3A_259], %broadcast_in_dim3A_41 {strides = array<i32>} : memref<32x32xf32, #tpu.memory_space<vmem>>, vector<16xf32>,
    %swap3A_261 = arith.constant 27 : i32
    %swap3A_262 = arith.index_cast %swap3A_261 : i32 to index
    %swap3A_263 = arith.constant 16 : index
    %swap3A_264 = tpu.vector_load %arg9[%swap3A_262, %swap3A_263] {strides = array<i32>} : memref<32x32xf32, #tpu.memory_space<vmem>>, vector<16xf32>,
    tpu.vector_store %arg9[%swap3A_262, %swap3A_263], %broadcast_in_dim3A_41 {strides = array<i32>} : memref<32x32xf32, #tpu.memory_space<vmem>>, vector<16xf32>,
    %swap3A_265 = arith.constant 28 : i32
    %swap3A_266 = arith.index_cast %swap3A_265 : i32 to index
    %swap3A_267 = arith.constant 0 : index
    %swap3A_268 = tpu.vector_load %arg9[%swap3A_266, %swap3A_267] {strides = array<i32>} : memref<32x32xf32, #tpu.memory_space<vmem>>, vector<16xf32>,
    tpu.vector_store %arg9[%swap3A_266, %swap3A_267], %broadcast_in_dim3A_41 {strides = array<i32>} : memref<32x32xf32, #tpu.memory_space<vmem>>, vector<16xf32>,
    %swap3A_269 = arith.constant 28 : i32
    %swap3A_270 = arith.index_cast %swap3A_269 : i32 to index
    %swap3A_271 = arith.constant 16 : index
    %swap3A_272 = tpu.vector_load %arg9[%swap3A_270, %swap3A_271] {strides = array<i32>} : memref<32x32xf32, #tpu.memory_space<vmem>>, vector<16xf32>,
    tpu.vector_store %arg9[%swap3A_270, %swap3A_271], %broadcast_in_dim3A_41 {strides = array<i32>} : memref<32x32xf32, #tpu.memory_space<vmem>>, vector<16xf32>,
    %swap3A_273 = arith.constant 29 : i32
    %swap3A_274 = arith.index_cast %swap3A_273 : i32 to index
    %swap3A_275 = arith.constant 0 : index
    %swap3A_276 = tpu.vector_load %arg9[%swap3A_274, %swap3A_275] {strides = array<i32>} : memref<32x32xf32, #tpu.memory_space<vmem>>, vector<16xf32>,
    tpu.vector_store %arg9[%swap3A_274, %swap3A_275], %broadcast_in_dim3A_41 {strides = array<i32>} : memref<32x32xf32, #tpu.memory_space<vmem>>, vector<16xf32>,
    %swap3A_277 = arith.constant 29 : i32
    %swap3A_278 = arith.index_cast %swap3A_277 : i32 to index
    %swap3A_279 = arith.constant 16 : index
    %swap3A_280 = tpu.vector_load %arg9[%swap3A_278, %swap3A_279] {strides = array<i32>} : memref<32x32xf32, #tpu.memory_space<vmem>>, vector<16xf32>,
    tpu.vector_store %arg9[%swap3A_278, %swap3A_279], %broadcast_in_dim3A_41 {strides = array<i32>} : memref<32x32xf32, #tpu.memory_space<vmem>>, vector<16xf32>,
    %swap3A_281 = arith.constant 30 : i32
    %swap3A_282 = arith.index_cast %swap3A_281 : i32 to index
    %swap3A_283 = arith.constant 0 : index
    %swap3A_284 = tpu.vector_load %arg9[%swap3A_282, %swap3A_283] {strides = array<i32>} : memref<32x32xf32, #tpu.memory_space<vmem>>, vector<16xf32>,
    tpu.vector_store %arg9[%swap3A_282, %swap3A_283], %broadcast_in_dim3A_41 {strides = array<i32>} : memref<32x32xf32, #tpu.memory_space<vmem>>, vector<16xf32>,
    %swap3A_285 = arith.constant 30 : i32
    %swap3A_286 = arith.index_cast %swap3A_285 : i32 to index
    %swap3A_287 = arith.constant 16 : index
    %swap3A_288 = tpu.vector_load %arg9[%swap3A_286, %swap3A_287] {strides = array<i32>} : memref<32x32xf32, #tpu.memory_space<vmem>>, vector<16xf32>,
    tpu.vector_store %arg9[%swap3A_286, %swap3A_287], %broadcast_in_dim3A_41 {strides = array<i32>} : memref<32x32xf32, #tpu.memory_space<vmem>>, vector<16xf32>,
    %swap3A_289 = arith.constant 31 : i32
    %swap3A_290 = arith.index_cast %swap3A_289 : i32 to index
    %swap3A_291 = arith.constant 0 : index
    %swap3A_292 = tpu.vector_load %arg9[%swap3A_290, %swap3A_291] {strides = array<i32>} : memref<32x32xf32, #tpu.memory_space<vmem>>, vector<16xf32>,
    tpu.vector_store %arg9[%swap3A_290, %swap3A_291], %broadcast_in_dim3A_41 {strides = array<i32>} : memref<32x32xf32, #tpu.memory_space<vmem>>, vector<16xf32>,
    %swap3A_293 = arith.constant 31 : i32
    %swap3A_294 = arith.index_cast %swap3A_293 : i32 to index
    %swap3A_295 = arith.constant 16 : index
    %swap3A_296 = tpu.vector_load %arg9[%swap3A_294, %swap3A_295] {strides = array<i32>} : memref<32x32xf32, #tpu.memory_space<vmem>>, vector<16xf32>,
    tpu.vector_store %arg9[%swap3A_294, %swap3A_295], %broadcast_in_dim3A_41 {strides = array<i32>} : memref<32x32xf32, #tpu.memory_space<vmem>>, vector<16xf32>,
    %get3A = arith.constant 0 : i32
    %get3A_297 = arith.index_cast %get3A : i32 to index
    %get3A_298 = arith.constant 0 : index
    %get3A_299 = tpu.vector_load %arg8[%get3A_297, %get3A_298] {strides = array<i32>} : memref<4x32xf32, #tpu.memory_space<vmem>>, vector<16xf32>,
    %add3A_300 = arith.constant 0 : i32
    %add3A_301 = vector.broadcast %add3A_300 : i32 to vector<16xi32>
    %add3A_302 = arith.addi %add3A_301, %iota3A : vector<16xi32>
    %broadcast_in_dim3A_303 = arith.constant 0 : i32
    %broadcast_in_dim3A_304 = vector.broadcast %broadcast_in_dim3A_303 : i32 to vector<16xi32>
    tpu.vector_store_idx %arg9[%add3A_302, %broadcast_in_dim3A_304], %get3A_299 : memref<32x32xf32, #tpu.memory_space<vmem>>[vector<16xi32>, vector<16xi32>], vector<16xf32>,
    %add3A_305 = arith.constant 0 : i32
    %add3A_306 = vector.broadcast %add3A_305 : i32 to vector<16xi32>
    %add3A_307 = arith.addi %add3A_306, %iota3A : vector<16xi32>
    %broadcast_in_dim3A_308 = arith.constant 8 : i32
    %broadcast_in_dim3A_309 = vector.broadcast %broadcast_in_dim3A_308 : i32 to vector<16xi32>
    tpu.vector_store_idx %arg9[%add3A_307, %broadcast_in_dim3A_309], %get3A_299 : memref<32x32xf32, #tpu.memory_space<vmem>>[vector<16xi32>, vector<16xi32>], vector<16xf32>,
    %add3A_310 = arith.constant 0 : i32
    %add3A_311 = vector.broadcast %add3A_310 : i32 to vector<16xi32>
    %add3A_312 = arith.addi %add3A_311, %iota3A : vector<16xi32>
    %broadcast_in_dim3A_313 = arith.constant 16 : i32
    %broadcast_in_dim3A_314 = vector.broadcast %broadcast_in_dim3A_313 : i32 to vector<16xi32>
    tpu.vector_store_idx %arg9[%add3A_312, %broadcast_in_dim3A_314], %get3A_299 : memref<32x32xf32, #tpu.memory_space<vmem>>[vector<16xi32>, vector<16xi32>], vector<16xf32>,
    %add3A_315 = arith.constant 0 : i32
    %add3A_316 = vector.broadcast %add3A_315 : i32 to vector<16xi32>
    %add3A_317 = arith.addi %add3A_316, %iota3A : vector<16xi32>
    %broadcast_in_dim3A_318 = arith.constant 24 : i32
    %broadcast_in_dim3A_319 = vector.broadcast %broadcast_in_dim3A_318 : i32 to vector<16xi32>
    tpu.vector_store_idx %arg9[%add3A_317, %broadcast_in_dim3A_319], %get3A_299 : memref<32x32xf32, #tpu.memory_space<vmem>>[vector<16xi32>, vector<16xi32>], vector<16xf32>,
    %get3A_320 = arith.constant 0 : i32
    %get3A_321 = arith.index_cast %get3A_320 : i32 to index
    %get3A_322 = arith.constant 16 : index
    %get3A_323 = tpu.vector_load %arg8[%get3A_321, %get3A_322] {strides = array<i32>} : memref<4x32xf32, #tpu.memory_space<vmem>>, vector<16xf32>,
    %add3A_324 = arith.constant 16 : i32
    %add3A_325 = vector.broadcast %add3A_324 : i32 to vector<16xi32>
    %add3A_326 = arith.addi %add3A_325, %iota3A : vector<16xi32>
    %broadcast_in_dim3A_327 = arith.constant 0 : i32
    %broadcast_in_dim3A_328 = vector.broadcast %broadcast_in_dim3A_327 : i32 to vector<16xi32>
    tpu.vector_store_idx %arg9[%add3A_326, %broadcast_in_dim3A_328], %get3A_323 : memref<32x32xf32, #tpu.memory_space<vmem>>[vector<16xi32>, vector<16xi32>], vector<16xf32>,
    %add3A_329 = arith.constant 16 : i32
    %add3A_330 = vector.broadcast %add3A_329 : i32 to vector<16xi32>
    %add3A_331 = arith.addi %add3A_330, %iota3A : vector<16xi32>
    %broadcast_in_dim3A_332 = arith.constant 8 : i32
    %broadcast_in_dim3A_333 = vector.broadcast %broadcast_in_dim3A_332 : i32 to vector<16xi32>
    tpu.vector_store_idx %arg9[%add3A_331, %broadcast_in_dim3A_333], %get3A_323 : memref<32x32xf32, #tpu.memory_space<vmem>>[vector<16xi32>, vector<16xi32>], vector<16xf32>,
    %add3A_334 = arith.constant 16 : i32
    %add3A_335 = vector.broadcast %add3A_334 : i32 to vector<16xi32>
    %add3A_336 = arith.addi %add3A_335, %iota3A : vector<16xi32>
    %broadcast_in_dim3A_337 = arith.constant 16 : i32
    %broadcast_in_dim3A_338 = vector.broadcast %broadcast_in_dim3A_337 : i32 to vector<16xi32>
    tpu.vector_store_idx %arg9[%add3A_336, %broadcast_in_dim3A_338], %get3A_323 : memref<32x32xf32, #tpu.memory_space<vmem>>[vector<16xi32>, vector<16xi32>], vector<16xf32>,
    %add3A_339 = arith.constant 16 : i32
    %add3A_340 = vector.broadcast %add3A_339 : i32 to vector<16xi32>
    %add3A_341 = arith.addi %add3A_340, %iota3A : vector<16xi32>
    %broadcast_in_dim3A_342 = arith.constant 24 : i32
    %broadcast_in_dim3A_343 = vector.broadcast %broadcast_in_dim3A_342 : i32 to vector<16xi32>
    tpu.vector_store_idx %arg9[%add3A_341, %broadcast_in_dim3A_343], %get3A_323 : memref<32x32xf32, #tpu.memory_space<vmem>>[vector<16xi32>, vector<16xi32>], vector<16xf32>,
    %get3A_344 = arith.constant 1 : i32
    %get3A_345 = arith.index_cast %get3A_344 : i32 to index
    %get3A_346 = arith.constant 0 : index
    %get3A_347 = tpu.vector_load %arg8[%get3A_345, %get3A_346] {strides = array<i32>} : memref<4x32xf32, #tpu.memory_space<vmem>>, vector<16xf32>,
    %add3A_348 = arith.constant 0 : i32
    %add3A_349 = vector.broadcast %add3A_348 : i32 to vector<16xi32>
    %add3A_350 = arith.addi %add3A_349, %iota3A : vector<16xi32>
    %broadcast_in_dim3A_351 = arith.constant 1 : i32
    %broadcast_in_dim3A_352 = vector.broadcast %broadcast_in_dim3A_351 : i32 to vector<16xi32>
    tpu.vector_store_idx %arg9[%add3A_350, %broadcast_in_dim3A_352], %get3A_347 : memref<32x32xf32, #tpu.memory_space<vmem>>[vector<16xi32>, vector<16xi32>], vector<16xf32>,
    %add3A_353 = arith.constant 0 : i32
    %add3A_354 = vector.broadcast %add3A_353 : i32 to vector<16xi32>
    %add3A_355 = arith.addi %add3A_354, %iota3A : vector<16xi32>
    %broadcast_in_dim3A_356 = arith.constant 9 : i32
    %broadcast_in_dim3A_357 = vector.broadcast %broadcast_in_dim3A_356 : i32 to vector<16xi32>
    tpu.vector_store_idx %arg9[%add3A_355, %broadcast_in_dim3A_357], %get3A_347 : memref<32x32xf32, #tpu.memory_space<vmem>>[vector<16xi32>, vector<16xi32>], vector<16xf32>,
    %add3A_358 = arith.constant 0 : i32
    %add3A_359 = vector.broadcast %add3A_358 : i32 to vector<16xi32>
    %add3A_360 = arith.addi %add3A_359, %iota3A : vector<16xi32>
    %broadcast_in_dim3A_361 = arith.constant 17 : i32
    %broadcast_in_dim3A_362 = vector.broadcast %broadcast_in_dim3A_361 : i32 to vector<16xi32>
    tpu.vector_store_idx %arg9[%add3A_360, %broadcast_in_dim3A_362], %get3A_347 : memref<32x32xf32, #tpu.memory_space<vmem>>[vector<16xi32>, vector<16xi32>], vector<16xf32>,
    %add3A_363 = arith.constant 0 : i32
    %add3A_364 = vector.broadcast %add3A_363 : i32 to vector<16xi32>
    %add3A_365 = arith.addi %add3A_364, %iota3A : vector<16xi32>
    %broadcast_in_dim3A_366 = arith.constant 25 : i32
    %broadcast_in_dim3A_367 = vector.broadcast %broadcast_in_dim3A_366 : i32 to vector<16xi32>
    tpu.vector_store_idx %arg9[%add3A_365, %broadcast_in_dim3A_367], %get3A_347 : memref<32x32xf32, #tpu.memory_space<vmem>>[vector<16xi32>, vector<16xi32>], vector<16xf32>,
    %get3A_368 = arith.constant 1 : i32
    %get3A_369 = arith.index_cast %get3A_368 : i32 to index
    %get3A_370 = arith.constant 16 : index
    %get3A_371 = tpu.vector_load %arg8[%get3A_369, %get3A_370] {strides = array<i32>} : memref<4x32xf32, #tpu.memory_space<vmem>>, vector<16xf32>,
    %add3A_372 = arith.constant 16 : i32
    %add3A_373 = vector.broadcast %add3A_372 : i32 to vector<16xi32>
    %add3A_374 = arith.addi %add3A_373, %iota3A : vector<16xi32>
    %broadcast_in_dim3A_375 = arith.constant 1 : i32
    %broadcast_in_dim3A_376 = vector.broadcast %broadcast_in_dim3A_375 : i32 to vector<16xi32>
    tpu.vector_store_idx %arg9[%add3A_374, %broadcast_in_dim3A_376], %get3A_371 : memref<32x32xf32, #tpu.memory_space<vmem>>[vector<16xi32>, vector<16xi32>], vector<16xf32>,
    %add3A_377 = arith.constant 16 : i32
    %add3A_378 = vector.broadcast %add3A_377 : i32 to vector<16xi32>
    %add3A_379 = arith.addi %add3A_378, %iota3A : vector<16xi32>
    %broadcast_in_dim3A_380 = arith.constant 9 : i32
    %broadcast_in_dim3A_381 = vector.broadcast %broadcast_in_dim3A_380 : i32 to vector<16xi32>
    tpu.vector_store_idx %arg9[%add3A_379, %broadcast_in_dim3A_381], %get3A_371 : memref<32x32xf32, #tpu.memory_space<vmem>>[vector<16xi32>, vector<16xi32>], vector<16xf32>,
    %add3A_382 = arith.constant 16 : i32
    %add3A_383 = vector.broadcast %add3A_382 : i32 to vector<16xi32>
    %add3A_384 = arith.addi %add3A_383, %iota3A : vector<16xi32>
    %broadcast_in_dim3A_385 = arith.constant 17 : i32
    %broadcast_in_dim3A_386 = vector.broadcast %broadcast_in_dim3A_385 : i32 to vector<16xi32>
    tpu.vector_store_idx %arg9[%add3A_384, %broadcast_in_dim3A_386], %get3A_371 : memref<32x32xf32, #tpu.memory_space<vmem>>[vector<16xi32>, vector<16xi32>], vector<16xf32>,
    %add3A_387 = arith.constant 16 : i32
    %add3A_388 = vector.broadcast %add3A_387 : i32 to vector<16xi32>
    %add3A_389 = arith.addi %add3A_388, %iota3A : vector<16xi32>
    %broadcast_in_dim3A_390 = arith.constant 25 : i32
    %broadcast_in_dim3A_391 = vector.broadcast %broadcast_in_dim3A_390 : i32 to vector<16xi32>
    tpu.vector_store_idx %arg9[%add3A_389, %broadcast_in_dim3A_391], %get3A_371 : memref<32x32xf32, #tpu.memory_space<vmem>>[vector<16xi32>, vector<16xi32>], vector<16xf32>,
    %get3A_392 = arith.constant 2 : i32
    %get3A_393 = arith.index_cast %get3A_392 : i32 to index
    %get3A_394 = arith.constant 0 : index
    %get3A_395 = tpu.vector_load %arg8[%get3A_393, %get3A_394] {strides = array<i32>} : memref<4x32xf32, #tpu.memory_space<vmem>>, vector<16xf32>,
    %add3A_396 = arith.constant 0 : i32
    %add3A_397 = vector.broadcast %add3A_396 : i32 to vector<16xi32>
    %add3A_398 = arith.addi %add3A_397, %iota3A : vector<16xi32>
    %broadcast_in_dim3A_399 = arith.constant 2 : i32
    %broadcast_in_dim3A_400 = vector.broadcast %broadcast_in_dim3A_399 : i32 to vector<16xi32>
    tpu.vector_store_idx %arg9[%add3A_398, %broadcast_in_dim3A_400], %get3A_395 : memref<32x32xf32, #tpu.memory_space<vmem>>[vector<16xi32>, vector<16xi32>], vector<16xf32>,
    %add3A_401 = arith.constant 0 : i32
    %add3A_402 = vector.broadcast %add3A_401 : i32 to vector<16xi32>
    %add3A_403 = arith.addi %add3A_402, %iota3A : vector<16xi32>
    %broadcast_in_dim3A_404 = arith.constant 10 : i32
    %broadcast_in_dim3A_405 = vector.broadcast %broadcast_in_dim3A_404 : i32 to vector<16xi32>
    tpu.vector_store_idx %arg9[%add3A_403, %broadcast_in_dim3A_405], %get3A_395 : memref<32x32xf32, #tpu.memory_space<vmem>>[vector<16xi32>, vector<16xi32>], vector<16xf32>,
    %add3A_406 = arith.constant 0 : i32
    %add3A_407 = vector.broadcast %add3A_406 : i32 to vector<16xi32>
    %add3A_408 = arith.addi %add3A_407, %iota3A : vector<16xi32>
    %broadcast_in_dim3A_409 = arith.constant 18 : i32
    %broadcast_in_dim3A_410 = vector.broadcast %broadcast_in_dim3A_409 : i32 to vector<16xi32>
    tpu.vector_store_idx %arg9[%add3A_408, %broadcast_in_dim3A_410], %get3A_395 : memref<32x32xf32, #tpu.memory_space<vmem>>[vector<16xi32>, vector<16xi32>], vector<16xf32>,
    %add3A_411 = arith.constant 0 : i32
    %add3A_412 = vector.broadcast %add3A_411 : i32 to vector<16xi32>
    %add3A_413 = arith.addi %add3A_412, %iota3A : vector<16xi32>
    %broadcast_in_dim3A_414 = arith.constant 26 : i32
    %broadcast_in_dim3A_415 = vector.broadcast %broadcast_in_dim3A_414 : i32 to vector<16xi32>
    tpu.vector_store_idx %arg9[%add3A_413, %broadcast_in_dim3A_415], %get3A_395 : memref<32x32xf32, #tpu.memory_space<vmem>>[vector<16xi32>, vector<16xi32>], vector<16xf32>,
    %get3A_416 = arith.constant 2 : i32
    %get3A_417 = arith.index_cast %get3A_416 : i32 to index
    %get3A_418 = arith.constant 16 : index
    %get3A_419 = tpu.vector_load %arg8[%get3A_417, %get3A_418] {strides = array<i32>} : memref<4x32xf32, #tpu.memory_space<vmem>>, vector<16xf32>,
    %add3A_420 = arith.constant 16 : i32
    %add3A_421 = vector.broadcast %add3A_420 : i32 to vector<16xi32>
    %add3A_422 = arith.addi %add3A_421, %iota3A : vector<16xi32>
    %broadcast_in_dim3A_423 = arith.constant 2 : i32
    %broadcast_in_dim3A_424 = vector.broadcast %broadcast_in_dim3A_423 : i32 to vector<16xi32>
    tpu.vector_store_idx %arg9[%add3A_422, %broadcast_in_dim3A_424], %get3A_419 : memref<32x32xf32, #tpu.memory_space<vmem>>[vector<16xi32>, vector<16xi32>], vector<16xf32>,
    %add3A_425 = arith.constant 16 : i32
    %add3A_426 = vector.broadcast %add3A_425 : i32 to vector<16xi32>
    %add3A_427 = arith.addi %add3A_426, %iota3A : vector<16xi32>
    %broadcast_in_dim3A_428 = arith.constant 10 : i32
    %broadcast_in_dim3A_429 = vector.broadcast %broadcast_in_dim3A_428 : i32 to vector<16xi32>
    tpu.vector_store_idx %arg9[%add3A_427, %broadcast_in_dim3A_429], %get3A_419 : memref<32x32xf32, #tpu.memory_space<vmem>>[vector<16xi32>, vector<16xi32>], vector<16xf32>,
    %add3A_430 = arith.constant 16 : i32
    %add3A_431 = vector.broadcast %add3A_430 : i32 to vector<16xi32>
    %add3A_432 = arith.addi %add3A_431, %iota3A : vector<16xi32>
    %broadcast_in_dim3A_433 = arith.constant 18 : i32
    %broadcast_in_dim3A_434 = vector.broadcast %broadcast_in_dim3A_433 : i32 to vector<16xi32>
    tpu.vector_store_idx %arg9[%add3A_432, %broadcast_in_dim3A_434], %get3A_419 : memref<32x32xf32, #tpu.memory_space<vmem>>[vector<16xi32>, vector<16xi32>], vector<16xf32>,
    %add3A_435 = arith.constant 16 : i32
    %add3A_436 = vector.broadcast %add3A_435 : i32 to vector<16xi32>
    %add3A_437 = arith.addi %add3A_436, %iota3A : vector<16xi32>
    %broadcast_in_dim3A_438 = arith.constant 26 : i32
    %broadcast_in_dim3A_439 = vector.broadcast %broadcast_in_dim3A_438 : i32 to vector<16xi32>
    tpu.vector_store_idx %arg9[%add3A_437, %broadcast_in_dim3A_439], %get3A_419 : memref<32x32xf32, #tpu.memory_space<vmem>>[vector<16xi32>, vector<16xi32>], vector<16xf32>,
    %get3A_440 = arith.constant 3 : i32
    %get3A_441 = arith.index_cast %get3A_440 : i32 to index
    %get3A_442 = arith.constant 0 : index
    %get3A_443 = tpu.vector_load %arg8[%get3A_441, %get3A_442] {strides = array<i32>} : memref<4x32xf32, #tpu.memory_space<vmem>>, vector<16xf32>,
    %add3A_444 = arith.constant 0 : i32
    %add3A_445 = vector.broadcast %add3A_444 : i32 to vector<16xi32>
    %add3A_446 = arith.addi %add3A_445, %iota3A : vector<16xi32>
    %broadcast_in_dim3A_447 = arith.constant 3 : i32
    %broadcast_in_dim3A_448 = vector.broadcast %broadcast_in_dim3A_447 : i32 to vector<16xi32>
    tpu.vector_store_idx %arg9[%add3A_446, %broadcast_in_dim3A_448], %get3A_443 : memref<32x32xf32, #tpu.memory_space<vmem>>[vector<16xi32>, vector<16xi32>], vector<16xf32>,
    %add3A_449 = arith.constant 0 : i32
    %add3A_450 = vector.broadcast %add3A_449 : i32 to vector<16xi32>
    %add3A_451 = arith.addi %add3A_450, %iota3A : vector<16xi32>
    %broadcast_in_dim3A_452 = arith.constant 11 : i32
    %broadcast_in_dim3A_453 = vector.broadcast %broadcast_in_dim3A_452 : i32 to vector<16xi32>
    tpu.vector_store_idx %arg9[%add3A_451, %broadcast_in_dim3A_453], %get3A_443 : memref<32x32xf32, #tpu.memory_space<vmem>>[vector<16xi32>, vector<16xi32>], vector<16xf32>,
    %add3A_454 = arith.constant 0 : i32
    %add3A_455 = vector.broadcast %add3A_454 : i32 to vector<16xi32>
    %add3A_456 = arith.addi %add3A_455, %iota3A : vector<16xi32>
    %broadcast_in_dim3A_457 = arith.constant 19 : i32
    %broadcast_in_dim3A_458 = vector.broadcast %broadcast_in_dim3A_457 : i32 to vector<16xi32>
    tpu.vector_store_idx %arg9[%add3A_456, %broadcast_in_dim3A_458], %get3A_443 : memref<32x32xf32, #tpu.memory_space<vmem>>[vector<16xi32>, vector<16xi32>], vector<16xf32>,
    %add3A_459 = arith.constant 0 : i32
    %add3A_460 = vector.broadcast %add3A_459 : i32 to vector<16xi32>
    %add3A_461 = arith.addi %add3A_460, %iota3A : vector<16xi32>
    %broadcast_in_dim3A_462 = arith.constant 27 : i32
    %broadcast_in_dim3A_463 = vector.broadcast %broadcast_in_dim3A_462 : i32 to vector<16xi32>
    tpu.vector_store_idx %arg9[%add3A_461, %broadcast_in_dim3A_463], %get3A_443 : memref<32x32xf32, #tpu.memory_space<vmem>>[vector<16xi32>, vector<16xi32>], vector<16xf32>,
    %get3A_464 = arith.constant 3 : i32
    %get3A_465 = arith.index_cast %get3A_464 : i32 to index
    %get3A_466 = arith.constant 16 : index
    %get3A_467 = tpu.vector_load %arg8[%get3A_465, %get3A_466] {strides = array<i32>} : memref<4x32xf32, #tpu.memory_space<vmem>>, vector<16xf32>,
    %add3A_468 = arith.constant 16 : i32
    %add3A_469 = vector.broadcast %add3A_468 : i32 to vector<16xi32>
    %add3A_470 = arith.addi %add3A_469, %iota3A : vector<16xi32>
    %broadcast_in_dim3A_471 = arith.constant 3 : i32
    %broadcast_in_dim3A_472 = vector.broadcast %broadcast_in_dim3A_471 : i32 to vector<16xi32>
    tpu.vector_store_idx %arg9[%add3A_470, %broadcast_in_dim3A_472], %get3A_467 : memref<32x32xf32, #tpu.memory_space<vmem>>[vector<16xi32>, vector<16xi32>], vector<16xf32>,
    %add3A_473 = arith.constant 16 : i32
    %add3A_474 = vector.broadcast %add3A_473 : i32 to vector<16xi32>
    %add3A_475 = arith.addi %add3A_474, %iota3A : vector<16xi32>
    %broadcast_in_dim3A_476 = arith.constant 11 : i32
    %broadcast_in_dim3A_477 = vector.broadcast %broadcast_in_dim3A_476 : i32 to vector<16xi32>
    tpu.vector_store_idx %arg9[%add3A_475, %broadcast_in_dim3A_477], %get3A_467 : memref<32x32xf32, #tpu.memory_space<vmem>>[vector<16xi32>, vector<16xi32>], vector<16xf32>,
    %add3A_478 = arith.constant 16 : i32
    %add3A_479 = vector.broadcast %add3A_478 : i32 to vector<16xi32>
    %add3A_480 = arith.addi %add3A_479, %iota3A : vector<16xi32>
    %broadcast_in_dim3A_481 = arith.constant 19 : i32
    %broadcast_in_dim3A_482 = vector.broadcast %broadcast_in_dim3A_481 : i32 to vector<16xi32>
    tpu.vector_store_idx %arg9[%add3A_480, %broadcast_in_dim3A_482], %get3A_467 : memref<32x32xf32, #tpu.memory_space<vmem>>[vector<16xi32>, vector<16xi32>], vector<16xf32>,
    %add3A_483 = arith.constant 16 : i32
    %add3A_484 = vector.broadcast %add3A_483 : i32 to vector<16xi32>
    %add3A_485 = arith.addi %add3A_484, %iota3A : vector<16xi32>
    %broadcast_in_dim3A_486 = arith.constant 27 : i32
    %broadcast_in_dim3A_487 = vector.broadcast %broadcast_in_dim3A_486 : i32 to vector<16xi32>
    tpu.vector_store_idx %arg9[%add3A_485, %broadcast_in_dim3A_487], %get3A_467 : memref<32x32xf32, #tpu.memory_space<vmem>>[vector<16xi32>, vector<16xi32>], vector<16xf32>,
    %and3A = arith.constant 3 : i32
    %and3A_488 = vector.broadcast %and3A : i32 to vector<16xi32>
    %and3A_489 = arith.andi %iota3A, %and3A_488 : vector<16xi32>
    %mul3A_490 = arith.constant 8 : i32
    %mul3A_491 = vector.broadcast %mul3A_490 : i32 to vector<16xi32>
    %mul3A_492 = arith.muli %and3A_489, %mul3A_491 : vector<16xi32>
    %parallel_loop3A = arith.constant 0 : i32
    %parallel_loop3A_493 = arith.constant 16 : i32
    %parallel_loop3A_494 = arith.constant 1 : i32
    "tpu.trace_start"() <{level = 10 : i32, message = "gather_loop1"}> : () -> ()
    scf.for %parallel_loop3A_532 = %parallel_loop3A to %parallel_loop3A_493 step %parallel_loop3A_494  : i32 {
      %parallel_loop3A_533 = arith.constant 16 : i32
      %parallel_loop3A_534 = arith.muli %parallel_loop3A_532, %parallel_loop3A_533 : i32
      %parallel_loop3A_535 = tpu.assume_multiple %parallel_loop3A_534, 16 : i32
      %parallel_loop3A_536 = arith.index_cast %parallel_loop3A_535 : i32 to index
      %parallel_loop3A_537 = tpu.vector_load %arg10[%parallel_loop3A_536] {strides = array<i32>} : memref<512xi32, #tpu.memory_space<vmem>>, vector<16xi32>,
      %parallel_loop3A_538 = arith.index_cast %parallel_loop3A_535 : i32 to index
      %parallel_loop3A_539 = tpu.vector_load %arg11[%parallel_loop3A_538] {strides = array<i32>} : memref<512xi32, #tpu.memory_space<vmem>>, vector<16xi32>,
      %parallel_loop3A_540 = arith.constant 0 : i32
      %parallel_loop3A_541 = vector.broadcast %parallel_loop3A_540 : i32 to vector<16xi32>
      %parallel_loop3A_542 = arith.cmpi eq, %parallel_loop3A_537, %parallel_loop3A_541 : vector<16xi32>
      %parallel_loop3A_543 = arith.constant 4 : i32
      %parallel_loop3A_544 = vector.broadcast %parallel_loop3A_543 : i32 to vector<16xi32>
      %parallel_loop3A_545 = arith.select %parallel_loop3A_542, %parallel_loop3A_544, %parallel_loop3A_539 : vector<16xi1>, vector<16xi32>
      %parallel_loop3A_546 = arith.addi %parallel_loop3A_545, %mul3A_492 : vector<16xi32>
      %parallel_loop3A_547 = arith.constant 0 : i32
      %parallel_loop3A_548 = vector.broadcast %parallel_loop3A_547 : i32 to vector<16xi32>
      %parallel_loop3A_549 = tpu.vector_load_idx %arg7[%parallel_loop3A_548, %parallel_loop3A_537] : memref<32x129xf32, #tpu.memory_space<vmem>>[vector<16xi32>, vector<16xi32>], vector<16xf32>,
      %parallel_loop3A_550 = arith.constant 0.000000e+00 : f32
      %parallel_loop3A_551 = vector.broadcast %parallel_loop3A_550 : f32 to vector<16xf32>
      %parallel_loop3A_552 = arith.select %parallel_loop3A_542, %parallel_loop3A_551, %parallel_loop3A_549 : vector<16xi1>, vector<16xf32>
      %parallel_loop3A_553 = arith.constant 1 : i32
      %parallel_loop3A_554 = vector.broadcast %parallel_loop3A_553 : i32 to vector<16xi32>
      %parallel_loop3A_555 = tpu.vector_load_idx %arg7[%parallel_loop3A_554, %parallel_loop3A_537] : memref<32x129xf32, #tpu.memory_space<vmem>>[vector<16xi32>, vector<16xi32>], vector<16xf32>,
      %parallel_loop3A_556 = arith.constant 0.000000e+00 : f32
      %parallel_loop3A_557 = vector.broadcast %parallel_loop3A_556 : f32 to vector<16xf32>
      %parallel_loop3A_558 = arith.select %parallel_loop3A_542, %parallel_loop3A_557, %parallel_loop3A_555 : vector<16xi1>, vector<16xf32>
      %parallel_loop3A_559 = arith.constant 2 : i32
      %parallel_loop3A_560 = vector.broadcast %parallel_loop3A_559 : i32 to vector<16xi32>
      %parallel_loop3A_561 = tpu.vector_load_idx %arg7[%parallel_loop3A_560, %parallel_loop3A_537] : memref<32x129xf32, #tpu.memory_space<vmem>>[vector<16xi32>, vector<16xi32>], vector<16xf32>,
      %parallel_loop3A_562 = arith.constant 0.000000e+00 : f32
      %parallel_loop3A_563 = vector.broadcast %parallel_loop3A_562 : f32 to vector<16xf32>
      %parallel_loop3A_564 = arith.select %parallel_loop3A_542, %parallel_loop3A_563, %parallel_loop3A_561 : vector<16xi1>, vector<16xf32>
      %parallel_loop3A_565 = arith.constant 3 : i32
      %parallel_loop3A_566 = vector.broadcast %parallel_loop3A_565 : i32 to vector<16xi32>
      %parallel_loop3A_567 = tpu.vector_load_idx %arg7[%parallel_loop3A_566, %parallel_loop3A_537] : memref<32x129xf32, #tpu.memory_space<vmem>>[vector<16xi32>, vector<16xi32>], vector<16xf32>,
      %parallel_loop3A_568 = arith.constant 0.000000e+00 : f32
      %parallel_loop3A_569 = vector.broadcast %parallel_loop3A_568 : f32 to vector<16xf32>
      %parallel_loop3A_570 = arith.select %parallel_loop3A_542, %parallel_loop3A_569, %parallel_loop3A_567 : vector<16xi1>, vector<16xf32>
      %parallel_loop3A_571 = arith.constant 4 : i32
      %parallel_loop3A_572 = vector.broadcast %parallel_loop3A_571 : i32 to vector<16xi32>
      %parallel_loop3A_573 = tpu.vector_load_idx %arg7[%parallel_loop3A_572, %parallel_loop3A_537] : memref<32x129xf32, #tpu.memory_space<vmem>>[vector<16xi32>, vector<16xi32>], vector<16xf32>,
      %parallel_loop3A_574 = arith.constant 0.000000e+00 : f32
      %parallel_loop3A_575 = vector.broadcast %parallel_loop3A_574 : f32 to vector<16xf32>
      %parallel_loop3A_576 = arith.select %parallel_loop3A_542, %parallel_loop3A_575, %parallel_loop3A_573 : vector<16xi1>, vector<16xf32>
      %parallel_loop3A_577 = arith.constant 5 : i32
      %parallel_loop3A_578 = vector.broadcast %parallel_loop3A_577 : i32 to vector<16xi32>
      %parallel_loop3A_579 = tpu.vector_load_idx %arg7[%parallel_loop3A_578, %parallel_loop3A_537] : memref<32x129xf32, #tpu.memory_space<vmem>>[vector<16xi32>, vector<16xi32>], vector<16xf32>,
      %parallel_loop3A_580 = arith.constant 0.000000e+00 : f32
      %parallel_loop3A_581 = vector.broadcast %parallel_loop3A_580 : f32 to vector<16xf32>
      %parallel_loop3A_582 = arith.select %parallel_loop3A_542, %parallel_loop3A_581, %parallel_loop3A_579 : vector<16xi1>, vector<16xf32>
      %parallel_loop3A_583 = arith.constant 6 : i32
      %parallel_loop3A_584 = vector.broadcast %parallel_loop3A_583 : i32 to vector<16xi32>
      %parallel_loop3A_585 = tpu.vector_load_idx %arg7[%parallel_loop3A_584, %parallel_loop3A_537] : memref<32x129xf32, #tpu.memory_space<vmem>>[vector<16xi32>, vector<16xi32>], vector<16xf32>,
      %parallel_loop3A_586 = arith.constant 0.000000e+00 : f32
      %parallel_loop3A_587 = vector.broadcast %parallel_loop3A_586 : f32 to vector<16xf32>
      %parallel_loop3A_588 = arith.select %parallel_loop3A_542, %parallel_loop3A_587, %parallel_loop3A_585 : vector<16xi1>, vector<16xf32>
      %parallel_loop3A_589 = arith.constant 7 : i32
      %parallel_loop3A_590 = vector.broadcast %parallel_loop3A_589 : i32 to vector<16xi32>
      %parallel_loop3A_591 = tpu.vector_load_idx %arg7[%parallel_loop3A_590, %parallel_loop3A_537] : memref<32x129xf32, #tpu.memory_space<vmem>>[vector<16xi32>, vector<16xi32>], vector<16xf32>,
      %parallel_loop3A_592 = arith.constant 0.000000e+00 : f32
      %parallel_loop3A_593 = vector.broadcast %parallel_loop3A_592 : f32 to vector<16xf32>
      %parallel_loop3A_594 = arith.select %parallel_loop3A_542, %parallel_loop3A_593, %parallel_loop3A_591 : vector<16xi1>, vector<16xf32>
      %parallel_loop3A_595 = arith.constant 8 : i32
      %parallel_loop3A_596 = vector.broadcast %parallel_loop3A_595 : i32 to vector<16xi32>
      %parallel_loop3A_597 = tpu.vector_load_idx %arg7[%parallel_loop3A_596, %parallel_loop3A_537] : memref<32x129xf32, #tpu.memory_space<vmem>>[vector<16xi32>, vector<16xi32>], vector<16xf32>,
      %parallel_loop3A_598 = arith.constant 0.000000e+00 : f32
      %parallel_loop3A_599 = vector.broadcast %parallel_loop3A_598 : f32 to vector<16xf32>
      %parallel_loop3A_600 = arith.select %parallel_loop3A_542, %parallel_loop3A_599, %parallel_loop3A_597 : vector<16xi1>, vector<16xf32>
      %parallel_loop3A_601 = arith.constant 9 : i32
      %parallel_loop3A_602 = vector.broadcast %parallel_loop3A_601 : i32 to vector<16xi32>
      %parallel_loop3A_603 = tpu.vector_load_idx %arg7[%parallel_loop3A_602, %parallel_loop3A_537] : memref<32x129xf32, #tpu.memory_space<vmem>>[vector<16xi32>, vector<16xi32>], vector<16xf32>,
      %parallel_loop3A_604 = arith.constant 0.000000e+00 : f32
      %parallel_loop3A_605 = vector.broadcast %parallel_loop3A_604 : f32 to vector<16xf32>
      %parallel_loop3A_606 = arith.select %parallel_loop3A_542, %parallel_loop3A_605, %parallel_loop3A_603 : vector<16xi1>, vector<16xf32>
      %parallel_loop3A_607 = arith.constant 10 : i32
      %parallel_loop3A_608 = vector.broadcast %parallel_loop3A_607 : i32 to vector<16xi32>
      %parallel_loop3A_609 = tpu.vector_load_idx %arg7[%parallel_loop3A_608, %parallel_loop3A_537] : memref<32x129xf32, #tpu.memory_space<vmem>>[vector<16xi32>, vector<16xi32>], vector<16xf32>,
      %parallel_loop3A_610 = arith.constant 0.000000e+00 : f32
      %parallel_loop3A_611 = vector.broadcast %parallel_loop3A_610 : f32 to vector<16xf32>
      %parallel_loop3A_612 = arith.select %parallel_loop3A_542, %parallel_loop3A_611, %parallel_loop3A_609 : vector<16xi1>, vector<16xf32>
      %parallel_loop3A_613 = arith.constant 11 : i32
      %parallel_loop3A_614 = vector.broadcast %parallel_loop3A_613 : i32 to vector<16xi32>
      %parallel_loop3A_615 = tpu.vector_load_idx %arg7[%parallel_loop3A_614, %parallel_loop3A_537] : memref<32x129xf32, #tpu.memory_space<vmem>>[vector<16xi32>, vector<16xi32>], vector<16xf32>,
      %parallel_loop3A_616 = arith.constant 0.000000e+00 : f32
      %parallel_loop3A_617 = vector.broadcast %parallel_loop3A_616 : f32 to vector<16xf32>
      %parallel_loop3A_618 = arith.select %parallel_loop3A_542, %parallel_loop3A_617, %parallel_loop3A_615 : vector<16xi1>, vector<16xf32>
      %parallel_loop3A_619 = arith.constant 12 : i32
      %parallel_loop3A_620 = vector.broadcast %parallel_loop3A_619 : i32 to vector<16xi32>
      %parallel_loop3A_621 = tpu.vector_load_idx %arg7[%parallel_loop3A_620, %parallel_loop3A_537] : memref<32x129xf32, #tpu.memory_space<vmem>>[vector<16xi32>, vector<16xi32>], vector<16xf32>,
      %parallel_loop3A_622 = arith.constant 0.000000e+00 : f32
      %parallel_loop3A_623 = vector.broadcast %parallel_loop3A_622 : f32 to vector<16xf32>
      %parallel_loop3A_624 = arith.select %parallel_loop3A_542, %parallel_loop3A_623, %parallel_loop3A_621 : vector<16xi1>, vector<16xf32>
      %parallel_loop3A_625 = arith.constant 13 : i32
      %parallel_loop3A_626 = vector.broadcast %parallel_loop3A_625 : i32 to vector<16xi32>
      %parallel_loop3A_627 = tpu.vector_load_idx %arg7[%parallel_loop3A_626, %parallel_loop3A_537] : memref<32x129xf32, #tpu.memory_space<vmem>>[vector<16xi32>, vector<16xi32>], vector<16xf32>,
      %parallel_loop3A_628 = arith.constant 0.000000e+00 : f32
      %parallel_loop3A_629 = vector.broadcast %parallel_loop3A_628 : f32 to vector<16xf32>
      %parallel_loop3A_630 = arith.select %parallel_loop3A_542, %parallel_loop3A_629, %parallel_loop3A_627 : vector<16xi1>, vector<16xf32>
      %parallel_loop3A_631 = arith.constant 14 : i32
      %parallel_loop3A_632 = vector.broadcast %parallel_loop3A_631 : i32 to vector<16xi32>
      %parallel_loop3A_633 = tpu.vector_load_idx %arg7[%parallel_loop3A_632, %parallel_loop3A_537] : memref<32x129xf32, #tpu.memory_space<vmem>>[vector<16xi32>, vector<16xi32>], vector<16xf32>,
      %parallel_loop3A_634 = arith.constant 0.000000e+00 : f32
      %parallel_loop3A_635 = vector.broadcast %parallel_loop3A_634 : f32 to vector<16xf32>
      %parallel_loop3A_636 = arith.select %parallel_loop3A_542, %parallel_loop3A_635, %parallel_loop3A_633 : vector<16xi1>, vector<16xf32>
      %parallel_loop3A_637 = arith.constant 15 : i32
      %parallel_loop3A_638 = vector.broadcast %parallel_loop3A_637 : i32 to vector<16xi32>
      %parallel_loop3A_639 = tpu.vector_load_idx %arg7[%parallel_loop3A_638, %parallel_loop3A_537] : memref<32x129xf32, #tpu.memory_space<vmem>>[vector<16xi32>, vector<16xi32>], vector<16xf32>,
      %parallel_loop3A_640 = arith.constant 0.000000e+00 : f32
      %parallel_loop3A_641 = vector.broadcast %parallel_loop3A_640 : f32 to vector<16xf32>
      %parallel_loop3A_642 = arith.select %parallel_loop3A_542, %parallel_loop3A_641, %parallel_loop3A_639 : vector<16xi1>, vector<16xf32>
      %parallel_loop3A_643 = arith.constant 0 : i32
      %parallel_loop3A_644 = arith.index_cast %parallel_loop3A_643 : i32 to index
      %parallel_loop3A_645 = arith.index_cast %parallel_loop3A_535 : i32 to index
      %parallel_loop3A_646 = tpu.vector_load %arg12[%parallel_loop3A_644, %parallel_loop3A_645] {strides = array<i32>} : memref<64x512xf32, #tpu.memory_space<vmem>>, vector<16xf32>,
      tpu.vector_store %arg12[%parallel_loop3A_644, %parallel_loop3A_645], %parallel_loop3A_552 {strides = array<i32>} : memref<64x512xf32, #tpu.memory_space<vmem>>, vector<16xf32>,
      %parallel_loop3A_647 = arith.constant 1 : i32
      %parallel_loop3A_648 = arith.index_cast %parallel_loop3A_647 : i32 to index
      %parallel_loop3A_649 = arith.index_cast %parallel_loop3A_535 : i32 to index
      %parallel_loop3A_650 = tpu.vector_load %arg12[%parallel_loop3A_648, %parallel_loop3A_649] {strides = array<i32>} : memref<64x512xf32, #tpu.memory_space<vmem>>, vector<16xf32>,
      tpu.vector_store %arg12[%parallel_loop3A_648, %parallel_loop3A_649], %parallel_loop3A_558 {strides = array<i32>} : memref<64x512xf32, #tpu.memory_space<vmem>>, vector<16xf32>,
      %parallel_loop3A_651 = arith.constant 2 : i32
      %parallel_loop3A_652 = arith.index_cast %parallel_loop3A_651 : i32 to index
      %parallel_loop3A_653 = arith.index_cast %parallel_loop3A_535 : i32 to index
      %parallel_loop3A_654 = tpu.vector_load %arg12[%parallel_loop3A_652, %parallel_loop3A_653] {strides = array<i32>} : memref<64x512xf32, #tpu.memory_space<vmem>>, vector<16xf32>,
      tpu.vector_store %arg12[%parallel_loop3A_652, %parallel_loop3A_653], %parallel_loop3A_564 {strides = array<i32>} : memref<64x512xf32, #tpu.memory_space<vmem>>, vector<16xf32>,
      %parallel_loop3A_655 = arith.constant 3 : i32
      %parallel_loop3A_656 = arith.index_cast %parallel_loop3A_655 : i32 to index
      %parallel_loop3A_657 = arith.index_cast %parallel_loop3A_535 : i32 to index
      %parallel_loop3A_658 = tpu.vector_load %arg12[%parallel_loop3A_656, %parallel_loop3A_657] {strides = array<i32>} : memref<64x512xf32, #tpu.memory_space<vmem>>, vector<16xf32>,
      tpu.vector_store %arg12[%parallel_loop3A_656, %parallel_loop3A_657], %parallel_loop3A_570 {strides = array<i32>} : memref<64x512xf32, #tpu.memory_space<vmem>>, vector<16xf32>,
      %parallel_loop3A_659 = arith.constant 4 : i32
      %parallel_loop3A_660 = arith.index_cast %parallel_loop3A_659 : i32 to index
      %parallel_loop3A_661 = arith.index_cast %parallel_loop3A_535 : i32 to index
      %parallel_loop3A_662 = tpu.vector_load %arg12[%parallel_loop3A_660, %parallel_loop3A_661] {strides = array<i32>} : memref<64x512xf32, #tpu.memory_space<vmem>>, vector<16xf32>,
      tpu.vector_store %arg12[%parallel_loop3A_660, %parallel_loop3A_661], %parallel_loop3A_576 {strides = array<i32>} : memref<64x512xf32, #tpu.memory_space<vmem>>, vector<16xf32>,
      %parallel_loop3A_663 = arith.constant 5 : i32
      %parallel_loop3A_664 = arith.index_cast %parallel_loop3A_663 : i32 to index
      %parallel_loop3A_665 = arith.index_cast %parallel_loop3A_535 : i32 to index
      %parallel_loop3A_666 = tpu.vector_load %arg12[%parallel_loop3A_664, %parallel_loop3A_665] {strides = array<i32>} : memref<64x512xf32, #tpu.memory_space<vmem>>, vector<16xf32>,
      tpu.vector_store %arg12[%parallel_loop3A_664, %parallel_loop3A_665], %parallel_loop3A_582 {strides = array<i32>} : memref<64x512xf32, #tpu.memory_space<vmem>>, vector<16xf32>,
      %parallel_loop3A_667 = arith.constant 6 : i32
      %parallel_loop3A_668 = arith.index_cast %parallel_loop3A_667 : i32 to index
      %parallel_loop3A_669 = arith.index_cast %parallel_loop3A_535 : i32 to index
      %parallel_loop3A_670 = tpu.vector_load %arg12[%parallel_loop3A_668, %parallel_loop3A_669] {strides = array<i32>} : memref<64x512xf32, #tpu.memory_space<vmem>>, vector<16xf32>,
      tpu.vector_store %arg12[%parallel_loop3A_668, %parallel_loop3A_669], %parallel_loop3A_588 {strides = array<i32>} : memref<64x512xf32, #tpu.memory_space<vmem>>, vector<16xf32>,
      %parallel_loop3A_671 = arith.constant 7 : i32
      %parallel_loop3A_672 = arith.index_cast %parallel_loop3A_671 : i32 to index
      %parallel_loop3A_673 = arith.index_cast %parallel_loop3A_535 : i32 to index
      %parallel_loop3A_674 = tpu.vector_load %arg12[%parallel_loop3A_672, %parallel_loop3A_673] {strides = array<i32>} : memref<64x512xf32, #tpu.memory_space<vmem>>, vector<16xf32>,
      tpu.vector_store %arg12[%parallel_loop3A_672, %parallel_loop3A_673], %parallel_loop3A_594 {strides = array<i32>} : memref<64x512xf32, #tpu.memory_space<vmem>>, vector<16xf32>,
      %parallel_loop3A_675 = arith.constant 8 : i32
      %parallel_loop3A_676 = arith.index_cast %parallel_loop3A_675 : i32 to index
      %parallel_loop3A_677 = arith.index_cast %parallel_loop3A_535 : i32 to index
      %parallel_loop3A_678 = tpu.vector_load %arg12[%parallel_loop3A_676, %parallel_loop3A_677] {strides = array<i32>} : memref<64x512xf32, #tpu.memory_space<vmem>>, vector<16xf32>,
      tpu.vector_store %arg12[%parallel_loop3A_676, %parallel_loop3A_677], %parallel_loop3A_600 {strides = array<i32>} : memref<64x512xf32, #tpu.memory_space<vmem>>, vector<16xf32>,
      %parallel_loop3A_679 = arith.constant 9 : i32
      %parallel_loop3A_680 = arith.index_cast %parallel_loop3A_679 : i32 to index
      %parallel_loop3A_681 = arith.index_cast %parallel_loop3A_535 : i32 to index
      %parallel_loop3A_682 = tpu.vector_load %arg12[%parallel_loop3A_680, %parallel_loop3A_681] {strides = array<i32>} : memref<64x512xf32, #tpu.memory_space<vmem>>, vector<16xf32>,
      tpu.vector_store %arg12[%parallel_loop3A_680, %parallel_loop3A_681], %parallel_loop3A_606 {strides = array<i32>} : memref<64x512xf32, #tpu.memory_space<vmem>>, vector<16xf32>,
      %parallel_loop3A_683 = arith.constant 10 : i32
      %parallel_loop3A_684 = arith.index_cast %parallel_loop3A_683 : i32 to index
      %parallel_loop3A_685 = arith.index_cast %parallel_loop3A_535 : i32 to index
      %parallel_loop3A_686 = tpu.vector_load %arg12[%parallel_loop3A_684, %parallel_loop3A_685] {strides = array<i32>} : memref<64x512xf32, #tpu.memory_space<vmem>>, vector<16xf32>,
      tpu.vector_store %arg12[%parallel_loop3A_684, %parallel_loop3A_685], %parallel_loop3A_612 {strides = array<i32>} : memref<64x512xf32, #tpu.memory_space<vmem>>, vector<16xf32>,
      %parallel_loop3A_687 = arith.constant 11 : i32
      %parallel_loop3A_688 = arith.index_cast %parallel_loop3A_687 : i32 to index
      %parallel_loop3A_689 = arith.index_cast %parallel_loop3A_535 : i32 to index
      %parallel_loop3A_690 = tpu.vector_load %arg12[%parallel_loop3A_688, %parallel_loop3A_689] {strides = array<i32>} : memref<64x512xf32, #tpu.memory_space<vmem>>, vector<16xf32>,
      tpu.vector_store %arg12[%parallel_loop3A_688, %parallel_loop3A_689], %parallel_loop3A_618 {strides = array<i32>} : memref<64x512xf32, #tpu.memory_space<vmem>>, vector<16xf32>,
      %parallel_loop3A_691 = arith.constant 12 : i32
      %parallel_loop3A_692 = arith.index_cast %parallel_loop3A_691 : i32 to index
      %parallel_loop3A_693 = arith.index_cast %parallel_loop3A_535 : i32 to index
      %parallel_loop3A_694 = tpu.vector_load %arg12[%parallel_loop3A_692, %parallel_loop3A_693] {strides = array<i32>} : memref<64x512xf32, #tpu.memory_space<vmem>>, vector<16xf32>,
      tpu.vector_store %arg12[%parallel_loop3A_692, %parallel_loop3A_693], %parallel_loop3A_624 {strides = array<i32>} : memref<64x512xf32, #tpu.memory_space<vmem>>, vector<16xf32>,
      %parallel_loop3A_695 = arith.constant 13 : i32
      %parallel_loop3A_696 = arith.index_cast %parallel_loop3A_695 : i32 to index
      %parallel_loop3A_697 = arith.index_cast %parallel_loop3A_535 : i32 to index
      %parallel_loop3A_698 = tpu.vector_load %arg12[%parallel_loop3A_696, %parallel_loop3A_697] {strides = array<i32>} : memref<64x512xf32, #tpu.memory_space<vmem>>, vector<16xf32>,
      tpu.vector_store %arg12[%parallel_loop3A_696, %parallel_loop3A_697], %parallel_loop3A_630 {strides = array<i32>} : memref<64x512xf32, #tpu.memory_space<vmem>>, vector<16xf32>,
      %parallel_loop3A_699 = arith.constant 14 : i32
      %parallel_loop3A_700 = arith.index_cast %parallel_loop3A_699 : i32 to index
      %parallel_loop3A_701 = arith.index_cast %parallel_loop3A_535 : i32 to index
      %parallel_loop3A_702 = tpu.vector_load %arg12[%parallel_loop3A_700, %parallel_loop3A_701] {strides = array<i32>} : memref<64x512xf32, #tpu.memory_space<vmem>>, vector<16xf32>,
      tpu.vector_store %arg12[%parallel_loop3A_700, %parallel_loop3A_701], %parallel_loop3A_636 {strides = array<i32>} : memref<64x512xf32, #tpu.memory_space<vmem>>, vector<16xf32>,
      %parallel_loop3A_703 = arith.constant 15 : i32
      %parallel_loop3A_704 = arith.index_cast %parallel_loop3A_703 : i32 to index
      %parallel_loop3A_705 = arith.index_cast %parallel_loop3A_535 : i32 to index
      %parallel_loop3A_706 = tpu.vector_load %arg12[%parallel_loop3A_704, %parallel_loop3A_705] {strides = array<i32>} : memref<64x512xf32, #tpu.memory_space<vmem>>, vector<16xf32>,
      tpu.vector_store %arg12[%parallel_loop3A_704, %parallel_loop3A_705], %parallel_loop3A_642 {strides = array<i32>} : memref<64x512xf32, #tpu.memory_space<vmem>>, vector<16xf32>,
      %parallel_loop3A_707 = arith.constant 16 : i32
      %parallel_loop3A_708 = vector.broadcast %parallel_loop3A_707 : i32 to vector<16xi32>
      %parallel_loop3A_709 = tpu.vector_load_idx %arg7[%parallel_loop3A_708, %parallel_loop3A_537] : memref<32x129xf32, #tpu.memory_space<vmem>>[vector<16xi32>, vector<16xi32>], vector<16xf32>,
      %parallel_loop3A_710 = arith.constant 0.000000e+00 : f32
      %parallel_loop3A_711 = vector.broadcast %parallel_loop3A_710 : f32 to vector<16xf32>
      %parallel_loop3A_712 = arith.select %parallel_loop3A_542, %parallel_loop3A_711, %parallel_loop3A_709 : vector<16xi1>, vector<16xf32>
      %parallel_loop3A_713 = arith.constant 17 : i32
      %parallel_loop3A_714 = vector.broadcast %parallel_loop3A_713 : i32 to vector<16xi32>
      %parallel_loop3A_715 = tpu.vector_load_idx %arg7[%parallel_loop3A_714, %parallel_loop3A_537] : memref<32x129xf32, #tpu.memory_space<vmem>>[vector<16xi32>, vector<16xi32>], vector<16xf32>,
      %parallel_loop3A_716 = arith.constant 0.000000e+00 : f32
      %parallel_loop3A_717 = vector.broadcast %parallel_loop3A_716 : f32 to vector<16xf32>
      %parallel_loop3A_718 = arith.select %parallel_loop3A_542, %parallel_loop3A_717, %parallel_loop3A_715 : vector<16xi1>, vector<16xf32>
      %parallel_loop3A_719 = arith.constant 18 : i32
      %parallel_loop3A_720 = vector.broadcast %parallel_loop3A_719 : i32 to vector<16xi32>
      %parallel_loop3A_721 = tpu.vector_load_idx %arg7[%parallel_loop3A_720, %parallel_loop3A_537] : memref<32x129xf32, #tpu.memory_space<vmem>>[vector<16xi32>, vector<16xi32>], vector<16xf32>,
      %parallel_loop3A_722 = arith.constant 0.000000e+00 : f32
      %parallel_loop3A_723 = vector.broadcast %parallel_loop3A_722 : f32 to vector<16xf32>
      %parallel_loop3A_724 = arith.select %parallel_loop3A_542, %parallel_loop3A_723, %parallel_loop3A_721 : vector<16xi1>, vector<16xf32>
      %parallel_loop3A_725 = arith.constant 19 : i32
      %parallel_loop3A_726 = vector.broadcast %parallel_loop3A_725 : i32 to vector<16xi32>
      %parallel_loop3A_727 = tpu.vector_load_idx %arg7[%parallel_loop3A_726, %parallel_loop3A_537] : memref<32x129xf32, #tpu.memory_space<vmem>>[vector<16xi32>, vector<16xi32>], vector<16xf32>,
      %parallel_loop3A_728 = arith.constant 0.000000e+00 : f32
      %parallel_loop3A_729 = vector.broadcast %parallel_loop3A_728 : f32 to vector<16xf32>
      %parallel_loop3A_730 = arith.select %parallel_loop3A_542, %parallel_loop3A_729, %parallel_loop3A_727 : vector<16xi1>, vector<16xf32>
      %parallel_loop3A_731 = arith.constant 20 : i32
      %parallel_loop3A_732 = vector.broadcast %parallel_loop3A_731 : i32 to vector<16xi32>
      %parallel_loop3A_733 = tpu.vector_load_idx %arg7[%parallel_loop3A_732, %parallel_loop3A_537] : memref<32x129xf32, #tpu.memory_space<vmem>>[vector<16xi32>, vector<16xi32>], vector<16xf32>,
      %parallel_loop3A_734 = arith.constant 0.000000e+00 : f32
      %parallel_loop3A_735 = vector.broadcast %parallel_loop3A_734 : f32 to vector<16xf32>
      %parallel_loop3A_736 = arith.select %parallel_loop3A_542, %parallel_loop3A_735, %parallel_loop3A_733 : vector<16xi1>, vector<16xf32>
      %parallel_loop3A_737 = arith.constant 21 : i32
      %parallel_loop3A_738 = vector.broadcast %parallel_loop3A_737 : i32 to vector<16xi32>
      %parallel_loop3A_739 = tpu.vector_load_idx %arg7[%parallel_loop3A_738, %parallel_loop3A_537] : memref<32x129xf32, #tpu.memory_space<vmem>>[vector<16xi32>, vector<16xi32>], vector<16xf32>,
      %parallel_loop3A_740 = arith.constant 0.000000e+00 : f32
      %parallel_loop3A_741 = vector.broadcast %parallel_loop3A_740 : f32 to vector<16xf32>
      %parallel_loop3A_742 = arith.select %parallel_loop3A_542, %parallel_loop3A_741, %parallel_loop3A_739 : vector<16xi1>, vector<16xf32>
      %parallel_loop3A_743 = arith.constant 22 : i32
      %parallel_loop3A_744 = vector.broadcast %parallel_loop3A_743 : i32 to vector<16xi32>
      %parallel_loop3A_745 = tpu.vector_load_idx %arg7[%parallel_loop3A_744, %parallel_loop3A_537] : memref<32x129xf32, #tpu.memory_space<vmem>>[vector<16xi32>, vector<16xi32>], vector<16xf32>,
      %parallel_loop3A_746 = arith.constant 0.000000e+00 : f32
      %parallel_loop3A_747 = vector.broadcast %parallel_loop3A_746 : f32 to vector<16xf32>
      %parallel_loop3A_748 = arith.select %parallel_loop3A_542, %parallel_loop3A_747, %parallel_loop3A_745 : vector<16xi1>, vector<16xf32>
      %parallel_loop3A_749 = arith.constant 23 : i32
      %parallel_loop3A_750 = vector.broadcast %parallel_loop3A_749 : i32 to vector<16xi32>
      %parallel_loop3A_751 = tpu.vector_load_idx %arg7[%parallel_loop3A_750, %parallel_loop3A_537] : memref<32x129xf32, #tpu.memory_space<vmem>>[vector<16xi32>, vector<16xi32>], vector<16xf32>,
      %parallel_loop3A_752 = arith.constant 0.000000e+00 : f32
      %parallel_loop3A_753 = vector.broadcast %parallel_loop3A_752 : f32 to vector<16xf32>
      %parallel_loop3A_754 = arith.select %parallel_loop3A_542, %parallel_loop3A_753, %parallel_loop3A_751 : vector<16xi1>, vector<16xf32>
      %parallel_loop3A_755 = arith.constant 24 : i32
      %parallel_loop3A_756 = vector.broadcast %parallel_loop3A_755 : i32 to vector<16xi32>
      %parallel_loop3A_757 = tpu.vector_load_idx %arg7[%parallel_loop3A_756, %parallel_loop3A_537] : memref<32x129xf32, #tpu.memory_space<vmem>>[vector<16xi32>, vector<16xi32>], vector<16xf32>,
      %parallel_loop3A_758 = arith.constant 0.000000e+00 : f32
      %parallel_loop3A_759 = vector.broadcast %parallel_loop3A_758 : f32 to vector<16xf32>
      %parallel_loop3A_760 = arith.select %parallel_loop3A_542, %parallel_loop3A_759, %parallel_loop3A_757 : vector<16xi1>, vector<16xf32>
      %parallel_loop3A_761 = arith.constant 25 : i32
      %parallel_loop3A_762 = vector.broadcast %parallel_loop3A_761 : i32 to vector<16xi32>
      %parallel_loop3A_763 = tpu.vector_load_idx %arg7[%parallel_loop3A_762, %parallel_loop3A_537] : memref<32x129xf32, #tpu.memory_space<vmem>>[vector<16xi32>, vector<16xi32>], vector<16xf32>,
      %parallel_loop3A_764 = arith.constant 0.000000e+00 : f32
      %parallel_loop3A_765 = vector.broadcast %parallel_loop3A_764 : f32 to vector<16xf32>
      %parallel_loop3A_766 = arith.select %parallel_loop3A_542, %parallel_loop3A_765, %parallel_loop3A_763 : vector<16xi1>, vector<16xf32>
      %parallel_loop3A_767 = arith.constant 26 : i32
      %parallel_loop3A_768 = vector.broadcast %parallel_loop3A_767 : i32 to vector<16xi32>
      %parallel_loop3A_769 = tpu.vector_load_idx %arg7[%parallel_loop3A_768, %parallel_loop3A_537] : memref<32x129xf32, #tpu.memory_space<vmem>>[vector<16xi32>, vector<16xi32>], vector<16xf32>,
      %parallel_loop3A_770 = arith.constant 0.000000e+00 : f32
      %parallel_loop3A_771 = vector.broadcast %parallel_loop3A_770 : f32 to vector<16xf32>
      %parallel_loop3A_772 = arith.select %parallel_loop3A_542, %parallel_loop3A_771, %parallel_loop3A_769 : vector<16xi1>, vector<16xf32>
      %parallel_loop3A_773 = arith.constant 27 : i32
      %parallel_loop3A_774 = vector.broadcast %parallel_loop3A_773 : i32 to vector<16xi32>
      %parallel_loop3A_775 = tpu.vector_load_idx %arg7[%parallel_loop3A_774, %parallel_loop3A_537] : memref<32x129xf32, #tpu.memory_space<vmem>>[vector<16xi32>, vector<16xi32>], vector<16xf32>,
      %parallel_loop3A_776 = arith.constant 0.000000e+00 : f32
      %parallel_loop3A_777 = vector.broadcast %parallel_loop3A_776 : f32 to vector<16xf32>
      %parallel_loop3A_778 = arith.select %parallel_loop3A_542, %parallel_loop3A_777, %parallel_loop3A_775 : vector<16xi1>, vector<16xf32>
      %parallel_loop3A_779 = arith.constant 28 : i32
      %parallel_loop3A_780 = vector.broadcast %parallel_loop3A_779 : i32 to vector<16xi32>
      %parallel_loop3A_781 = tpu.vector_load_idx %arg7[%parallel_loop3A_780, %parallel_loop3A_537] : memref<32x129xf32, #tpu.memory_space<vmem>>[vector<16xi32>, vector<16xi32>], vector<16xf32>,
      %parallel_loop3A_782 = arith.constant 0.000000e+00 : f32
      %parallel_loop3A_783 = vector.broadcast %parallel_loop3A_782 : f32 to vector<16xf32>
      %parallel_loop3A_784 = arith.select %parallel_loop3A_542, %parallel_loop3A_783, %parallel_loop3A_781 : vector<16xi1>, vector<16xf32>
      %parallel_loop3A_785 = arith.constant 29 : i32
      %parallel_loop3A_786 = vector.broadcast %parallel_loop3A_785 : i32 to vector<16xi32>
      %parallel_loop3A_787 = tpu.vector_load_idx %arg7[%parallel_loop3A_786, %parallel_loop3A_537] : memref<32x129xf32, #tpu.memory_space<vmem>>[vector<16xi32>, vector<16xi32>], vector<16xf32>,
      %parallel_loop3A_788 = arith.constant 0.000000e+00 : f32
      %parallel_loop3A_789 = vector.broadcast %parallel_loop3A_788 : f32 to vector<16xf32>
      %parallel_loop3A_790 = arith.select %parallel_loop3A_542, %parallel_loop3A_789, %parallel_loop3A_787 : vector<16xi1>, vector<16xf32>
      %parallel_loop3A_791 = arith.constant 30 : i32
      %parallel_loop3A_792 = vector.broadcast %parallel_loop3A_791 : i32 to vector<16xi32>
      %parallel_loop3A_793 = tpu.vector_load_idx %arg7[%parallel_loop3A_792, %parallel_loop3A_537] : memref<32x129xf32, #tpu.memory_space<vmem>>[vector<16xi32>, vector<16xi32>], vector<16xf32>,
      %parallel_loop3A_794 = arith.constant 0.000000e+00 : f32
      %parallel_loop3A_795 = vector.broadcast %parallel_loop3A_794 : f32 to vector<16xf32>
      %parallel_loop3A_796 = arith.select %parallel_loop3A_542, %parallel_loop3A_795, %parallel_loop3A_793 : vector<16xi1>, vector<16xf32>
      %parallel_loop3A_797 = arith.constant 31 : i32
      %parallel_loop3A_798 = vector.broadcast %parallel_loop3A_797 : i32 to vector<16xi32>
      %parallel_loop3A_799 = tpu.vector_load_idx %arg7[%parallel_loop3A_798, %parallel_loop3A_537] : memref<32x129xf32, #tpu.memory_space<vmem>>[vector<16xi32>, vector<16xi32>], vector<16xf32>,
      %parallel_loop3A_800 = arith.constant 0.000000e+00 : f32
      %parallel_loop3A_801 = vector.broadcast %parallel_loop3A_800 : f32 to vector<16xf32>
      %parallel_loop3A_802 = arith.select %parallel_loop3A_542, %parallel_loop3A_801, %parallel_loop3A_799 : vector<16xi1>, vector<16xf32>
      %parallel_loop3A_803 = arith.constant 16 : i32
      %parallel_loop3A_804 = arith.index_cast %parallel_loop3A_803 : i32 to index
      %parallel_loop3A_805 = arith.index_cast %parallel_loop3A_535 : i32 to index
      %parallel_loop3A_806 = tpu.vector_load %arg12[%parallel_loop3A_804, %parallel_loop3A_805] {strides = array<i32>} : memref<64x512xf32, #tpu.memory_space<vmem>>, vector<16xf32>,
      tpu.vector_store %arg12[%parallel_loop3A_804, %parallel_loop3A_805], %parallel_loop3A_712 {strides = array<i32>} : memref<64x512xf32, #tpu.memory_space<vmem>>, vector<16xf32>,
      %parallel_loop3A_807 = arith.constant 17 : i32
      %parallel_loop3A_808 = arith.index_cast %parallel_loop3A_807 : i32 to index
      %parallel_loop3A_809 = arith.index_cast %parallel_loop3A_535 : i32 to index
      %parallel_loop3A_810 = tpu.vector_load %arg12[%parallel_loop3A_808, %parallel_loop3A_809] {strides = array<i32>} : memref<64x512xf32, #tpu.memory_space<vmem>>, vector<16xf32>,
      tpu.vector_store %arg12[%parallel_loop3A_808, %parallel_loop3A_809], %parallel_loop3A_718 {strides = array<i32>} : memref<64x512xf32, #tpu.memory_space<vmem>>, vector<16xf32>,
      %parallel_loop3A_811 = arith.constant 18 : i32
      %parallel_loop3A_812 = arith.index_cast %parallel_loop3A_811 : i32 to index
      %parallel_loop3A_813 = arith.index_cast %parallel_loop3A_535 : i32 to index
      %parallel_loop3A_814 = tpu.vector_load %arg12[%parallel_loop3A_812, %parallel_loop3A_813] {strides = array<i32>} : memref<64x512xf32, #tpu.memory_space<vmem>>, vector<16xf32>,
      tpu.vector_store %arg12[%parallel_loop3A_812, %parallel_loop3A_813], %parallel_loop3A_724 {strides = array<i32>} : memref<64x512xf32, #tpu.memory_space<vmem>>, vector<16xf32>,
      %parallel_loop3A_815 = arith.constant 19 : i32
      %parallel_loop3A_816 = arith.index_cast %parallel_loop3A_815 : i32 to index
      %parallel_loop3A_817 = arith.index_cast %parallel_loop3A_535 : i32 to index
      %parallel_loop3A_818 = tpu.vector_load %arg12[%parallel_loop3A_816, %parallel_loop3A_817] {strides = array<i32>} : memref<64x512xf32, #tpu.memory_space<vmem>>, vector<16xf32>,
      tpu.vector_store %arg12[%parallel_loop3A_816, %parallel_loop3A_817], %parallel_loop3A_730 {strides = array<i32>} : memref<64x512xf32, #tpu.memory_space<vmem>>, vector<16xf32>,
      %parallel_loop3A_819 = arith.constant 20 : i32
      %parallel_loop3A_820 = arith.index_cast %parallel_loop3A_819 : i32 to index
      %parallel_loop3A_821 = arith.index_cast %parallel_loop3A_535 : i32 to index
      %parallel_loop3A_822 = tpu.vector_load %arg12[%parallel_loop3A_820, %parallel_loop3A_821] {strides = array<i32>} : memref<64x512xf32, #tpu.memory_space<vmem>>, vector<16xf32>,
      tpu.vector_store %arg12[%parallel_loop3A_820, %parallel_loop3A_821], %parallel_loop3A_736 {strides = array<i32>} : memref<64x512xf32, #tpu.memory_space<vmem>>, vector<16xf32>,
      %parallel_loop3A_823 = arith.constant 21 : i32
      %parallel_loop3A_824 = arith.index_cast %parallel_loop3A_823 : i32 to index
      %parallel_loop3A_825 = arith.index_cast %parallel_loop3A_535 : i32 to index
      %parallel_loop3A_826 = tpu.vector_load %arg12[%parallel_loop3A_824, %parallel_loop3A_825] {strides = array<i32>} : memref<64x512xf32, #tpu.memory_space<vmem>>, vector<16xf32>,
      tpu.vector_store %arg12[%parallel_loop3A_824, %parallel_loop3A_825], %parallel_loop3A_742 {strides = array<i32>} : memref<64x512xf32, #tpu.memory_space<vmem>>, vector<16xf32>,
      %parallel_loop3A_827 = arith.constant 22 : i32
      %parallel_loop3A_828 = arith.index_cast %parallel_loop3A_827 : i32 to index
      %parallel_loop3A_829 = arith.index_cast %parallel_loop3A_535 : i32 to index
      %parallel_loop3A_830 = tpu.vector_load %arg12[%parallel_loop3A_828, %parallel_loop3A_829] {strides = array<i32>} : memref<64x512xf32, #tpu.memory_space<vmem>>, vector<16xf32>,
      tpu.vector_store %arg12[%parallel_loop3A_828, %parallel_loop3A_829], %parallel_loop3A_748 {strides = array<i32>} : memref<64x512xf32, #tpu.memory_space<vmem>>, vector<16xf32>,
      %parallel_loop3A_831 = arith.constant 23 : i32
      %parallel_loop3A_832 = arith.index_cast %parallel_loop3A_831 : i32 to index
      %parallel_loop3A_833 = arith.index_cast %parallel_loop3A_535 : i32 to index
      %parallel_loop3A_834 = tpu.vector_load %arg12[%parallel_loop3A_832, %parallel_loop3A_833] {strides = array<i32>} : memref<64x512xf32, #tpu.memory_space<vmem>>, vector<16xf32>,
      tpu.vector_store %arg12[%parallel_loop3A_832, %parallel_loop3A_833], %parallel_loop3A_754 {strides = array<i32>} : memref<64x512xf32, #tpu.memory_space<vmem>>, vector<16xf32>,
      %parallel_loop3A_835 = arith.constant 24 : i32
      %parallel_loop3A_836 = arith.index_cast %parallel_loop3A_835 : i32 to index
      %parallel_loop3A_837 = arith.index_cast %parallel_loop3A_535 : i32 to index
      %parallel_loop3A_838 = tpu.vector_load %arg12[%parallel_loop3A_836, %parallel_loop3A_837] {strides = array<i32>} : memref<64x512xf32, #tpu.memory_space<vmem>>, vector<16xf32>,
      tpu.vector_store %arg12[%parallel_loop3A_836, %parallel_loop3A_837], %parallel_loop3A_760 {strides = array<i32>} : memref<64x512xf32, #tpu.memory_space<vmem>>, vector<16xf32>,
      %parallel_loop3A_839 = arith.constant 25 : i32
      %parallel_loop3A_840 = arith.index_cast %parallel_loop3A_839 : i32 to index
      %parallel_loop3A_841 = arith.index_cast %parallel_loop3A_535 : i32 to index
      %parallel_loop3A_842 = tpu.vector_load %arg12[%parallel_loop3A_840, %parallel_loop3A_841] {strides = array<i32>} : memref<64x512xf32, #tpu.memory_space<vmem>>, vector<16xf32>,
      tpu.vector_store %arg12[%parallel_loop3A_840, %parallel_loop3A_841], %parallel_loop3A_766 {strides = array<i32>} : memref<64x512xf32, #tpu.memory_space<vmem>>, vector<16xf32>,
      %parallel_loop3A_843 = arith.constant 26 : i32
      %parallel_loop3A_844 = arith.index_cast %parallel_loop3A_843 : i32 to index
      %parallel_loop3A_845 = arith.index_cast %parallel_loop3A_535 : i32 to index
      %parallel_loop3A_846 = tpu.vector_load %arg12[%parallel_loop3A_844, %parallel_loop3A_845] {strides = array<i32>} : memref<64x512xf32, #tpu.memory_space<vmem>>, vector<16xf32>,
      tpu.vector_store %arg12[%parallel_loop3A_844, %parallel_loop3A_845], %parallel_loop3A_772 {strides = array<i32>} : memref<64x512xf32, #tpu.memory_space<vmem>>, vector<16xf32>,
      %parallel_loop3A_847 = arith.constant 27 : i32
      %parallel_loop3A_848 = arith.index_cast %parallel_loop3A_847 : i32 to index
      %parallel_loop3A_849 = arith.index_cast %parallel_loop3A_535 : i32 to index
      %parallel_loop3A_850 = tpu.vector_load %arg12[%parallel_loop3A_848, %parallel_loop3A_849] {strides = array<i32>} : memref<64x512xf32, #tpu.memory_space<vmem>>, vector<16xf32>,
      tpu.vector_store %arg12[%parallel_loop3A_848, %parallel_loop3A_849], %parallel_loop3A_778 {strides = array<i32>} : memref<64x512xf32, #tpu.memory_space<vmem>>, vector<16xf32>,
      %parallel_loop3A_851 = arith.constant 28 : i32
      %parallel_loop3A_852 = arith.index_cast %parallel_loop3A_851 : i32 to index
      %parallel_loop3A_853 = arith.index_cast %parallel_loop3A_535 : i32 to index
      %parallel_loop3A_854 = tpu.vector_load %arg12[%parallel_loop3A_852, %parallel_loop3A_853] {strides = array<i32>} : memref<64x512xf32, #tpu.memory_space<vmem>>, vector<16xf32>,
      tpu.vector_store %arg12[%parallel_loop3A_852, %parallel_loop3A_853], %parallel_loop3A_784 {strides = array<i32>} : memref<64x512xf32, #tpu.memory_space<vmem>>, vector<16xf32>,
      %parallel_loop3A_855 = arith.constant 29 : i32
      %parallel_loop3A_856 = arith.index_cast %parallel_loop3A_855 : i32 to index
      %parallel_loop3A_857 = arith.index_cast %parallel_loop3A_535 : i32 to index
      %parallel_loop3A_858 = tpu.vector_load %arg12[%parallel_loop3A_856, %parallel_loop3A_857] {strides = array<i32>} : memref<64x512xf32, #tpu.memory_space<vmem>>, vector<16xf32>,
      tpu.vector_store %arg12[%parallel_loop3A_856, %parallel_loop3A_857], %parallel_loop3A_790 {strides = array<i32>} : memref<64x512xf32, #tpu.memory_space<vmem>>, vector<16xf32>,
      %parallel_loop3A_859 = arith.constant 30 : i32
      %parallel_loop3A_860 = arith.index_cast %parallel_loop3A_859 : i32 to index
      %parallel_loop3A_861 = arith.index_cast %parallel_loop3A_535 : i32 to index
      %parallel_loop3A_862 = tpu.vector_load %arg12[%parallel_loop3A_860, %parallel_loop3A_861] {strides = array<i32>} : memref<64x512xf32, #tpu.memory_space<vmem>>, vector<16xf32>,
      tpu.vector_store %arg12[%parallel_loop3A_860, %parallel_loop3A_861], %parallel_loop3A_796 {strides = array<i32>} : memref<64x512xf32, #tpu.memory_space<vmem>>, vector<16xf32>,
      %parallel_loop3A_863 = arith.constant 31 : i32
      %parallel_loop3A_864 = arith.index_cast %parallel_loop3A_863 : i32 to index
      %parallel_loop3A_865 = arith.index_cast %parallel_loop3A_535 : i32 to index
      %parallel_loop3A_866 = tpu.vector_load %arg12[%parallel_loop3A_864, %parallel_loop3A_865] {strides = array<i32>} : memref<64x512xf32, #tpu.memory_space<vmem>>, vector<16xf32>,
      tpu.vector_store %arg12[%parallel_loop3A_864, %parallel_loop3A_865], %parallel_loop3A_802 {strides = array<i32>} : memref<64x512xf32, #tpu.memory_space<vmem>>, vector<16xf32>,
      %parallel_loop3A_867 = arith.constant 0 : i32
      %parallel_loop3A_868 = vector.broadcast %parallel_loop3A_867 : i32 to vector<16xi32>
      %parallel_loop3A_869 = tpu.vector_load_idx %arg9[%parallel_loop3A_868, %parallel_loop3A_546] : memref<32x32xf32, #tpu.memory_space<vmem>>[vector<16xi32>, vector<16xi32>], vector<16xf32>,
      %parallel_loop3A_870 = arith.constant 1 : i32
      %parallel_loop3A_871 = vector.broadcast %parallel_loop3A_870 : i32 to vector<16xi32>
      %parallel_loop3A_872 = tpu.vector_load_idx %arg9[%parallel_loop3A_871, %parallel_loop3A_546] : memref<32x32xf32, #tpu.memory_space<vmem>>[vector<16xi32>, vector<16xi32>], vector<16xf32>,
      %parallel_loop3A_873 = arith.constant 2 : i32
      %parallel_loop3A_874 = vector.broadcast %parallel_loop3A_873 : i32 to vector<16xi32>
      %parallel_loop3A_875 = tpu.vector_load_idx %arg9[%parallel_loop3A_874, %parallel_loop3A_546] : memref<32x32xf32, #tpu.memory_space<vmem>>[vector<16xi32>, vector<16xi32>], vector<16xf32>,
      %parallel_loop3A_876 = arith.constant 3 : i32
      %parallel_loop3A_877 = vector.broadcast %parallel_loop3A_876 : i32 to vector<16xi32>
      %parallel_loop3A_878 = tpu.vector_load_idx %arg9[%parallel_loop3A_877, %parallel_loop3A_546] : memref<32x32xf32, #tpu.memory_space<vmem>>[vector<16xi32>, vector<16xi32>], vector<16xf32>,
      %parallel_loop3A_879 = arith.constant 4 : i32
      %parallel_loop3A_880 = vector.broadcast %parallel_loop3A_879 : i32 to vector<16xi32>
      %parallel_loop3A_881 = tpu.vector_load_idx %arg9[%parallel_loop3A_880, %parallel_loop3A_546] : memref<32x32xf32, #tpu.memory_space<vmem>>[vector<16xi32>, vector<16xi32>], vector<16xf32>,
      %parallel_loop3A_882 = arith.constant 5 : i32
      %parallel_loop3A_883 = vector.broadcast %parallel_loop3A_882 : i32 to vector<16xi32>
      %parallel_loop3A_884 = tpu.vector_load_idx %arg9[%parallel_loop3A_883, %parallel_loop3A_546] : memref<32x32xf32, #tpu.memory_space<vmem>>[vector<16xi32>, vector<16xi32>], vector<16xf32>,
      %parallel_loop3A_885 = arith.constant 6 : i32
      %parallel_loop3A_886 = vector.broadcast %parallel_loop3A_885 : i32 to vector<16xi32>
      %parallel_loop3A_887 = tpu.vector_load_idx %arg9[%parallel_loop3A_886, %parallel_loop3A_546] : memref<32x32xf32, #tpu.memory_space<vmem>>[vector<16xi32>, vector<16xi32>], vector<16xf32>,
      %parallel_loop3A_888 = arith.constant 7 : i32
      %parallel_loop3A_889 = vector.broadcast %parallel_loop3A_888 : i32 to vector<16xi32>
      %parallel_loop3A_890 = tpu.vector_load_idx %arg9[%parallel_loop3A_889, %parallel_loop3A_546] : memref<32x32xf32, #tpu.memory_space<vmem>>[vector<16xi32>, vector<16xi32>], vector<16xf32>,
      %parallel_loop3A_891 = arith.constant 8 : i32
      %parallel_loop3A_892 = vector.broadcast %parallel_loop3A_891 : i32 to vector<16xi32>
      %parallel_loop3A_893 = tpu.vector_load_idx %arg9[%parallel_loop3A_892, %parallel_loop3A_546] : memref<32x32xf32, #tpu.memory_space<vmem>>[vector<16xi32>, vector<16xi32>], vector<16xf32>,
      %parallel_loop3A_894 = arith.constant 9 : i32
      %parallel_loop3A_895 = vector.broadcast %parallel_loop3A_894 : i32 to vector<16xi32>
      %parallel_loop3A_896 = tpu.vector_load_idx %arg9[%parallel_loop3A_895, %parallel_loop3A_546] : memref<32x32xf32, #tpu.memory_space<vmem>>[vector<16xi32>, vector<16xi32>], vector<16xf32>,
      %parallel_loop3A_897 = arith.constant 10 : i32
      %parallel_loop3A_898 = vector.broadcast %parallel_loop3A_897 : i32 to vector<16xi32>
      %parallel_loop3A_899 = tpu.vector_load_idx %arg9[%parallel_loop3A_898, %parallel_loop3A_546] : memref<32x32xf32, #tpu.memory_space<vmem>>[vector<16xi32>, vector<16xi32>], vector<16xf32>,
      %parallel_loop3A_900 = arith.constant 11 : i32
      %parallel_loop3A_901 = vector.broadcast %parallel_loop3A_900 : i32 to vector<16xi32>
      %parallel_loop3A_902 = tpu.vector_load_idx %arg9[%parallel_loop3A_901, %parallel_loop3A_546] : memref<32x32xf32, #tpu.memory_space<vmem>>[vector<16xi32>, vector<16xi32>], vector<16xf32>,
      %parallel_loop3A_903 = arith.constant 12 : i32
      %parallel_loop3A_904 = vector.broadcast %parallel_loop3A_903 : i32 to vector<16xi32>
      %parallel_loop3A_905 = tpu.vector_load_idx %arg9[%parallel_loop3A_904, %parallel_loop3A_546] : memref<32x32xf32, #tpu.memory_space<vmem>>[vector<16xi32>, vector<16xi32>], vector<16xf32>,
      %parallel_loop3A_906 = arith.constant 13 : i32
      %parallel_loop3A_907 = vector.broadcast %parallel_loop3A_906 : i32 to vector<16xi32>
      %parallel_loop3A_908 = tpu.vector_load_idx %arg9[%parallel_loop3A_907, %parallel_loop3A_546] : memref<32x32xf32, #tpu.memory_space<vmem>>[vector<16xi32>, vector<16xi32>], vector<16xf32>,
      %parallel_loop3A_909 = arith.constant 14 : i32
      %parallel_loop3A_910 = vector.broadcast %parallel_loop3A_909 : i32 to vector<16xi32>
      %parallel_loop3A_911 = tpu.vector_load_idx %arg9[%parallel_loop3A_910, %parallel_loop3A_546] : memref<32x32xf32, #tpu.memory_space<vmem>>[vector<16xi32>, vector<16xi32>], vector<16xf32>,
      %parallel_loop3A_912 = arith.constant 15 : i32
      %parallel_loop3A_913 = vector.broadcast %parallel_loop3A_912 : i32 to vector<16xi32>
      %parallel_loop3A_914 = tpu.vector_load_idx %arg9[%parallel_loop3A_913, %parallel_loop3A_546] : memref<32x32xf32, #tpu.memory_space<vmem>>[vector<16xi32>, vector<16xi32>], vector<16xf32>,
      %parallel_loop3A_915 = arith.constant 32 : i32
      %parallel_loop3A_916 = arith.index_cast %parallel_loop3A_915 : i32 to index
      %parallel_loop3A_917 = arith.index_cast %parallel_loop3A_535 : i32 to index
      %parallel_loop3A_918 = tpu.vector_load %arg12[%parallel_loop3A_916, %parallel_loop3A_917] {strides = array<i32>} : memref<64x512xf32, #tpu.memory_space<vmem>>, vector<16xf32>,
      tpu.vector_store %arg12[%parallel_loop3A_916, %parallel_loop3A_917], %parallel_loop3A_869 {strides = array<i32>} : memref<64x512xf32, #tpu.memory_space<vmem>>, vector<16xf32>,
      %parallel_loop3A_919 = arith.constant 33 : i32
      %parallel_loop3A_920 = arith.index_cast %parallel_loop3A_919 : i32 to index
      %parallel_loop3A_921 = arith.index_cast %parallel_loop3A_535 : i32 to index
      %parallel_loop3A_922 = tpu.vector_load %arg12[%parallel_loop3A_920, %parallel_loop3A_921] {strides = array<i32>} : memref<64x512xf32, #tpu.memory_space<vmem>>, vector<16xf32>,
      tpu.vector_store %arg12[%parallel_loop3A_920, %parallel_loop3A_921], %parallel_loop3A_872 {strides = array<i32>} : memref<64x512xf32, #tpu.memory_space<vmem>>, vector<16xf32>,
      %parallel_loop3A_923 = arith.constant 34 : i32
      %parallel_loop3A_924 = arith.index_cast %parallel_loop3A_923 : i32 to index
      %parallel_loop3A_925 = arith.index_cast %parallel_loop3A_535 : i32 to index
      %parallel_loop3A_926 = tpu.vector_load %arg12[%parallel_loop3A_924, %parallel_loop3A_925] {strides = array<i32>} : memref<64x512xf32, #tpu.memory_space<vmem>>, vector<16xf32>,
      tpu.vector_store %arg12[%parallel_loop3A_924, %parallel_loop3A_925], %parallel_loop3A_875 {strides = array<i32>} : memref<64x512xf32, #tpu.memory_space<vmem>>, vector<16xf32>,
      %parallel_loop3A_927 = arith.constant 35 : i32
      %parallel_loop3A_928 = arith.index_cast %parallel_loop3A_927 : i32 to index
      %parallel_loop3A_929 = arith.index_cast %parallel_loop3A_535 : i32 to index
      %parallel_loop3A_930 = tpu.vector_load %arg12[%parallel_loop3A_928, %parallel_loop3A_929] {strides = array<i32>} : memref<64x512xf32, #tpu.memory_space<vmem>>, vector<16xf32>,
      tpu.vector_store %arg12[%parallel_loop3A_928, %parallel_loop3A_929], %parallel_loop3A_878 {strides = array<i32>} : memref<64x512xf32, #tpu.memory_space<vmem>>, vector<16xf32>,
      %parallel_loop3A_931 = arith.constant 36 : i32
      %parallel_loop3A_932 = arith.index_cast %parallel_loop3A_931 : i32 to index
      %parallel_loop3A_933 = arith.index_cast %parallel_loop3A_535 : i32 to index
      %parallel_loop3A_934 = tpu.vector_load %arg12[%parallel_loop3A_932, %parallel_loop3A_933] {strides = array<i32>} : memref<64x512xf32, #tpu.memory_space<vmem>>, vector<16xf32>,
      tpu.vector_store %arg12[%parallel_loop3A_932, %parallel_loop3A_933], %parallel_loop3A_881 {strides = array<i32>} : memref<64x512xf32, #tpu.memory_space<vmem>>, vector<16xf32>,
      %parallel_loop3A_935 = arith.constant 37 : i32
      %parallel_loop3A_936 = arith.index_cast %parallel_loop3A_935 : i32 to index
      %parallel_loop3A_937 = arith.index_cast %parallel_loop3A_535 : i32 to index
      %parallel_loop3A_938 = tpu.vector_load %arg12[%parallel_loop3A_936, %parallel_loop3A_937] {strides = array<i32>} : memref<64x512xf32, #tpu.memory_space<vmem>>, vector<16xf32>,
      tpu.vector_store %arg12[%parallel_loop3A_936, %parallel_loop3A_937], %parallel_loop3A_884 {strides = array<i32>} : memref<64x512xf32, #tpu.memory_space<vmem>>, vector<16xf32>,
      %parallel_loop3A_939 = arith.constant 38 : i32
      %parallel_loop3A_940 = arith.index_cast %parallel_loop3A_939 : i32 to index
      %parallel_loop3A_941 = arith.index_cast %parallel_loop3A_535 : i32 to index
      %parallel_loop3A_942 = tpu.vector_load %arg12[%parallel_loop3A_940, %parallel_loop3A_941] {strides = array<i32>} : memref<64x512xf32, #tpu.memory_space<vmem>>, vector<16xf32>,
      tpu.vector_store %arg12[%parallel_loop3A_940, %parallel_loop3A_941], %parallel_loop3A_887 {strides = array<i32>} : memref<64x512xf32, #tpu.memory_space<vmem>>, vector<16xf32>,
      %parallel_loop3A_943 = arith.constant 39 : i32
      %parallel_loop3A_944 = arith.index_cast %parallel_loop3A_943 : i32 to index
      %parallel_loop3A_945 = arith.index_cast %parallel_loop3A_535 : i32 to index
      %parallel_loop3A_946 = tpu.vector_load %arg12[%parallel_loop3A_944, %parallel_loop3A_945] {strides = array<i32>} : memref<64x512xf32, #tpu.memory_space<vmem>>, vector<16xf32>,
      tpu.vector_store %arg12[%parallel_loop3A_944, %parallel_loop3A_945], %parallel_loop3A_890 {strides = array<i32>} : memref<64x512xf32, #tpu.memory_space<vmem>>, vector<16xf32>,
      %parallel_loop3A_947 = arith.constant 40 : i32
      %parallel_loop3A_948 = arith.index_cast %parallel_loop3A_947 : i32 to index
      %parallel_loop3A_949 = arith.index_cast %parallel_loop3A_535 : i32 to index
      %parallel_loop3A_950 = tpu.vector_load %arg12[%parallel_loop3A_948, %parallel_loop3A_949] {strides = array<i32>} : memref<64x512xf32, #tpu.memory_space<vmem>>, vector<16xf32>,
      tpu.vector_store %arg12[%parallel_loop3A_948, %parallel_loop3A_949], %parallel_loop3A_893 {strides = array<i32>} : memref<64x512xf32, #tpu.memory_space<vmem>>, vector<16xf32>,
      %parallel_loop3A_951 = arith.constant 41 : i32
      %parallel_loop3A_952 = arith.index_cast %parallel_loop3A_951 : i32 to index
      %parallel_loop3A_953 = arith.index_cast %parallel_loop3A_535 : i32 to index
      %parallel_loop3A_954 = tpu.vector_load %arg12[%parallel_loop3A_952, %parallel_loop3A_953] {strides = array<i32>} : memref<64x512xf32, #tpu.memory_space<vmem>>, vector<16xf32>,
      tpu.vector_store %arg12[%parallel_loop3A_952, %parallel_loop3A_953], %parallel_loop3A_896 {strides = array<i32>} : memref<64x512xf32, #tpu.memory_space<vmem>>, vector<16xf32>,
      %parallel_loop3A_955 = arith.constant 42 : i32
      %parallel_loop3A_956 = arith.index_cast %parallel_loop3A_955 : i32 to index
      %parallel_loop3A_957 = arith.index_cast %parallel_loop3A_535 : i32 to index
      %parallel_loop3A_958 = tpu.vector_load %arg12[%parallel_loop3A_956, %parallel_loop3A_957] {strides = array<i32>} : memref<64x512xf32, #tpu.memory_space<vmem>>, vector<16xf32>,
      tpu.vector_store %arg12[%parallel_loop3A_956, %parallel_loop3A_957], %parallel_loop3A_899 {strides = array<i32>} : memref<64x512xf32, #tpu.memory_space<vmem>>, vector<16xf32>,
      %parallel_loop3A_959 = arith.constant 43 : i32
      %parallel_loop3A_960 = arith.index_cast %parallel_loop3A_959 : i32 to index
      %parallel_loop3A_961 = arith.index_cast %parallel_loop3A_535 : i32 to index
      %parallel_loop3A_962 = tpu.vector_load %arg12[%parallel_loop3A_960, %parallel_loop3A_961] {strides = array<i32>} : memref<64x512xf32, #tpu.memory_space<vmem>>, vector<16xf32>,
      tpu.vector_store %arg12[%parallel_loop3A_960, %parallel_loop3A_961], %parallel_loop3A_902 {strides = array<i32>} : memref<64x512xf32, #tpu.memory_space<vmem>>, vector<16xf32>,
      %parallel_loop3A_963 = arith.constant 44 : i32
      %parallel_loop3A_964 = arith.index_cast %parallel_loop3A_963 : i32 to index
      %parallel_loop3A_965 = arith.index_cast %parallel_loop3A_535 : i32 to index
      %parallel_loop3A_966 = tpu.vector_load %arg12[%parallel_loop3A_964, %parallel_loop3A_965] {strides = array<i32>} : memref<64x512xf32, #tpu.memory_space<vmem>>, vector<16xf32>,
      tpu.vector_store %arg12[%parallel_loop3A_964, %parallel_loop3A_965], %parallel_loop3A_905 {strides = array<i32>} : memref<64x512xf32, #tpu.memory_space<vmem>>, vector<16xf32>,
      %parallel_loop3A_967 = arith.constant 45 : i32
      %parallel_loop3A_968 = arith.index_cast %parallel_loop3A_967 : i32 to index
      %parallel_loop3A_969 = arith.index_cast %parallel_loop3A_535 : i32 to index
      %parallel_loop3A_970 = tpu.vector_load %arg12[%parallel_loop3A_968, %parallel_loop3A_969] {strides = array<i32>} : memref<64x512xf32, #tpu.memory_space<vmem>>, vector<16xf32>,
      tpu.vector_store %arg12[%parallel_loop3A_968, %parallel_loop3A_969], %parallel_loop3A_908 {strides = array<i32>} : memref<64x512xf32, #tpu.memory_space<vmem>>, vector<16xf32>,
      %parallel_loop3A_971 = arith.constant 46 : i32
      %parallel_loop3A_972 = arith.index_cast %parallel_loop3A_971 : i32 to index
      %parallel_loop3A_973 = arith.index_cast %parallel_loop3A_535 : i32 to index
      %parallel_loop3A_974 = tpu.vector_load %arg12[%parallel_loop3A_972, %parallel_loop3A_973] {strides = array<i32>} : memref<64x512xf32, #tpu.memory_space<vmem>>, vector<16xf32>,
      tpu.vector_store %arg12[%parallel_loop3A_972, %parallel_loop3A_973], %parallel_loop3A_911 {strides = array<i32>} : memref<64x512xf32, #tpu.memory_space<vmem>>, vector<16xf32>,
      %parallel_loop3A_975 = arith.constant 47 : i32
      %parallel_loop3A_976 = arith.index_cast %parallel_loop3A_975 : i32 to index
      %parallel_loop3A_977 = arith.index_cast %parallel_loop3A_535 : i32 to index
      %parallel_loop3A_978 = tpu.vector_load %arg12[%parallel_loop3A_976, %parallel_loop3A_977] {strides = array<i32>} : memref<64x512xf32, #tpu.memory_space<vmem>>, vector<16xf32>,
      tpu.vector_store %arg12[%parallel_loop3A_976, %parallel_loop3A_977], %parallel_loop3A_914 {strides = array<i32>} : memref<64x512xf32, #tpu.memory_space<vmem>>, vector<16xf32>,
      %parallel_loop3A_979 = arith.constant 16 : i32
      %parallel_loop3A_980 = vector.broadcast %parallel_loop3A_979 : i32 to vector<16xi32>
      %parallel_loop3A_981 = tpu.vector_load_idx %arg9[%parallel_loop3A_980, %parallel_loop3A_546] : memref<32x32xf32, #tpu.memory_space<vmem>>[vector<16xi32>, vector<16xi32>], vector<16xf32>,
      %parallel_loop3A_982 = arith.constant 17 : i32
      %parallel_loop3A_983 = vector.broadcast %parallel_loop3A_982 : i32 to vector<16xi32>
      %parallel_loop3A_984 = tpu.vector_load_idx %arg9[%parallel_loop3A_983, %parallel_loop3A_546] : memref<32x32xf32, #tpu.memory_space<vmem>>[vector<16xi32>, vector<16xi32>], vector<16xf32>,
      %parallel_loop3A_985 = arith.constant 18 : i32
      %parallel_loop3A_986 = vector.broadcast %parallel_loop3A_985 : i32 to vector<16xi32>
      %parallel_loop3A_987 = tpu.vector_load_idx %arg9[%parallel_loop3A_986, %parallel_loop3A_546] : memref<32x32xf32, #tpu.memory_space<vmem>>[vector<16xi32>, vector<16xi32>], vector<16xf32>,
      %parallel_loop3A_988 = arith.constant 19 : i32
      %parallel_loop3A_989 = vector.broadcast %parallel_loop3A_988 : i32 to vector<16xi32>
      %parallel_loop3A_990 = tpu.vector_load_idx %arg9[%parallel_loop3A_989, %parallel_loop3A_546] : memref<32x32xf32, #tpu.memory_space<vmem>>[vector<16xi32>, vector<16xi32>], vector<16xf32>,
      %parallel_loop3A_991 = arith.constant 20 : i32
      %parallel_loop3A_992 = vector.broadcast %parallel_loop3A_991 : i32 to vector<16xi32>
      %parallel_loop3A_993 = tpu.vector_load_idx %arg9[%parallel_loop3A_992, %parallel_loop3A_546] : memref<32x32xf32, #tpu.memory_space<vmem>>[vector<16xi32>, vector<16xi32>], vector<16xf32>,
      %parallel_loop3A_994 = arith.constant 21 : i32
      %parallel_loop3A_995 = vector.broadcast %parallel_loop3A_994 : i32 to vector<16xi32>
      %parallel_loop3A_996 = tpu.vector_load_idx %arg9[%parallel_loop3A_995, %parallel_loop3A_546] : memref<32x32xf32, #tpu.memory_space<vmem>>[vector<16xi32>, vector<16xi32>], vector<16xf32>,
      %parallel_loop3A_997 = arith.constant 22 : i32
      %parallel_loop3A_998 = vector.broadcast %parallel_loop3A_997 : i32 to vector<16xi32>
      %parallel_loop3A_999 = tpu.vector_load_idx %arg9[%parallel_loop3A_998, %parallel_loop3A_546] : memref<32x32xf32, #tpu.memory_space<vmem>>[vector<16xi32>, vector<16xi32>], vector<16xf32>,
      %parallel_loop3A_1000 = arith.constant 23 : i32
      %parallel_loop3A_1001 = vector.broadcast %parallel_loop3A_1000 : i32 to vector<16xi32>
      %parallel_loop3A_1002 = tpu.vector_load_idx %arg9[%parallel_loop3A_1001, %parallel_loop3A_546] : memref<32x32xf32, #tpu.memory_space<vmem>>[vector<16xi32>, vector<16xi32>], vector<16xf32>,
      %parallel_loop3A_1003 = arith.constant 24 : i32
      %parallel_loop3A_1004 = vector.broadcast %parallel_loop3A_1003 : i32 to vector<16xi32>
      %parallel_loop3A_1005 = tpu.vector_load_idx %arg9[%parallel_loop3A_1004, %parallel_loop3A_546] : memref<32x32xf32, #tpu.memory_space<vmem>>[vector<16xi32>, vector<16xi32>], vector<16xf32>,
      %parallel_loop3A_1006 = arith.constant 25 : i32
      %parallel_loop3A_1007 = vector.broadcast %parallel_loop3A_1006 : i32 to vector<16xi32>
      %parallel_loop3A_1008 = tpu.vector_load_idx %arg9[%parallel_loop3A_1007, %parallel_loop3A_546] : memref<32x32xf32, #tpu.memory_space<vmem>>[vector<16xi32>, vector<16xi32>], vector<16xf32>,
      %parallel_loop3A_1009 = arith.constant 26 : i32
      %parallel_loop3A_1010 = vector.broadcast %parallel_loop3A_1009 : i32 to vector<16xi32>
      %parallel_loop3A_1011 = tpu.vector_load_idx %arg9[%parallel_loop3A_1010, %parallel_loop3A_546] : memref<32x32xf32, #tpu.memory_space<vmem>>[vector<16xi32>, vector<16xi32>], vector<16xf32>,
      %parallel_loop3A_1012 = arith.constant 27 : i32
      %parallel_loop3A_1013 = vector.broadcast %parallel_loop3A_1012 : i32 to vector<16xi32>
      %parallel_loop3A_1014 = tpu.vector_load_idx %arg9[%parallel_loop3A_1013, %parallel_loop3A_546] : memref<32x32xf32, #tpu.memory_space<vmem>>[vector<16xi32>, vector<16xi32>], vector<16xf32>,
      %parallel_loop3A_1015 = arith.constant 28 : i32
      %parallel_loop3A_1016 = vector.broadcast %parallel_loop3A_1015 : i32 to vector<16xi32>
      %parallel_loop3A_1017 = tpu.vector_load_idx %arg9[%parallel_loop3A_1016, %parallel_loop3A_546] : memref<32x32xf32, #tpu.memory_space<vmem>>[vector<16xi32>, vector<16xi32>], vector<16xf32>,
      %parallel_loop3A_1018 = arith.constant 29 : i32
      %parallel_loop3A_1019 = vector.broadcast %parallel_loop3A_1018 : i32 to vector<16xi32>
      %parallel_loop3A_1020 = tpu.vector_load_idx %arg9[%parallel_loop3A_1019, %parallel_loop3A_546] : memref<32x32xf32, #tpu.memory_space<vmem>>[vector<16xi32>, vector<16xi32>], vector<16xf32>,
      %parallel_loop3A_1021 = arith.constant 30 : i32
      %parallel_loop3A_1022 = vector.broadcast %parallel_loop3A_1021 : i32 to vector<16xi32>
      %parallel_loop3A_1023 = tpu.vector_load_idx %arg9[%parallel_loop3A_1022, %parallel_loop3A_546] : memref<32x32xf32, #tpu.memory_space<vmem>>[vector<16xi32>, vector<16xi32>], vector<16xf32>,
      %parallel_loop3A_1024 = arith.constant 31 : i32
      %parallel_loop3A_1025 = vector.broadcast %parallel_loop3A_1024 : i32 to vector<16xi32>
      %parallel_loop3A_1026 = tpu.vector_load_idx %arg9[%parallel_loop3A_1025, %parallel_loop3A_546] : memref<32x32xf32, #tpu.memory_space<vmem>>[vector<16xi32>, vector<16xi32>], vector<16xf32>,
      %parallel_loop3A_1027 = arith.constant 48 : i32
      %parallel_loop3A_1028 = arith.index_cast %parallel_loop3A_1027 : i32 to index
      %parallel_loop3A_1029 = arith.index_cast %parallel_loop3A_535 : i32 to index
      %parallel_loop3A_1030 = tpu.vector_load %arg12[%parallel_loop3A_1028, %parallel_loop3A_1029] {strides = array<i32>} : memref<64x512xf32, #tpu.memory_space<vmem>>, vector<16xf32>,
      tpu.vector_store %arg12[%parallel_loop3A_1028, %parallel_loop3A_1029], %parallel_loop3A_981 {strides = array<i32>} : memref<64x512xf32, #tpu.memory_space<vmem>>, vector<16xf32>,
      %parallel_loop3A_1031 = arith.constant 49 : i32
      %parallel_loop3A_1032 = arith.index_cast %parallel_loop3A_1031 : i32 to index
      %parallel_loop3A_1033 = arith.index_cast %parallel_loop3A_535 : i32 to index
      %parallel_loop3A_1034 = tpu.vector_load %arg12[%parallel_loop3A_1032, %parallel_loop3A_1033] {strides = array<i32>} : memref<64x512xf32, #tpu.memory_space<vmem>>, vector<16xf32>,
      tpu.vector_store %arg12[%parallel_loop3A_1032, %parallel_loop3A_1033], %parallel_loop3A_984 {strides = array<i32>} : memref<64x512xf32, #tpu.memory_space<vmem>>, vector<16xf32>,
      %parallel_loop3A_1035 = arith.constant 50 : i32
      %parallel_loop3A_1036 = arith.index_cast %parallel_loop3A_1035 : i32 to index
      %parallel_loop3A_1037 = arith.index_cast %parallel_loop3A_535 : i32 to index
      %parallel_loop3A_1038 = tpu.vector_load %arg12[%parallel_loop3A_1036, %parallel_loop3A_1037] {strides = array<i32>} : memref<64x512xf32, #tpu.memory_space<vmem>>, vector<16xf32>,
      tpu.vector_store %arg12[%parallel_loop3A_1036, %parallel_loop3A_1037], %parallel_loop3A_987 {strides = array<i32>} : memref<64x512xf32, #tpu.memory_space<vmem>>, vector<16xf32>,
      %parallel_loop3A_1039 = arith.constant 51 : i32
      %parallel_loop3A_1040 = arith.index_cast %parallel_loop3A_1039 : i32 to index
      %parallel_loop3A_1041 = arith.index_cast %parallel_loop3A_535 : i32 to index
      %parallel_loop3A_1042 = tpu.vector_load %arg12[%parallel_loop3A_1040, %parallel_loop3A_1041] {strides = array<i32>} : memref<64x512xf32, #tpu.memory_space<vmem>>, vector<16xf32>,
      tpu.vector_store %arg12[%parallel_loop3A_1040, %parallel_loop3A_1041], %parallel_loop3A_990 {strides = array<i32>} : memref<64x512xf32, #tpu.memory_space<vmem>>, vector<16xf32>,
      %parallel_loop3A_1043 = arith.constant 52 : i32
      %parallel_loop3A_1044 = arith.index_cast %parallel_loop3A_1043 : i32 to index
      %parallel_loop3A_1045 = arith.index_cast %parallel_loop3A_535 : i32 to index
      %parallel_loop3A_1046 = tpu.vector_load %arg12[%parallel_loop3A_1044, %parallel_loop3A_1045] {strides = array<i32>} : memref<64x512xf32, #tpu.memory_space<vmem>>, vector<16xf32>,
      tpu.vector_store %arg12[%parallel_loop3A_1044, %parallel_loop3A_1045], %parallel_loop3A_993 {strides = array<i32>} : memref<64x512xf32, #tpu.memory_space<vmem>>, vector<16xf32>,
      %parallel_loop3A_1047 = arith.constant 53 : i32
      %parallel_loop3A_1048 = arith.index_cast %parallel_loop3A_1047 : i32 to index
      %parallel_loop3A_1049 = arith.index_cast %parallel_loop3A_535 : i32 to index
      %parallel_loop3A_1050 = tpu.vector_load %arg12[%parallel_loop3A_1048, %parallel_loop3A_1049] {strides = array<i32>} : memref<64x512xf32, #tpu.memory_space<vmem>>, vector<16xf32>,
      tpu.vector_store %arg12[%parallel_loop3A_1048, %parallel_loop3A_1049], %parallel_loop3A_996 {strides = array<i32>} : memref<64x512xf32, #tpu.memory_space<vmem>>, vector<16xf32>,
      %parallel_loop3A_1051 = arith.constant 54 : i32
      %parallel_loop3A_1052 = arith.index_cast %parallel_loop3A_1051 : i32 to index
      %parallel_loop3A_1053 = arith.index_cast %parallel_loop3A_535 : i32 to index
      %parallel_loop3A_1054 = tpu.vector_load %arg12[%parallel_loop3A_1052, %parallel_loop3A_1053] {strides = array<i32>} : memref<64x512xf32, #tpu.memory_space<vmem>>, vector<16xf32>,
      tpu.vector_store %arg12[%parallel_loop3A_1052, %parallel_loop3A_1053], %parallel_loop3A_999 {strides = array<i32>} : memref<64x512xf32, #tpu.memory_space<vmem>>, vector<16xf32>,
      %parallel_loop3A_1055 = arith.constant 55 : i32
      %parallel_loop3A_1056 = arith.index_cast %parallel_loop3A_1055 : i32 to index
      %parallel_loop3A_1057 = arith.index_cast %parallel_loop3A_535 : i32 to index
      %parallel_loop3A_1058 = tpu.vector_load %arg12[%parallel_loop3A_1056, %parallel_loop3A_1057] {strides = array<i32>} : memref<64x512xf32, #tpu.memory_space<vmem>>, vector<16xf32>,
      tpu.vector_store %arg12[%parallel_loop3A_1056, %parallel_loop3A_1057], %parallel_loop3A_1002 {strides = array<i32>} : memref<64x512xf32, #tpu.memory_space<vmem>>, vector<16xf32>,
      %parallel_loop3A_1059 = arith.constant 56 : i32
      %parallel_loop3A_1060 = arith.index_cast %parallel_loop3A_1059 : i32 to index
      %parallel_loop3A_1061 = arith.index_cast %parallel_loop3A_535 : i32 to index
      %parallel_loop3A_1062 = tpu.vector_load %arg12[%parallel_loop3A_1060, %parallel_loop3A_1061] {strides = array<i32>} : memref<64x512xf32, #tpu.memory_space<vmem>>, vector<16xf32>,
      tpu.vector_store %arg12[%parallel_loop3A_1060, %parallel_loop3A_1061], %parallel_loop3A_1005 {strides = array<i32>} : memref<64x512xf32, #tpu.memory_space<vmem>>, vector<16xf32>,
      %parallel_loop3A_1063 = arith.constant 57 : i32
      %parallel_loop3A_1064 = arith.index_cast %parallel_loop3A_1063 : i32 to index
      %parallel_loop3A_1065 = arith.index_cast %parallel_loop3A_535 : i32 to index
      %parallel_loop3A_1066 = tpu.vector_load %arg12[%parallel_loop3A_1064, %parallel_loop3A_1065] {strides = array<i32>} : memref<64x512xf32, #tpu.memory_space<vmem>>, vector<16xf32>,
      tpu.vector_store %arg12[%parallel_loop3A_1064, %parallel_loop3A_1065], %parallel_loop3A_1008 {strides = array<i32>} : memref<64x512xf32, #tpu.memory_space<vmem>>, vector<16xf32>,
      %parallel_loop3A_1067 = arith.constant 58 : i32
      %parallel_loop3A_1068 = arith.index_cast %parallel_loop3A_1067 : i32 to index
      %parallel_loop3A_1069 = arith.index_cast %parallel_loop3A_535 : i32 to index
      %parallel_loop3A_1070 = tpu.vector_load %arg12[%parallel_loop3A_1068, %parallel_loop3A_1069] {strides = array<i32>} : memref<64x512xf32, #tpu.memory_space<vmem>>, vector<16xf32>,
      tpu.vector_store %arg12[%parallel_loop3A_1068, %parallel_loop3A_1069], %parallel_loop3A_1011 {strides = array<i32>} : memref<64x512xf32, #tpu.memory_space<vmem>>, vector<16xf32>,
      %parallel_loop3A_1071 = arith.constant 59 : i32
      %parallel_loop3A_1072 = arith.index_cast %parallel_loop3A_1071 : i32 to index
      %parallel_loop3A_1073 = arith.index_cast %parallel_loop3A_535 : i32 to index
      %parallel_loop3A_1074 = tpu.vector_load %arg12[%parallel_loop3A_1072, %parallel_loop3A_1073] {strides = array<i32>} : memref<64x512xf32, #tpu.memory_space<vmem>>, vector<16xf32>,
      tpu.vector_store %arg12[%parallel_loop3A_1072, %parallel_loop3A_1073], %parallel_loop3A_1014 {strides = array<i32>} : memref<64x512xf32, #tpu.memory_space<vmem>>, vector<16xf32>,
      %parallel_loop3A_1075 = arith.constant 60 : i32
      %parallel_loop3A_1076 = arith.index_cast %parallel_loop3A_1075 : i32 to index
      %parallel_loop3A_1077 = arith.index_cast %parallel_loop3A_535 : i32 to index
      %parallel_loop3A_1078 = tpu.vector_load %arg12[%parallel_loop3A_1076, %parallel_loop3A_1077] {strides = array<i32>} : memref<64x512xf32, #tpu.memory_space<vmem>>, vector<16xf32>,
      tpu.vector_store %arg12[%parallel_loop3A_1076, %parallel_loop3A_1077], %parallel_loop3A_1017 {strides = array<i32>} : memref<64x512xf32, #tpu.memory_space<vmem>>, vector<16xf32>,
      %parallel_loop3A_1079 = arith.constant 61 : i32
      %parallel_loop3A_1080 = arith.index_cast %parallel_loop3A_1079 : i32 to index
      %parallel_loop3A_1081 = arith.index_cast %parallel_loop3A_535 : i32 to index
      %parallel_loop3A_1082 = tpu.vector_load %arg12[%parallel_loop3A_1080, %parallel_loop3A_1081] {strides = array<i32>} : memref<64x512xf32, #tpu.memory_space<vmem>>, vector<16xf32>,
      tpu.vector_store %arg12[%parallel_loop3A_1080, %parallel_loop3A_1081], %parallel_loop3A_1020 {strides = array<i32>} : memref<64x512xf32, #tpu.memory_space<vmem>>, vector<16xf32>,
      %parallel_loop3A_1083 = arith.constant 62 : i32
      %parallel_loop3A_1084 = arith.index_cast %parallel_loop3A_1083 : i32 to index
      %parallel_loop3A_1085 = arith.index_cast %parallel_loop3A_535 : i32 to index
      %parallel_loop3A_1086 = tpu.vector_load %arg12[%parallel_loop3A_1084, %parallel_loop3A_1085] {strides = array<i32>} : memref<64x512xf32, #tpu.memory_space<vmem>>, vector<16xf32>,
      tpu.vector_store %arg12[%parallel_loop3A_1084, %parallel_loop3A_1085], %parallel_loop3A_1023 {strides = array<i32>} : memref<64x512xf32, #tpu.memory_space<vmem>>, vector<16xf32>,
      %parallel_loop3A_1087 = arith.constant 63 : i32
      %parallel_loop3A_1088 = arith.index_cast %parallel_loop3A_1087 : i32 to index
      %parallel_loop3A_1089 = arith.index_cast %parallel_loop3A_535 : i32 to index
      %parallel_loop3A_1090 = tpu.vector_load %arg12[%parallel_loop3A_1088, %parallel_loop3A_1089] {strides = array<i32>} : memref<64x512xf32, #tpu.memory_space<vmem>>, vector<16xf32>,
      tpu.vector_store %arg12[%parallel_loop3A_1088, %parallel_loop3A_1089], %parallel_loop3A_1026 {strides = array<i32>} : memref<64x512xf32, #tpu.memory_space<vmem>>, vector<16xf32>,
    } {sc.loop_unroll_factor = 1 : i64, sc.parallel_access}
    "tpu.trace_stop"() : () -> ()
    %dma_start3A_495 = arith.constant 0 : i32
    %dma_start3A_496 = arith.constant 0 : i32
    %dma_start3A_497 = tpu.memref_slice %arg12[%dma_start3A_495, %dma_start3A_496] : memref<64x512xf32, #tpu.memory_space<vmem>> -> memref<64x256xf32, #tpu.memory_space<vmem>>
    %dma_start3A_498 = arith.constant 0 : i32
    %dma_start3A_499 = tpu.memref_slice %arg6[%dma_start3A_498, %mul3A_2] : memref<64x16384xf32, #tpu.memory_space<hbm>> -> memref<64x256xf32, #tpu.memory_space<hbm>>
    %dma_start3A_500 = arith.constant 0 : i32
    %dma_start3A_501 = tpu.memref_slice %arg6[%dma_start3A_500, %mul3A_2] : memref<64x16384xf32, #tpu.memory_space<hbm>> -> memref<64x256xf32, #tpu.memory_space<hbm>>
    %dma_start3A_502 = arith.constant 0 : i32
    %dma_start3A_503 = arith.constant 0 : i32
    %dma_start3A_504 = tpu.memref_slice %arg12[%dma_start3A_502, %dma_start3A_503] : memref<64x512xf32, #tpu.memory_space<vmem>> -> memref<64x256xf32, #tpu.memory_space<vmem>>
    tpu.enqueue_dma source(%dma_start3A_504 : memref<64x256xf32, #tpu.memory_space<vmem>>) target(%dma_start3A_501 : memref<64x256xf32, #tpu.memory_space<hbm>>) target_semaphore(%arg13 : memref<!tpu.dma_semaphore, #tpu.memory_space<semaphore_mem>>)
    "tpu.trace_start"() <{level = 10 : i32, message = "wait_idx2"}> : () -> ()
    %dma_wait3A_505 = arith.constant 256 : i32
    %dma_wait3A_506 = tpu.memref_slice %arg10[%dma_wait3A_505] : memref<512xi32, #tpu.memory_space<vmem>> -> memref<256xi32, #tpu.memory_space<vmem>>
    %dma_wait3A_507 = tpu.memref_slice %arg4[%add3A_4] : memref<16384xi32, #tpu.memory_space<hbm>> -> memref<256xi32, #tpu.memory_space<hbm>>
    %dma_wait3A_508 = arith.constant 256 : i32
    %dma_wait3A_509 = tpu.memref_slice %arg10[%dma_wait3A_508] : memref<512xi32, #tpu.memory_space<vmem>> -> memref<256xi32, #tpu.memory_space<vmem>>
    %dma_wait3A_510 = tpu.memref_slice %arg4[%add3A_4] : memref<16384xi32, #tpu.memory_space<hbm>> -> memref<256xi32, #tpu.memory_space<hbm>>
    tpu.wait_dma2 semaphore(%arg14 : memref<!tpu.dma_semaphore, #tpu.memory_space<semaphore_mem>>) src(%dma_wait3A_510 : memref<256xi32, #tpu.memory_space<hbm>>) dst(%dma_wait3A_509 : memref<256xi32, #tpu.memory_space<vmem>>)
    %dma_wait3A_511 = arith.constant 256 : i32
    %dma_wait3A_512 = tpu.memref_slice %arg11[%dma_wait3A_511] : memref<512xi32, #tpu.memory_space<vmem>> -> memref<256xi32, #tpu.memory_space<vmem>>
    %dma_wait3A_513 = tpu.memref_slice %arg5[%add3A_11] : memref<16384xi32, #tpu.memory_space<hbm>> -> memref<256xi32, #tpu.memory_space<hbm>>
    %dma_wait3A_514 = arith.constant 256 : i32
    %dma_wait3A_515 = tpu.memref_slice %arg11[%dma_wait3A_514] : memref<512xi32, #tpu.memory_space<vmem>> -> memref<256xi32, #tpu.memory_space<vmem>>
    %dma_wait3A_516 = tpu.memref_slice %arg5[%add3A_11] : memref<16384xi32, #tpu.memory_space<hbm>> -> memref<256xi32, #tpu.memory_space<hbm>>
    tpu.wait_dma2 semaphore(%arg14 : memref<!tpu.dma_semaphore, #tpu.memory_space<semaphore_mem>>) src(%dma_wait3A_516 : memref<256xi32, #tpu.memory_space<hbm>>) dst(%dma_wait3A_515 : memref<256xi32, #tpu.memory_space<vmem>>)
    %parallel_loop3A_517 = arith.constant 16 : i32
    %parallel_loop3A_518 = arith.constant 32 : i32
    %parallel_loop3A_519 = arith.constant 1 : i32
    "tpu.trace_stop"() : () -> ()
    "tpu.trace_start"() <{level = 10 : i32, message = "gather_loop2"}> : () -> ()
    scf.for %parallel_loop3A_532 = %parallel_loop3A_517 to %parallel_loop3A_518 step %parallel_loop3A_519  : i32 {
      %parallel_loop3A_533 = arith.constant 16 : i32
      %parallel_loop3A_534 = arith.muli %parallel_loop3A_532, %parallel_loop3A_533 : i32
      %parallel_loop3A_535 = tpu.assume_multiple %parallel_loop3A_534, 16 : i32
      %parallel_loop3A_536 = arith.index_cast %parallel_loop3A_535 : i32 to index
      %parallel_loop3A_537 = tpu.vector_load %arg10[%parallel_loop3A_536] {strides = array<i32>} : memref<512xi32, #tpu.memory_space<vmem>>, vector<16xi32>,
      %parallel_loop3A_538 = arith.index_cast %parallel_loop3A_535 : i32 to index
      %parallel_loop3A_539 = tpu.vector_load %arg11[%parallel_loop3A_538] {strides = array<i32>} : memref<512xi32, #tpu.memory_space<vmem>>, vector<16xi32>,
      %parallel_loop3A_540 = arith.constant 0 : i32
      %parallel_loop3A_541 = vector.broadcast %parallel_loop3A_540 : i32 to vector<16xi32>
      %parallel_loop3A_542 = arith.cmpi eq, %parallel_loop3A_537, %parallel_loop3A_541 : vector<16xi32>
      %parallel_loop3A_543 = arith.constant 4 : i32
      %parallel_loop3A_544 = vector.broadcast %parallel_loop3A_543 : i32 to vector<16xi32>
      %parallel_loop3A_545 = arith.select %parallel_loop3A_542, %parallel_loop3A_544, %parallel_loop3A_539 : vector<16xi1>, vector<16xi32>
      %parallel_loop3A_546 = arith.addi %parallel_loop3A_545, %mul3A_492 : vector<16xi32>
      %parallel_loop3A_547 = arith.constant 0 : i32
      %parallel_loop3A_548 = vector.broadcast %parallel_loop3A_547 : i32 to vector<16xi32>
      %parallel_loop3A_549 = tpu.vector_load_idx %arg7[%parallel_loop3A_548, %parallel_loop3A_537] : memref<32x129xf32, #tpu.memory_space<vmem>>[vector<16xi32>, vector<16xi32>], vector<16xf32>,
      %parallel_loop3A_550 = arith.constant 0.000000e+00 : f32
      %parallel_loop3A_551 = vector.broadcast %parallel_loop3A_550 : f32 to vector<16xf32>
      %parallel_loop3A_552 = arith.select %parallel_loop3A_542, %parallel_loop3A_551, %parallel_loop3A_549 : vector<16xi1>, vector<16xf32>
      %parallel_loop3A_553 = arith.constant 1 : i32
      %parallel_loop3A_554 = vector.broadcast %parallel_loop3A_553 : i32 to vector<16xi32>
      %parallel_loop3A_555 = tpu.vector_load_idx %arg7[%parallel_loop3A_554, %parallel_loop3A_537] : memref<32x129xf32, #tpu.memory_space<vmem>>[vector<16xi32>, vector<16xi32>], vector<16xf32>,
      %parallel_loop3A_556 = arith.constant 0.000000e+00 : f32
      %parallel_loop3A_557 = vector.broadcast %parallel_loop3A_556 : f32 to vector<16xf32>
      %parallel_loop3A_558 = arith.select %parallel_loop3A_542, %parallel_loop3A_557, %parallel_loop3A_555 : vector<16xi1>, vector<16xf32>
      %parallel_loop3A_559 = arith.constant 2 : i32
      %parallel_loop3A_560 = vector.broadcast %parallel_loop3A_559 : i32 to vector<16xi32>
      %parallel_loop3A_561 = tpu.vector_load_idx %arg7[%parallel_loop3A_560, %parallel_loop3A_537] : memref<32x129xf32, #tpu.memory_space<vmem>>[vector<16xi32>, vector<16xi32>], vector<16xf32>,
      %parallel_loop3A_562 = arith.constant 0.000000e+00 : f32
      %parallel_loop3A_563 = vector.broadcast %parallel_loop3A_562 : f32 to vector<16xf32>
      %parallel_loop3A_564 = arith.select %parallel_loop3A_542, %parallel_loop3A_563, %parallel_loop3A_561 : vector<16xi1>, vector<16xf32>
      %parallel_loop3A_565 = arith.constant 3 : i32
      %parallel_loop3A_566 = vector.broadcast %parallel_loop3A_565 : i32 to vector<16xi32>
      %parallel_loop3A_567 = tpu.vector_load_idx %arg7[%parallel_loop3A_566, %parallel_loop3A_537] : memref<32x129xf32, #tpu.memory_space<vmem>>[vector<16xi32>, vector<16xi32>], vector<16xf32>,
      %parallel_loop3A_568 = arith.constant 0.000000e+00 : f32
      %parallel_loop3A_569 = vector.broadcast %parallel_loop3A_568 : f32 to vector<16xf32>
      %parallel_loop3A_570 = arith.select %parallel_loop3A_542, %parallel_loop3A_569, %parallel_loop3A_567 : vector<16xi1>, vector<16xf32>
      %parallel_loop3A_571 = arith.constant 4 : i32
      %parallel_loop3A_572 = vector.broadcast %parallel_loop3A_571 : i32 to vector<16xi32>
      %parallel_loop3A_573 = tpu.vector_load_idx %arg7[%parallel_loop3A_572, %parallel_loop3A_537] : memref<32x129xf32, #tpu.memory_space<vmem>>[vector<16xi32>, vector<16xi32>], vector<16xf32>,
      %parallel_loop3A_574 = arith.constant 0.000000e+00 : f32
      %parallel_loop3A_575 = vector.broadcast %parallel_loop3A_574 : f32 to vector<16xf32>
      %parallel_loop3A_576 = arith.select %parallel_loop3A_542, %parallel_loop3A_575, %parallel_loop3A_573 : vector<16xi1>, vector<16xf32>
      %parallel_loop3A_577 = arith.constant 5 : i32
      %parallel_loop3A_578 = vector.broadcast %parallel_loop3A_577 : i32 to vector<16xi32>
      %parallel_loop3A_579 = tpu.vector_load_idx %arg7[%parallel_loop3A_578, %parallel_loop3A_537] : memref<32x129xf32, #tpu.memory_space<vmem>>[vector<16xi32>, vector<16xi32>], vector<16xf32>,
      %parallel_loop3A_580 = arith.constant 0.000000e+00 : f32
      %parallel_loop3A_581 = vector.broadcast %parallel_loop3A_580 : f32 to vector<16xf32>
      %parallel_loop3A_582 = arith.select %parallel_loop3A_542, %parallel_loop3A_581, %parallel_loop3A_579 : vector<16xi1>, vector<16xf32>
      %parallel_loop3A_583 = arith.constant 6 : i32
      %parallel_loop3A_584 = vector.broadcast %parallel_loop3A_583 : i32 to vector<16xi32>
      %parallel_loop3A_585 = tpu.vector_load_idx %arg7[%parallel_loop3A_584, %parallel_loop3A_537] : memref<32x129xf32, #tpu.memory_space<vmem>>[vector<16xi32>, vector<16xi32>], vector<16xf32>,
      %parallel_loop3A_586 = arith.constant 0.000000e+00 : f32
      %parallel_loop3A_587 = vector.broadcast %parallel_loop3A_586 : f32 to vector<16xf32>
      %parallel_loop3A_588 = arith.select %parallel_loop3A_542, %parallel_loop3A_587, %parallel_loop3A_585 : vector<16xi1>, vector<16xf32>
      %parallel_loop3A_589 = arith.constant 7 : i32
      %parallel_loop3A_590 = vector.broadcast %parallel_loop3A_589 : i32 to vector<16xi32>
      %parallel_loop3A_591 = tpu.vector_load_idx %arg7[%parallel_loop3A_590, %parallel_loop3A_537] : memref<32x129xf32, #tpu.memory_space<vmem>>[vector<16xi32>, vector<16xi32>], vector<16xf32>,
      %parallel_loop3A_592 = arith.constant 0.000000e+00 : f32
      %parallel_loop3A_593 = vector.broadcast %parallel_loop3A_592 : f32 to vector<16xf32>
      %parallel_loop3A_594 = arith.select %parallel_loop3A_542, %parallel_loop3A_593, %parallel_loop3A_591 : vector<16xi1>, vector<16xf32>
      %parallel_loop3A_595 = arith.constant 8 : i32
      %parallel_loop3A_596 = vector.broadcast %parallel_loop3A_595 : i32 to vector<16xi32>
      %parallel_loop3A_597 = tpu.vector_load_idx %arg7[%parallel_loop3A_596, %parallel_loop3A_537] : memref<32x129xf32, #tpu.memory_space<vmem>>[vector<16xi32>, vector<16xi32>], vector<16xf32>,
      %parallel_loop3A_598 = arith.constant 0.000000e+00 : f32
      %parallel_loop3A_599 = vector.broadcast %parallel_loop3A_598 : f32 to vector<16xf32>
      %parallel_loop3A_600 = arith.select %parallel_loop3A_542, %parallel_loop3A_599, %parallel_loop3A_597 : vector<16xi1>, vector<16xf32>
      %parallel_loop3A_601 = arith.constant 9 : i32
      %parallel_loop3A_602 = vector.broadcast %parallel_loop3A_601 : i32 to vector<16xi32>
      %parallel_loop3A_603 = tpu.vector_load_idx %arg7[%parallel_loop3A_602, %parallel_loop3A_537] : memref<32x129xf32, #tpu.memory_space<vmem>>[vector<16xi32>, vector<16xi32>], vector<16xf32>,
      %parallel_loop3A_604 = arith.constant 0.000000e+00 : f32
      %parallel_loop3A_605 = vector.broadcast %parallel_loop3A_604 : f32 to vector<16xf32>
      %parallel_loop3A_606 = arith.select %parallel_loop3A_542, %parallel_loop3A_605, %parallel_loop3A_603 : vector<16xi1>, vector<16xf32>
      %parallel_loop3A_607 = arith.constant 10 : i32
      %parallel_loop3A_608 = vector.broadcast %parallel_loop3A_607 : i32 to vector<16xi32>
      %parallel_loop3A_609 = tpu.vector_load_idx %arg7[%parallel_loop3A_608, %parallel_loop3A_537] : memref<32x129xf32, #tpu.memory_space<vmem>>[vector<16xi32>, vector<16xi32>], vector<16xf32>,
      %parallel_loop3A_610 = arith.constant 0.000000e+00 : f32
      %parallel_loop3A_611 = vector.broadcast %parallel_loop3A_610 : f32 to vector<16xf32>
      %parallel_loop3A_612 = arith.select %parallel_loop3A_542, %parallel_loop3A_611, %parallel_loop3A_609 : vector<16xi1>, vector<16xf32>
      %parallel_loop3A_613 = arith.constant 11 : i32
      %parallel_loop3A_614 = vector.broadcast %parallel_loop3A_613 : i32 to vector<16xi32>
      %parallel_loop3A_615 = tpu.vector_load_idx %arg7[%parallel_loop3A_614, %parallel_loop3A_537] : memref<32x129xf32, #tpu.memory_space<vmem>>[vector<16xi32>, vector<16xi32>], vector<16xf32>,
      %parallel_loop3A_616 = arith.constant 0.000000e+00 : f32
      %parallel_loop3A_617 = vector.broadcast %parallel_loop3A_616 : f32 to vector<16xf32>
      %parallel_loop3A_618 = arith.select %parallel_loop3A_542, %parallel_loop3A_617, %parallel_loop3A_615 : vector<16xi1>, vector<16xf32>
      %parallel_loop3A_619 = arith.constant 12 : i32
      %parallel_loop3A_620 = vector.broadcast %parallel_loop3A_619 : i32 to vector<16xi32>
      %parallel_loop3A_621 = tpu.vector_load_idx %arg7[%parallel_loop3A_620, %parallel_loop3A_537] : memref<32x129xf32, #tpu.memory_space<vmem>>[vector<16xi32>, vector<16xi32>], vector<16xf32>,
      %parallel_loop3A_622 = arith.constant 0.000000e+00 : f32
      %parallel_loop3A_623 = vector.broadcast %parallel_loop3A_622 : f32 to vector<16xf32>
      %parallel_loop3A_624 = arith.select %parallel_loop3A_542, %parallel_loop3A_623, %parallel_loop3A_621 : vector<16xi1>, vector<16xf32>
      %parallel_loop3A_625 = arith.constant 13 : i32
      %parallel_loop3A_626 = vector.broadcast %parallel_loop3A_625 : i32 to vector<16xi32>
      %parallel_loop3A_627 = tpu.vector_load_idx %arg7[%parallel_loop3A_626, %parallel_loop3A_537] : memref<32x129xf32, #tpu.memory_space<vmem>>[vector<16xi32>, vector<16xi32>], vector<16xf32>,
      %parallel_loop3A_628 = arith.constant 0.000000e+00 : f32
      %parallel_loop3A_629 = vector.broadcast %parallel_loop3A_628 : f32 to vector<16xf32>
      %parallel_loop3A_630 = arith.select %parallel_loop3A_542, %parallel_loop3A_629, %parallel_loop3A_627 : vector<16xi1>, vector<16xf32>
      %parallel_loop3A_631 = arith.constant 14 : i32
      %parallel_loop3A_632 = vector.broadcast %parallel_loop3A_631 : i32 to vector<16xi32>
      %parallel_loop3A_633 = tpu.vector_load_idx %arg7[%parallel_loop3A_632, %parallel_loop3A_537] : memref<32x129xf32, #tpu.memory_space<vmem>>[vector<16xi32>, vector<16xi32>], vector<16xf32>,
      %parallel_loop3A_634 = arith.constant 0.000000e+00 : f32
      %parallel_loop3A_635 = vector.broadcast %parallel_loop3A_634 : f32 to vector<16xf32>
      %parallel_loop3A_636 = arith.select %parallel_loop3A_542, %parallel_loop3A_635, %parallel_loop3A_633 : vector<16xi1>, vector<16xf32>
      %parallel_loop3A_637 = arith.constant 15 : i32
      %parallel_loop3A_638 = vector.broadcast %parallel_loop3A_637 : i32 to vector<16xi32>
      %parallel_loop3A_639 = tpu.vector_load_idx %arg7[%parallel_loop3A_638, %parallel_loop3A_537] : memref<32x129xf32, #tpu.memory_space<vmem>>[vector<16xi32>, vector<16xi32>], vector<16xf32>,
      %parallel_loop3A_640 = arith.constant 0.000000e+00 : f32
      %parallel_loop3A_641 = vector.broadcast %parallel_loop3A_640 : f32 to vector<16xf32>
      %parallel_loop3A_642 = arith.select %parallel_loop3A_542, %parallel_loop3A_641, %parallel_loop3A_639 : vector<16xi1>, vector<16xf32>
      %parallel_loop3A_643 = arith.constant 0 : i32
      %parallel_loop3A_644 = arith.index_cast %parallel_loop3A_643 : i32 to index
      %parallel_loop3A_645 = arith.index_cast %parallel_loop3A_535 : i32 to index
      %parallel_loop3A_646 = tpu.vector_load %arg12[%parallel_loop3A_644, %parallel_loop3A_645] {strides = array<i32>} : memref<64x512xf32, #tpu.memory_space<vmem>>, vector<16xf32>,
      tpu.vector_store %arg12[%parallel_loop3A_644, %parallel_loop3A_645], %parallel_loop3A_552 {strides = array<i32>} : memref<64x512xf32, #tpu.memory_space<vmem>>, vector<16xf32>,
      %parallel_loop3A_647 = arith.constant 1 : i32
      %parallel_loop3A_648 = arith.index_cast %parallel_loop3A_647 : i32 to index
      %parallel_loop3A_649 = arith.index_cast %parallel_loop3A_535 : i32 to index
      %parallel_loop3A_650 = tpu.vector_load %arg12[%parallel_loop3A_648, %parallel_loop3A_649] {strides = array<i32>} : memref<64x512xf32, #tpu.memory_space<vmem>>, vector<16xf32>,
      tpu.vector_store %arg12[%parallel_loop3A_648, %parallel_loop3A_649], %parallel_loop3A_558 {strides = array<i32>} : memref<64x512xf32, #tpu.memory_space<vmem>>, vector<16xf32>,
      %parallel_loop3A_651 = arith.constant 2 : i32
      %parallel_loop3A_652 = arith.index_cast %parallel_loop3A_651 : i32 to index
      %parallel_loop3A_653 = arith.index_cast %parallel_loop3A_535 : i32 to index
      %parallel_loop3A_654 = tpu.vector_load %arg12[%parallel_loop3A_652, %parallel_loop3A_653] {strides = array<i32>} : memref<64x512xf32, #tpu.memory_space<vmem>>, vector<16xf32>,
      tpu.vector_store %arg12[%parallel_loop3A_652, %parallel_loop3A_653], %parallel_loop3A_564 {strides = array<i32>} : memref<64x512xf32, #tpu.memory_space<vmem>>, vector<16xf32>,
      %parallel_loop3A_655 = arith.constant 3 : i32
      %parallel_loop3A_656 = arith.index_cast %parallel_loop3A_655 : i32 to index
      %parallel_loop3A_657 = arith.index_cast %parallel_loop3A_535 : i32 to index
      %parallel_loop3A_658 = tpu.vector_load %arg12[%parallel_loop3A_656, %parallel_loop3A_657] {strides = array<i32>} : memref<64x512xf32, #tpu.memory_space<vmem>>, vector<16xf32>,
      tpu.vector_store %arg12[%parallel_loop3A_656, %parallel_loop3A_657], %parallel_loop3A_570 {strides = array<i32>} : memref<64x512xf32, #tpu.memory_space<vmem>>, vector<16xf32>,
      %parallel_loop3A_659 = arith.constant 4 : i32
      %parallel_loop3A_660 = arith.index_cast %parallel_loop3A_659 : i32 to index
      %parallel_loop3A_661 = arith.index_cast %parallel_loop3A_535 : i32 to index
      %parallel_loop3A_662 = tpu.vector_load %arg12[%parallel_loop3A_660, %parallel_loop3A_661] {strides = array<i32>} : memref<64x512xf32, #tpu.memory_space<vmem>>, vector<16xf32>,
      tpu.vector_store %arg12[%parallel_loop3A_660, %parallel_loop3A_661], %parallel_loop3A_576 {strides = array<i32>} : memref<64x512xf32, #tpu.memory_space<vmem>>, vector<16xf32>,
      %parallel_loop3A_663 = arith.constant 5 : i32
      %parallel_loop3A_664 = arith.index_cast %parallel_loop3A_663 : i32 to index
      %parallel_loop3A_665 = arith.index_cast %parallel_loop3A_535 : i32 to index
      %parallel_loop3A_666 = tpu.vector_load %arg12[%parallel_loop3A_664, %parallel_loop3A_665] {strides = array<i32>} : memref<64x512xf32, #tpu.memory_space<vmem>>, vector<16xf32>,
      tpu.vector_store %arg12[%parallel_loop3A_664, %parallel_loop3A_665], %parallel_loop3A_582 {strides = array<i32>} : memref<64x512xf32, #tpu.memory_space<vmem>>, vector<16xf32>,
      %parallel_loop3A_667 = arith.constant 6 : i32
      %parallel_loop3A_668 = arith.index_cast %parallel_loop3A_667 : i32 to index
      %parallel_loop3A_669 = arith.index_cast %parallel_loop3A_535 : i32 to index
      %parallel_loop3A_670 = tpu.vector_load %arg12[%parallel_loop3A_668, %parallel_loop3A_669] {strides = array<i32>} : memref<64x512xf32, #tpu.memory_space<vmem>>, vector<16xf32>,
      tpu.vector_store %arg12[%parallel_loop3A_668, %parallel_loop3A_669], %parallel_loop3A_588 {strides = array<i32>} : memref<64x512xf32, #tpu.memory_space<vmem>>, vector<16xf32>,
      %parallel_loop3A_671 = arith.constant 7 : i32
      %parallel_loop3A_672 = arith.index_cast %parallel_loop3A_671 : i32 to index
      %parallel_loop3A_673 = arith.index_cast %parallel_loop3A_535 : i32 to index
      %parallel_loop3A_674 = tpu.vector_load %arg12[%parallel_loop3A_672, %parallel_loop3A_673] {strides = array<i32>} : memref<64x512xf32, #tpu.memory_space<vmem>>, vector<16xf32>,
      tpu.vector_store %arg12[%parallel_loop3A_672, %parallel_loop3A_673], %parallel_loop3A_594 {strides = array<i32>} : memref<64x512xf32, #tpu.memory_space<vmem>>, vector<16xf32>,
      %parallel_loop3A_675 = arith.constant 8 : i32
      %parallel_loop3A_676 = arith.index_cast %parallel_loop3A_675 : i32 to index
      %parallel_loop3A_677 = arith.index_cast %parallel_loop3A_535 : i32 to index
      %parallel_loop3A_678 = tpu.vector_load %arg12[%parallel_loop3A_676, %parallel_loop3A_677] {strides = array<i32>} : memref<64x512xf32, #tpu.memory_space<vmem>>, vector<16xf32>,
      tpu.vector_store %arg12[%parallel_loop3A_676, %parallel_loop3A_677], %parallel_loop3A_600 {strides = array<i32>} : memref<64x512xf32, #tpu.memory_space<vmem>>, vector<16xf32>,
      %parallel_loop3A_679 = arith.constant 9 : i32
      %parallel_loop3A_680 = arith.index_cast %parallel_loop3A_679 : i32 to index
      %parallel_loop3A_681 = arith.index_cast %parallel_loop3A_535 : i32 to index
      %parallel_loop3A_682 = tpu.vector_load %arg12[%parallel_loop3A_680, %parallel_loop3A_681] {strides = array<i32>} : memref<64x512xf32, #tpu.memory_space<vmem>>, vector<16xf32>,
      tpu.vector_store %arg12[%parallel_loop3A_680, %parallel_loop3A_681], %parallel_loop3A_606 {strides = array<i32>} : memref<64x512xf32, #tpu.memory_space<vmem>>, vector<16xf32>,
      %parallel_loop3A_683 = arith.constant 10 : i32
      %parallel_loop3A_684 = arith.index_cast %parallel_loop3A_683 : i32 to index
      %parallel_loop3A_685 = arith.index_cast %parallel_loop3A_535 : i32 to index
      %parallel_loop3A_686 = tpu.vector_load %arg12[%parallel_loop3A_684, %parallel_loop3A_685] {strides = array<i32>} : memref<64x512xf32, #tpu.memory_space<vmem>>, vector<16xf32>,
      tpu.vector_store %arg12[%parallel_loop3A_684, %parallel_loop3A_685], %parallel_loop3A_612 {strides = array<i32>} : memref<64x512xf32, #tpu.memory_space<vmem>>, vector<16xf32>,
      %parallel_loop3A_687 = arith.constant 11 : i32
      %parallel_loop3A_688 = arith.index_cast %parallel_loop3A_687 : i32 to index
      %parallel_loop3A_689 = arith.index_cast %parallel_loop3A_535 : i32 to index
      %parallel_loop3A_690 = tpu.vector_load %arg12[%parallel_loop3A_688, %parallel_loop3A_689] {strides = array<i32>} : memref<64x512xf32, #tpu.memory_space<vmem>>, vector<16xf32>,
      tpu.vector_store %arg12[%parallel_loop3A_688, %parallel_loop3A_689], %parallel_loop3A_618 {strides = array<i32>} : memref<64x512xf32, #tpu.memory_space<vmem>>, vector<16xf32>,
      %parallel_loop3A_691 = arith.constant 12 : i32
      %parallel_loop3A_692 = arith.index_cast %parallel_loop3A_691 : i32 to index
      %parallel_loop3A_693 = arith.index_cast %parallel_loop3A_535 : i32 to index
      %parallel_loop3A_694 = tpu.vector_load %arg12[%parallel_loop3A_692, %parallel_loop3A_693] {strides = array<i32>} : memref<64x512xf32, #tpu.memory_space<vmem>>, vector<16xf32>,
      tpu.vector_store %arg12[%parallel_loop3A_692, %parallel_loop3A_693], %parallel_loop3A_624 {strides = array<i32>} : memref<64x512xf32, #tpu.memory_space<vmem>>, vector<16xf32>,
      %parallel_loop3A_695 = arith.constant 13 : i32
      %parallel_loop3A_696 = arith.index_cast %parallel_loop3A_695 : i32 to index
      %parallel_loop3A_697 = arith.index_cast %parallel_loop3A_535 : i32 to index
      %parallel_loop3A_698 = tpu.vector_load %arg12[%parallel_loop3A_696, %parallel_loop3A_697] {strides = array<i32>} : memref<64x512xf32, #tpu.memory_space<vmem>>, vector<16xf32>,
      tpu.vector_store %arg12[%parallel_loop3A_696, %parallel_loop3A_697], %parallel_loop3A_630 {strides = array<i32>} : memref<64x512xf32, #tpu.memory_space<vmem>>, vector<16xf32>,
      %parallel_loop3A_699 = arith.constant 14 : i32
      %parallel_loop3A_700 = arith.index_cast %parallel_loop3A_699 : i32 to index
      %parallel_loop3A_701 = arith.index_cast %parallel_loop3A_535 : i32 to index
      %parallel_loop3A_702 = tpu.vector_load %arg12[%parallel_loop3A_700, %parallel_loop3A_701] {strides = array<i32>} : memref<64x512xf32, #tpu.memory_space<vmem>>, vector<16xf32>,
      tpu.vector_store %arg12[%parallel_loop3A_700, %parallel_loop3A_701], %parallel_loop3A_636 {strides = array<i32>} : memref<64x512xf32, #tpu.memory_space<vmem>>, vector<16xf32>,
      %parallel_loop3A_703 = arith.constant 15 : i32
      %parallel_loop3A_704 = arith.index_cast %parallel_loop3A_703 : i32 to index
      %parallel_loop3A_705 = arith.index_cast %parallel_loop3A_535 : i32 to index
      %parallel_loop3A_706 = tpu.vector_load %arg12[%parallel_loop3A_704, %parallel_loop3A_705] {strides = array<i32>} : memref<64x512xf32, #tpu.memory_space<vmem>>, vector<16xf32>,
      tpu.vector_store %arg12[%parallel_loop3A_704, %parallel_loop3A_705], %parallel_loop3A_642 {strides = array<i32>} : memref<64x512xf32, #tpu.memory_space<vmem>>, vector<16xf32>,
      %parallel_loop3A_707 = arith.constant 16 : i32
      %parallel_loop3A_708 = vector.broadcast %parallel_loop3A_707 : i32 to vector<16xi32>
      %parallel_loop3A_709 = tpu.vector_load_idx %arg7[%parallel_loop3A_708, %parallel_loop3A_537] : memref<32x129xf32, #tpu.memory_space<vmem>>[vector<16xi32>, vector<16xi32>], vector<16xf32>,
      %parallel_loop3A_710 = arith.constant 0.000000e+00 : f32
      %parallel_loop3A_711 = vector.broadcast %parallel_loop3A_710 : f32 to vector<16xf32>
      %parallel_loop3A_712 = arith.select %parallel_loop3A_542, %parallel_loop3A_711, %parallel_loop3A_709 : vector<16xi1>, vector<16xf32>
      %parallel_loop3A_713 = arith.constant 17 : i32
      %parallel_loop3A_714 = vector.broadcast %parallel_loop3A_713 : i32 to vector<16xi32>
      %parallel_loop3A_715 = tpu.vector_load_idx %arg7[%parallel_loop3A_714, %parallel_loop3A_537] : memref<32x129xf32, #tpu.memory_space<vmem>>[vector<16xi32>, vector<16xi32>], vector<16xf32>,
      %parallel_loop3A_716 = arith.constant 0.000000e+00 : f32
      %parallel_loop3A_717 = vector.broadcast %parallel_loop3A_716 : f32 to vector<16xf32>
      %parallel_loop3A_718 = arith.select %parallel_loop3A_542, %parallel_loop3A_717, %parallel_loop3A_715 : vector<16xi1>, vector<16xf32>
      %parallel_loop3A_719 = arith.constant 18 : i32
      %parallel_loop3A_720 = vector.broadcast %parallel_loop3A_719 : i32 to vector<16xi32>
      %parallel_loop3A_721 = tpu.vector_load_idx %arg7[%parallel_loop3A_720, %parallel_loop3A_537] : memref<32x129xf32, #tpu.memory_space<vmem>>[vector<16xi32>, vector<16xi32>], vector<16xf32>,
      %parallel_loop3A_722 = arith.constant 0.000000e+00 : f32
      %parallel_loop3A_723 = vector.broadcast %parallel_loop3A_722 : f32 to vector<16xf32>
      %parallel_loop3A_724 = arith.select %parallel_loop3A_542, %parallel_loop3A_723, %parallel_loop3A_721 : vector<16xi1>, vector<16xf32>
      %parallel_loop3A_725 = arith.constant 19 : i32
      %parallel_loop3A_726 = vector.broadcast %parallel_loop3A_725 : i32 to vector<16xi32>
      %parallel_loop3A_727 = tpu.vector_load_idx %arg7[%parallel_loop3A_726, %parallel_loop3A_537] : memref<32x129xf32, #tpu.memory_space<vmem>>[vector<16xi32>, vector<16xi32>], vector<16xf32>,
      %parallel_loop3A_728 = arith.constant 0.000000e+00 : f32
      %parallel_loop3A_729 = vector.broadcast %parallel_loop3A_728 : f32 to vector<16xf32>
      %parallel_loop3A_730 = arith.select %parallel_loop3A_542, %parallel_loop3A_729, %parallel_loop3A_727 : vector<16xi1>, vector<16xf32>
      %parallel_loop3A_731 = arith.constant 20 : i32
      %parallel_loop3A_732 = vector.broadcast %parallel_loop3A_731 : i32 to vector<16xi32>
      %parallel_loop3A_733 = tpu.vector_load_idx %arg7[%parallel_loop3A_732, %parallel_loop3A_537] : memref<32x129xf32, #tpu.memory_space<vmem>>[vector<16xi32>, vector<16xi32>], vector<16xf32>,
      %parallel_loop3A_734 = arith.constant 0.000000e+00 : f32
      %parallel_loop3A_735 = vector.broadcast %parallel_loop3A_734 : f32 to vector<16xf32>
      %parallel_loop3A_736 = arith.select %parallel_loop3A_542, %parallel_loop3A_735, %parallel_loop3A_733 : vector<16xi1>, vector<16xf32>
      %parallel_loop3A_737 = arith.constant 21 : i32
      %parallel_loop3A_738 = vector.broadcast %parallel_loop3A_737 : i32 to vector<16xi32>
      %parallel_loop3A_739 = tpu.vector_load_idx %arg7[%parallel_loop3A_738, %parallel_loop3A_537] : memref<32x129xf32, #tpu.memory_space<vmem>>[vector<16xi32>, vector<16xi32>], vector<16xf32>,
      %parallel_loop3A_740 = arith.constant 0.000000e+00 : f32
      %parallel_loop3A_741 = vector.broadcast %parallel_loop3A_740 : f32 to vector<16xf32>
      %parallel_loop3A_742 = arith.select %parallel_loop3A_542, %parallel_loop3A_741, %parallel_loop3A_739 : vector<16xi1>, vector<16xf32>
      %parallel_loop3A_743 = arith.constant 22 : i32
      %parallel_loop3A_744 = vector.broadcast %parallel_loop3A_743 : i32 to vector<16xi32>
      %parallel_loop3A_745 = tpu.vector_load_idx %arg7[%parallel_loop3A_744, %parallel_loop3A_537] : memref<32x129xf32, #tpu.memory_space<vmem>>[vector<16xi32>, vector<16xi32>], vector<16xf32>,
      %parallel_loop3A_746 = arith.constant 0.000000e+00 : f32
      %parallel_loop3A_747 = vector.broadcast %parallel_loop3A_746 : f32 to vector<16xf32>
      %parallel_loop3A_748 = arith.select %parallel_loop3A_542, %parallel_loop3A_747, %parallel_loop3A_745 : vector<16xi1>, vector<16xf32>
      %parallel_loop3A_749 = arith.constant 23 : i32
      %parallel_loop3A_750 = vector.broadcast %parallel_loop3A_749 : i32 to vector<16xi32>
      %parallel_loop3A_751 = tpu.vector_load_idx %arg7[%parallel_loop3A_750, %parallel_loop3A_537] : memref<32x129xf32, #tpu.memory_space<vmem>>[vector<16xi32>, vector<16xi32>], vector<16xf32>,
      %parallel_loop3A_752 = arith.constant 0.000000e+00 : f32
      %parallel_loop3A_753 = vector.broadcast %parallel_loop3A_752 : f32 to vector<16xf32>
      %parallel_loop3A_754 = arith.select %parallel_loop3A_542, %parallel_loop3A_753, %parallel_loop3A_751 : vector<16xi1>, vector<16xf32>
      %parallel_loop3A_755 = arith.constant 24 : i32
      %parallel_loop3A_756 = vector.broadcast %parallel_loop3A_755 : i32 to vector<16xi32>
      %parallel_loop3A_757 = tpu.vector_load_idx %arg7[%parallel_loop3A_756, %parallel_loop3A_537] : memref<32x129xf32, #tpu.memory_space<vmem>>[vector<16xi32>, vector<16xi32>], vector<16xf32>,
      %parallel_loop3A_758 = arith.constant 0.000000e+00 : f32
      %parallel_loop3A_759 = vector.broadcast %parallel_loop3A_758 : f32 to vector<16xf32>
      %parallel_loop3A_760 = arith.select %parallel_loop3A_542, %parallel_loop3A_759, %parallel_loop3A_757 : vector<16xi1>, vector<16xf32>
      %parallel_loop3A_761 = arith.constant 25 : i32
      %parallel_loop3A_762 = vector.broadcast %parallel_loop3A_761 : i32 to vector<16xi32>
      %parallel_loop3A_763 = tpu.vector_load_idx %arg7[%parallel_loop3A_762, %parallel_loop3A_537] : memref<32x129xf32, #tpu.memory_space<vmem>>[vector<16xi32>, vector<16xi32>], vector<16xf32>,
      %parallel_loop3A_764 = arith.constant 0.000000e+00 : f32
      %parallel_loop3A_765 = vector.broadcast %parallel_loop3A_764 : f32 to vector<16xf32>
      %parallel_loop3A_766 = arith.select %parallel_loop3A_542, %parallel_loop3A_765, %parallel_loop3A_763 : vector<16xi1>, vector<16xf32>
      %parallel_loop3A_767 = arith.constant 26 : i32
      %parallel_loop3A_768 = vector.broadcast %parallel_loop3A_767 : i32 to vector<16xi32>
      %parallel_loop3A_769 = tpu.vector_load_idx %arg7[%parallel_loop3A_768, %parallel_loop3A_537] : memref<32x129xf32, #tpu.memory_space<vmem>>[vector<16xi32>, vector<16xi32>], vector<16xf32>,
      %parallel_loop3A_770 = arith.constant 0.000000e+00 : f32
      %parallel_loop3A_771 = vector.broadcast %parallel_loop3A_770 : f32 to vector<16xf32>
      %parallel_loop3A_772 = arith.select %parallel_loop3A_542, %parallel_loop3A_771, %parallel_loop3A_769 : vector<16xi1>, vector<16xf32>
      %parallel_loop3A_773 = arith.constant 27 : i32
      %parallel_loop3A_774 = vector.broadcast %parallel_loop3A_773 : i32 to vector<16xi32>
      %parallel_loop3A_775 = tpu.vector_load_idx %arg7[%parallel_loop3A_774, %parallel_loop3A_537] : memref<32x129xf32, #tpu.memory_space<vmem>>[vector<16xi32>, vector<16xi32>], vector<16xf32>,
      %parallel_loop3A_776 = arith.constant 0.000000e+00 : f32
      %parallel_loop3A_777 = vector.broadcast %parallel_loop3A_776 : f32 to vector<16xf32>
      %parallel_loop3A_778 = arith.select %parallel_loop3A_542, %parallel_loop3A_777, %parallel_loop3A_775 : vector<16xi1>, vector<16xf32>
      %parallel_loop3A_779 = arith.constant 28 : i32
      %parallel_loop3A_780 = vector.broadcast %parallel_loop3A_779 : i32 to vector<16xi32>
      %parallel_loop3A_781 = tpu.vector_load_idx %arg7[%parallel_loop3A_780, %parallel_loop3A_537] : memref<32x129xf32, #tpu.memory_space<vmem>>[vector<16xi32>, vector<16xi32>], vector<16xf32>,
      %parallel_loop3A_782 = arith.constant 0.000000e+00 : f32
      %parallel_loop3A_783 = vector.broadcast %parallel_loop3A_782 : f32 to vector<16xf32>
      %parallel_loop3A_784 = arith.select %parallel_loop3A_542, %parallel_loop3A_783, %parallel_loop3A_781 : vector<16xi1>, vector<16xf32>
      %parallel_loop3A_785 = arith.constant 29 : i32
      %parallel_loop3A_786 = vector.broadcast %parallel_loop3A_785 : i32 to vector<16xi32>
      %parallel_loop3A_787 = tpu.vector_load_idx %arg7[%parallel_loop3A_786, %parallel_loop3A_537] : memref<32x129xf32, #tpu.memory_space<vmem>>[vector<16xi32>, vector<16xi32>], vector<16xf32>,
      %parallel_loop3A_788 = arith.constant 0.000000e+00 : f32
      %parallel_loop3A_789 = vector.broadcast %parallel_loop3A_788 : f32 to vector<16xf32>
      %parallel_loop3A_790 = arith.select %parallel_loop3A_542, %parallel_loop3A_789, %parallel_loop3A_787 : vector<16xi1>, vector<16xf32>
      %parallel_loop3A_791 = arith.constant 30 : i32
      %parallel_loop3A_792 = vector.broadcast %parallel_loop3A_791 : i32 to vector<16xi32>
      %parallel_loop3A_793 = tpu.vector_load_idx %arg7[%parallel_loop3A_792, %parallel_loop3A_537] : memref<32x129xf32, #tpu.memory_space<vmem>>[vector<16xi32>, vector<16xi32>], vector<16xf32>,
      %parallel_loop3A_794 = arith.constant 0.000000e+00 : f32
      %parallel_loop3A_795 = vector.broadcast %parallel_loop3A_794 : f32 to vector<16xf32>
      %parallel_loop3A_796 = arith.select %parallel_loop3A_542, %parallel_loop3A_795, %parallel_loop3A_793 : vector<16xi1>, vector<16xf32>
      %parallel_loop3A_797 = arith.constant 31 : i32
      %parallel_loop3A_798 = vector.broadcast %parallel_loop3A_797 : i32 to vector<16xi32>
      %parallel_loop3A_799 = tpu.vector_load_idx %arg7[%parallel_loop3A_798, %parallel_loop3A_537] : memref<32x129xf32, #tpu.memory_space<vmem>>[vector<16xi32>, vector<16xi32>], vector<16xf32>,
      %parallel_loop3A_800 = arith.constant 0.000000e+00 : f32
      %parallel_loop3A_801 = vector.broadcast %parallel_loop3A_800 : f32 to vector<16xf32>
      %parallel_loop3A_802 = arith.select %parallel_loop3A_542, %parallel_loop3A_801, %parallel_loop3A_799 : vector<16xi1>, vector<16xf32>
      %parallel_loop3A_803 = arith.constant 16 : i32
      %parallel_loop3A_804 = arith.index_cast %parallel_loop3A_803 : i32 to index
      %parallel_loop3A_805 = arith.index_cast %parallel_loop3A_535 : i32 to index
      %parallel_loop3A_806 = tpu.vector_load %arg12[%parallel_loop3A_804, %parallel_loop3A_805] {strides = array<i32>} : memref<64x512xf32, #tpu.memory_space<vmem>>, vector<16xf32>,
      tpu.vector_store %arg12[%parallel_loop3A_804, %parallel_loop3A_805], %parallel_loop3A_712 {strides = array<i32>} : memref<64x512xf32, #tpu.memory_space<vmem>>, vector<16xf32>,
      %parallel_loop3A_807 = arith.constant 17 : i32
      %parallel_loop3A_808 = arith.index_cast %parallel_loop3A_807 : i32 to index
      %parallel_loop3A_809 = arith.index_cast %parallel_loop3A_535 : i32 to index
      %parallel_loop3A_810 = tpu.vector_load %arg12[%parallel_loop3A_808, %parallel_loop3A_809] {strides = array<i32>} : memref<64x512xf32, #tpu.memory_space<vmem>>, vector<16xf32>,
      tpu.vector_store %arg12[%parallel_loop3A_808, %parallel_loop3A_809], %parallel_loop3A_718 {strides = array<i32>} : memref<64x512xf32, #tpu.memory_space<vmem>>, vector<16xf32>,
      %parallel_loop3A_811 = arith.constant 18 : i32
      %parallel_loop3A_812 = arith.index_cast %parallel_loop3A_811 : i32 to index
      %parallel_loop3A_813 = arith.index_cast %parallel_loop3A_535 : i32 to index
      %parallel_loop3A_814 = tpu.vector_load %arg12[%parallel_loop3A_812, %parallel_loop3A_813] {strides = array<i32>} : memref<64x512xf32, #tpu.memory_space<vmem>>, vector<16xf32>,
      tpu.vector_store %arg12[%parallel_loop3A_812, %parallel_loop3A_813], %parallel_loop3A_724 {strides = array<i32>} : memref<64x512xf32, #tpu.memory_space<vmem>>, vector<16xf32>,
      %parallel_loop3A_815 = arith.constant 19 : i32
      %parallel_loop3A_816 = arith.index_cast %parallel_loop3A_815 : i32 to index
      %parallel_loop3A_817 = arith.index_cast %parallel_loop3A_535 : i32 to index
      %parallel_loop3A_818 = tpu.vector_load %arg12[%parallel_loop3A_816, %parallel_loop3A_817] {strides = array<i32>} : memref<64x512xf32, #tpu.memory_space<vmem>>, vector<16xf32>,
      tpu.vector_store %arg12[%parallel_loop3A_816, %parallel_loop3A_817], %parallel_loop3A_730 {strides = array<i32>} : memref<64x512xf32, #tpu.memory_space<vmem>>, vector<16xf32>,
      %parallel_loop3A_819 = arith.constant 20 : i32
      %parallel_loop3A_820 = arith.index_cast %parallel_loop3A_819 : i32 to index
      %parallel_loop3A_821 = arith.index_cast %parallel_loop3A_535 : i32 to index
      %parallel_loop3A_822 = tpu.vector_load %arg12[%parallel_loop3A_820, %parallel_loop3A_821] {strides = array<i32>} : memref<64x512xf32, #tpu.memory_space<vmem>>, vector<16xf32>,
      tpu.vector_store %arg12[%parallel_loop3A_820, %parallel_loop3A_821], %parallel_loop3A_736 {strides = array<i32>} : memref<64x512xf32, #tpu.memory_space<vmem>>, vector<16xf32>,
      %parallel_loop3A_823 = arith.constant 21 : i32
      %parallel_loop3A_824 = arith.index_cast %parallel_loop3A_823 : i32 to index
      %parallel_loop3A_825 = arith.index_cast %parallel_loop3A_535 : i32 to index
      %parallel_loop3A_826 = tpu.vector_load %arg12[%parallel_loop3A_824, %parallel_loop3A_825] {strides = array<i32>} : memref<64x512xf32, #tpu.memory_space<vmem>>, vector<16xf32>,
      tpu.vector_store %arg12[%parallel_loop3A_824, %parallel_loop3A_825], %parallel_loop3A_742 {strides = array<i32>} : memref<64x512xf32, #tpu.memory_space<vmem>>, vector<16xf32>,
      %parallel_loop3A_827 = arith.constant 22 : i32
      %parallel_loop3A_828 = arith.index_cast %parallel_loop3A_827 : i32 to index
      %parallel_loop3A_829 = arith.index_cast %parallel_loop3A_535 : i32 to index
      %parallel_loop3A_830 = tpu.vector_load %arg12[%parallel_loop3A_828, %parallel_loop3A_829] {strides = array<i32>} : memref<64x512xf32, #tpu.memory_space<vmem>>, vector<16xf32>,
      tpu.vector_store %arg12[%parallel_loop3A_828, %parallel_loop3A_829], %parallel_loop3A_748 {strides = array<i32>} : memref<64x512xf32, #tpu.memory_space<vmem>>, vector<16xf32>,
      %parallel_loop3A_831 = arith.constant 23 : i32
      %parallel_loop3A_832 = arith.index_cast %parallel_loop3A_831 : i32 to index
      %parallel_loop3A_833 = arith.index_cast %parallel_loop3A_535 : i32 to index
      %parallel_loop3A_834 = tpu.vector_load %arg12[%parallel_loop3A_832, %parallel_loop3A_833] {strides = array<i32>} : memref<64x512xf32, #tpu.memory_space<vmem>>, vector<16xf32>,
      tpu.vector_store %arg12[%parallel_loop3A_832, %parallel_loop3A_833], %parallel_loop3A_754 {strides = array<i32>} : memref<64x512xf32, #tpu.memory_space<vmem>>, vector<16xf32>,
      %parallel_loop3A_835 = arith.constant 24 : i32
      %parallel_loop3A_836 = arith.index_cast %parallel_loop3A_835 : i32 to index
      %parallel_loop3A_837 = arith.index_cast %parallel_loop3A_535 : i32 to index
      %parallel_loop3A_838 = tpu.vector_load %arg12[%parallel_loop3A_836, %parallel_loop3A_837] {strides = array<i32>} : memref<64x512xf32, #tpu.memory_space<vmem>>, vector<16xf32>,
      tpu.vector_store %arg12[%parallel_loop3A_836, %parallel_loop3A_837], %parallel_loop3A_760 {strides = array<i32>} : memref<64x512xf32, #tpu.memory_space<vmem>>, vector<16xf32>,
      %parallel_loop3A_839 = arith.constant 25 : i32
      %parallel_loop3A_840 = arith.index_cast %parallel_loop3A_839 : i32 to index
      %parallel_loop3A_841 = arith.index_cast %parallel_loop3A_535 : i32 to index
      %parallel_loop3A_842 = tpu.vector_load %arg12[%parallel_loop3A_840, %parallel_loop3A_841] {strides = array<i32>} : memref<64x512xf32, #tpu.memory_space<vmem>>, vector<16xf32>,
      tpu.vector_store %arg12[%parallel_loop3A_840, %parallel_loop3A_841], %parallel_loop3A_766 {strides = array<i32>} : memref<64x512xf32, #tpu.memory_space<vmem>>, vector<16xf32>,
      %parallel_loop3A_843 = arith.constant 26 : i32
      %parallel_loop3A_844 = arith.index_cast %parallel_loop3A_843 : i32 to index
      %parallel_loop3A_845 = arith.index_cast %parallel_loop3A_535 : i32 to index
      %parallel_loop3A_846 = tpu.vector_load %arg12[%parallel_loop3A_844, %parallel_loop3A_845] {strides = array<i32>} : memref<64x512xf32, #tpu.memory_space<vmem>>, vector<16xf32>,
      tpu.vector_store %arg12[%parallel_loop3A_844, %parallel_loop3A_845], %parallel_loop3A_772 {strides = array<i32>} : memref<64x512xf32, #tpu.memory_space<vmem>>, vector<16xf32>,
      %parallel_loop3A_847 = arith.constant 27 : i32
      %parallel_loop3A_848 = arith.index_cast %parallel_loop3A_847 : i32 to index
      %parallel_loop3A_849 = arith.index_cast %parallel_loop3A_535 : i32 to index
      %parallel_loop3A_850 = tpu.vector_load %arg12[%parallel_loop3A_848, %parallel_loop3A_849] {strides = array<i32>} : memref<64x512xf32, #tpu.memory_space<vmem>>, vector<16xf32>,
      tpu.vector_store %arg12[%parallel_loop3A_848, %parallel_loop3A_849], %parallel_loop3A_778 {strides = array<i32>} : memref<64x512xf32, #tpu.memory_space<vmem>>, vector<16xf32>,
      %parallel_loop3A_851 = arith.constant 28 : i32
      %parallel_loop3A_852 = arith.index_cast %parallel_loop3A_851 : i32 to index
      %parallel_loop3A_853 = arith.index_cast %parallel_loop3A_535 : i32 to index
      %parallel_loop3A_854 = tpu.vector_load %arg12[%parallel_loop3A_852, %parallel_loop3A_853] {strides = array<i32>} : memref<64x512xf32, #tpu.memory_space<vmem>>, vector<16xf32>,
      tpu.vector_store %arg12[%parallel_loop3A_852, %parallel_loop3A_853], %parallel_loop3A_784 {strides = array<i32>} : memref<64x512xf32, #tpu.memory_space<vmem>>, vector<16xf32>,
      %parallel_loop3A_855 = arith.constant 29 : i32
      %parallel_loop3A_856 = arith.index_cast %parallel_loop3A_855 : i32 to index
      %parallel_loop3A_857 = arith.index_cast %parallel_loop3A_535 : i32 to index
      %parallel_loop3A_858 = tpu.vector_load %arg12[%parallel_loop3A_856, %parallel_loop3A_857] {strides = array<i32>} : memref<64x512xf32, #tpu.memory_space<vmem>>, vector<16xf32>,
      tpu.vector_store %arg12[%parallel_loop3A_856, %parallel_loop3A_857], %parallel_loop3A_790 {strides = array<i32>} : memref<64x512xf32, #tpu.memory_space<vmem>>, vector<16xf32>,
      %parallel_loop3A_859 = arith.constant 30 : i32
      %parallel_loop3A_860 = arith.index_cast %parallel_loop3A_859 : i32 to index
      %parallel_loop3A_861 = arith.index_cast %parallel_loop3A_535 : i32 to index
      %parallel_loop3A_862 = tpu.vector_load %arg12[%parallel_loop3A_860, %parallel_loop3A_861] {strides = array<i32>} : memref<64x512xf32, #tpu.memory_space<vmem>>, vector<16xf32>,
      tpu.vector_store %arg12[%parallel_loop3A_860, %parallel_loop3A_861], %parallel_loop3A_796 {strides = array<i32>} : memref<64x512xf32, #tpu.memory_space<vmem>>, vector<16xf32>,
      %parallel_loop3A_863 = arith.constant 31 : i32
      %parallel_loop3A_864 = arith.index_cast %parallel_loop3A_863 : i32 to index
      %parallel_loop3A_865 = arith.index_cast %parallel_loop3A_535 : i32 to index
      %parallel_loop3A_866 = tpu.vector_load %arg12[%parallel_loop3A_864, %parallel_loop3A_865] {strides = array<i32>} : memref<64x512xf32, #tpu.memory_space<vmem>>, vector<16xf32>,
      tpu.vector_store %arg12[%parallel_loop3A_864, %parallel_loop3A_865], %parallel_loop3A_802 {strides = array<i32>} : memref<64x512xf32, #tpu.memory_space<vmem>>, vector<16xf32>,
      %parallel_loop3A_867 = arith.constant 0 : i32
      %parallel_loop3A_868 = vector.broadcast %parallel_loop3A_867 : i32 to vector<16xi32>
      %parallel_loop3A_869 = tpu.vector_load_idx %arg9[%parallel_loop3A_868, %parallel_loop3A_546] : memref<32x32xf32, #tpu.memory_space<vmem>>[vector<16xi32>, vector<16xi32>], vector<16xf32>,
      %parallel_loop3A_870 = arith.constant 1 : i32
      %parallel_loop3A_871 = vector.broadcast %parallel_loop3A_870 : i32 to vector<16xi32>
      %parallel_loop3A_872 = tpu.vector_load_idx %arg9[%parallel_loop3A_871, %parallel_loop3A_546] : memref<32x32xf32, #tpu.memory_space<vmem>>[vector<16xi32>, vector<16xi32>], vector<16xf32>,
      %parallel_loop3A_873 = arith.constant 2 : i32
      %parallel_loop3A_874 = vector.broadcast %parallel_loop3A_873 : i32 to vector<16xi32>
      %parallel_loop3A_875 = tpu.vector_load_idx %arg9[%parallel_loop3A_874, %parallel_loop3A_546] : memref<32x32xf32, #tpu.memory_space<vmem>>[vector<16xi32>, vector<16xi32>], vector<16xf32>,
      %parallel_loop3A_876 = arith.constant 3 : i32
      %parallel_loop3A_877 = vector.broadcast %parallel_loop3A_876 : i32 to vector<16xi32>
      %parallel_loop3A_878 = tpu.vector_load_idx %arg9[%parallel_loop3A_877, %parallel_loop3A_546] : memref<32x32xf32, #tpu.memory_space<vmem>>[vector<16xi32>, vector<16xi32>], vector<16xf32>,
      %parallel_loop3A_879 = arith.constant 4 : i32
      %parallel_loop3A_880 = vector.broadcast %parallel_loop3A_879 : i32 to vector<16xi32>
      %parallel_loop3A_881 = tpu.vector_load_idx %arg9[%parallel_loop3A_880, %parallel_loop3A_546] : memref<32x32xf32, #tpu.memory_space<vmem>>[vector<16xi32>, vector<16xi32>], vector<16xf32>,
      %parallel_loop3A_882 = arith.constant 5 : i32
      %parallel_loop3A_883 = vector.broadcast %parallel_loop3A_882 : i32 to vector<16xi32>
      %parallel_loop3A_884 = tpu.vector_load_idx %arg9[%parallel_loop3A_883, %parallel_loop3A_546] : memref<32x32xf32, #tpu.memory_space<vmem>>[vector<16xi32>, vector<16xi32>], vector<16xf32>,
      %parallel_loop3A_885 = arith.constant 6 : i32
      %parallel_loop3A_886 = vector.broadcast %parallel_loop3A_885 : i32 to vector<16xi32>
      %parallel_loop3A_887 = tpu.vector_load_idx %arg9[%parallel_loop3A_886, %parallel_loop3A_546] : memref<32x32xf32, #tpu.memory_space<vmem>>[vector<16xi32>, vector<16xi32>], vector<16xf32>,
      %parallel_loop3A_888 = arith.constant 7 : i32
      %parallel_loop3A_889 = vector.broadcast %parallel_loop3A_888 : i32 to vector<16xi32>
      %parallel_loop3A_890 = tpu.vector_load_idx %arg9[%parallel_loop3A_889, %parallel_loop3A_546] : memref<32x32xf32, #tpu.memory_space<vmem>>[vector<16xi32>, vector<16xi32>], vector<16xf32>,
      %parallel_loop3A_891 = arith.constant 8 : i32
      %parallel_loop3A_892 = vector.broadcast %parallel_loop3A_891 : i32 to vector<16xi32>
      %parallel_loop3A_893 = tpu.vector_load_idx %arg9[%parallel_loop3A_892, %parallel_loop3A_546] : memref<32x32xf32, #tpu.memory_space<vmem>>[vector<16xi32>, vector<16xi32>], vector<16xf32>,
      %parallel_loop3A_894 = arith.constant 9 : i32
      %parallel_loop3A_895 = vector.broadcast %parallel_loop3A_894 : i32 to vector<16xi32>
      %parallel_loop3A_896 = tpu.vector_load_idx %arg9[%parallel_loop3A_895, %parallel_loop3A_546] : memref<32x32xf32, #tpu.memory_space<vmem>>[vector<16xi32>, vector<16xi32>], vector<16xf32>,
      %parallel_loop3A_897 = arith.constant 10 : i32
      %parallel_loop3A_898 = vector.broadcast %parallel_loop3A_897 : i32 to vector<16xi32>
      %parallel_loop3A_899 = tpu.vector_load_idx %arg9[%parallel_loop3A_898, %parallel_loop3A_546] : memref<32x32xf32, #tpu.memory_space<vmem>>[vector<16xi32>, vector<16xi32>], vector<16xf32>,
      %parallel_loop3A_900 = arith.constant 11 : i32
      %parallel_loop3A_901 = vector.broadcast %parallel_loop3A_900 : i32 to vector<16xi32>
      %parallel_loop3A_902 = tpu.vector_load_idx %arg9[%parallel_loop3A_901, %parallel_loop3A_546] : memref<32x32xf32, #tpu.memory_space<vmem>>[vector<16xi32>, vector<16xi32>], vector<16xf32>,
      %parallel_loop3A_903 = arith.constant 12 : i32
      %parallel_loop3A_904 = vector.broadcast %parallel_loop3A_903 : i32 to vector<16xi32>
      %parallel_loop3A_905 = tpu.vector_load_idx %arg9[%parallel_loop3A_904, %parallel_loop3A_546] : memref<32x32xf32, #tpu.memory_space<vmem>>[vector<16xi32>, vector<16xi32>], vector<16xf32>,
      %parallel_loop3A_906 = arith.constant 13 : i32
      %parallel_loop3A_907 = vector.broadcast %parallel_loop3A_906 : i32 to vector<16xi32>
      %parallel_loop3A_908 = tpu.vector_load_idx %arg9[%parallel_loop3A_907, %parallel_loop3A_546] : memref<32x32xf32, #tpu.memory_space<vmem>>[vector<16xi32>, vector<16xi32>], vector<16xf32>,
      %parallel_loop3A_909 = arith.constant 14 : i32
      %parallel_loop3A_910 = vector.broadcast %parallel_loop3A_909 : i32 to vector<16xi32>
      %parallel_loop3A_911 = tpu.vector_load_idx %arg9[%parallel_loop3A_910, %parallel_loop3A_546] : memref<32x32xf32, #tpu.memory_space<vmem>>[vector<16xi32>, vector<16xi32>], vector<16xf32>,
      %parallel_loop3A_912 = arith.constant 15 : i32
      %parallel_loop3A_913 = vector.broadcast %parallel_loop3A_912 : i32 to vector<16xi32>
      %parallel_loop3A_914 = tpu.vector_load_idx %arg9[%parallel_loop3A_913, %parallel_loop3A_546] : memref<32x32xf32, #tpu.memory_space<vmem>>[vector<16xi32>, vector<16xi32>], vector<16xf32>,
      %parallel_loop3A_915 = arith.constant 32 : i32
      %parallel_loop3A_916 = arith.index_cast %parallel_loop3A_915 : i32 to index
      %parallel_loop3A_917 = arith.index_cast %parallel_loop3A_535 : i32 to index
      %parallel_loop3A_918 = tpu.vector_load %arg12[%parallel_loop3A_916, %parallel_loop3A_917] {strides = array<i32>} : memref<64x512xf32, #tpu.memory_space<vmem>>, vector<16xf32>,
      tpu.vector_store %arg12[%parallel_loop3A_916, %parallel_loop3A_917], %parallel_loop3A_869 {strides = array<i32>} : memref<64x512xf32, #tpu.memory_space<vmem>>, vector<16xf32>,
      %parallel_loop3A_919 = arith.constant 33 : i32
      %parallel_loop3A_920 = arith.index_cast %parallel_loop3A_919 : i32 to index
      %parallel_loop3A_921 = arith.index_cast %parallel_loop3A_535 : i32 to index
      %parallel_loop3A_922 = tpu.vector_load %arg12[%parallel_loop3A_920, %parallel_loop3A_921] {strides = array<i32>} : memref<64x512xf32, #tpu.memory_space<vmem>>, vector<16xf32>,
      tpu.vector_store %arg12[%parallel_loop3A_920, %parallel_loop3A_921], %parallel_loop3A_872 {strides = array<i32>} : memref<64x512xf32, #tpu.memory_space<vmem>>, vector<16xf32>,
      %parallel_loop3A_923 = arith.constant 34 : i32
      %parallel_loop3A_924 = arith.index_cast %parallel_loop3A_923 : i32 to index
      %parallel_loop3A_925 = arith.index_cast %parallel_loop3A_535 : i32 to index
      %parallel_loop3A_926 = tpu.vector_load %arg12[%parallel_loop3A_924, %parallel_loop3A_925] {strides = array<i32>} : memref<64x512xf32, #tpu.memory_space<vmem>>, vector<16xf32>,
      tpu.vector_store %arg12[%parallel_loop3A_924, %parallel_loop3A_925], %parallel_loop3A_875 {strides = array<i32>} : memref<64x512xf32, #tpu.memory_space<vmem>>, vector<16xf32>,
      %parallel_loop3A_927 = arith.constant 35 : i32
      %parallel_loop3A_928 = arith.index_cast %parallel_loop3A_927 : i32 to index
      %parallel_loop3A_929 = arith.index_cast %parallel_loop3A_535 : i32 to index
      %parallel_loop3A_930 = tpu.vector_load %arg12[%parallel_loop3A_928, %parallel_loop3A_929] {strides = array<i32>} : memref<64x512xf32, #tpu.memory_space<vmem>>, vector<16xf32>,
      tpu.vector_store %arg12[%parallel_loop3A_928, %parallel_loop3A_929], %parallel_loop3A_878 {strides = array<i32>} : memref<64x512xf32, #tpu.memory_space<vmem>>, vector<16xf32>,
      %parallel_loop3A_931 = arith.constant 36 : i32
      %parallel_loop3A_932 = arith.index_cast %parallel_loop3A_931 : i32 to index
      %parallel_loop3A_933 = arith.index_cast %parallel_loop3A_535 : i32 to index
      %parallel_loop3A_934 = tpu.vector_load %arg12[%parallel_loop3A_932, %parallel_loop3A_933] {strides = array<i32>} : memref<64x512xf32, #tpu.memory_space<vmem>>, vector<16xf32>,
      tpu.vector_store %arg12[%parallel_loop3A_932, %parallel_loop3A_933], %parallel_loop3A_881 {strides = array<i32>} : memref<64x512xf32, #tpu.memory_space<vmem>>, vector<16xf32>,
      %parallel_loop3A_935 = arith.constant 37 : i32
      %parallel_loop3A_936 = arith.index_cast %parallel_loop3A_935 : i32 to index
      %parallel_loop3A_937 = arith.index_cast %parallel_loop3A_535 : i32 to index
      %parallel_loop3A_938 = tpu.vector_load %arg12[%parallel_loop3A_936, %parallel_loop3A_937] {strides = array<i32>} : memref<64x512xf32, #tpu.memory_space<vmem>>, vector<16xf32>,
      tpu.vector_store %arg12[%parallel_loop3A_936, %parallel_loop3A_937], %parallel_loop3A_884 {strides = array<i32>} : memref<64x512xf32, #tpu.memory_space<vmem>>, vector<16xf32>,
      %parallel_loop3A_939 = arith.constant 38 : i32
      %parallel_loop3A_940 = arith.index_cast %parallel_loop3A_939 : i32 to index
      %parallel_loop3A_941 = arith.index_cast %parallel_loop3A_535 : i32 to index
      %parallel_loop3A_942 = tpu.vector_load %arg12[%parallel_loop3A_940, %parallel_loop3A_941] {strides = array<i32>} : memref<64x512xf32, #tpu.memory_space<vmem>>, vector<16xf32>,
      tpu.vector_store %arg12[%parallel_loop3A_940, %parallel_loop3A_941], %parallel_loop3A_887 {strides = array<i32>} : memref<64x512xf32, #tpu.memory_space<vmem>>, vector<16xf32>,
      %parallel_loop3A_943 = arith.constant 39 : i32
      %parallel_loop3A_944 = arith.index_cast %parallel_loop3A_943 : i32 to index
      %parallel_loop3A_945 = arith.index_cast %parallel_loop3A_535 : i32 to index
      %parallel_loop3A_946 = tpu.vector_load %arg12[%parallel_loop3A_944, %parallel_loop3A_945] {strides = array<i32>} : memref<64x512xf32, #tpu.memory_space<vmem>>, vector<16xf32>,
      tpu.vector_store %arg12[%parallel_loop3A_944, %parallel_loop3A_945], %parallel_loop3A_890 {strides = array<i32>} : memref<64x512xf32, #tpu.memory_space<vmem>>, vector<16xf32>,
      %parallel_loop3A_947 = arith.constant 40 : i32
      %parallel_loop3A_948 = arith.index_cast %parallel_loop3A_947 : i32 to index
      %parallel_loop3A_949 = arith.index_cast %parallel_loop3A_535 : i32 to index
      %parallel_loop3A_950 = tpu.vector_load %arg12[%parallel_loop3A_948, %parallel_loop3A_949] {strides = array<i32>} : memref<64x512xf32, #tpu.memory_space<vmem>>, vector<16xf32>,
      tpu.vector_store %arg12[%parallel_loop3A_948, %parallel_loop3A_949], %parallel_loop3A_893 {strides = array<i32>} : memref<64x512xf32, #tpu.memory_space<vmem>>, vector<16xf32>,
      %parallel_loop3A_951 = arith.constant 41 : i32
      %parallel_loop3A_952 = arith.index_cast %parallel_loop3A_951 : i32 to index
      %parallel_loop3A_953 = arith.index_cast %parallel_loop3A_535 : i32 to index
      %parallel_loop3A_954 = tpu.vector_load %arg12[%parallel_loop3A_952, %parallel_loop3A_953] {strides = array<i32>} : memref<64x512xf32, #tpu.memory_space<vmem>>, vector<16xf32>,
      tpu.vector_store %arg12[%parallel_loop3A_952, %parallel_loop3A_953], %parallel_loop3A_896 {strides = array<i32>} : memref<64x512xf32, #tpu.memory_space<vmem>>, vector<16xf32>,
      %parallel_loop3A_955 = arith.constant 42 : i32
      %parallel_loop3A_956 = arith.index_cast %parallel_loop3A_955 : i32 to index
      %parallel_loop3A_957 = arith.index_cast %parallel_loop3A_535 : i32 to index
      %parallel_loop3A_958 = tpu.vector_load %arg12[%parallel_loop3A_956, %parallel_loop3A_957] {strides = array<i32>} : memref<64x512xf32, #tpu.memory_space<vmem>>, vector<16xf32>,
      tpu.vector_store %arg12[%parallel_loop3A_956, %parallel_loop3A_957], %parallel_loop3A_899 {strides = array<i32>} : memref<64x512xf32, #tpu.memory_space<vmem>>, vector<16xf32>,
      %parallel_loop3A_959 = arith.constant 43 : i32
      %parallel_loop3A_960 = arith.index_cast %parallel_loop3A_959 : i32 to index
      %parallel_loop3A_961 = arith.index_cast %parallel_loop3A_535 : i32 to index
      %parallel_loop3A_962 = tpu.vector_load %arg12[%parallel_loop3A_960, %parallel_loop3A_961] {strides = array<i32>} : memref<64x512xf32, #tpu.memory_space<vmem>>, vector<16xf32>,
      tpu.vector_store %arg12[%parallel_loop3A_960, %parallel_loop3A_961], %parallel_loop3A_902 {strides = array<i32>} : memref<64x512xf32, #tpu.memory_space<vmem>>, vector<16xf32>,
      %parallel_loop3A_963 = arith.constant 44 : i32
      %parallel_loop3A_964 = arith.index_cast %parallel_loop3A_963 : i32 to index
      %parallel_loop3A_965 = arith.index_cast %parallel_loop3A_535 : i32 to index
      %parallel_loop3A_966 = tpu.vector_load %arg12[%parallel_loop3A_964, %parallel_loop3A_965] {strides = array<i32>} : memref<64x512xf32, #tpu.memory_space<vmem>>, vector<16xf32>,
      tpu.vector_store %arg12[%parallel_loop3A_964, %parallel_loop3A_965], %parallel_loop3A_905 {strides = array<i32>} : memref<64x512xf32, #tpu.memory_space<vmem>>, vector<16xf32>,
      %parallel_loop3A_967 = arith.constant 45 : i32
      %parallel_loop3A_968 = arith.index_cast %parallel_loop3A_967 : i32 to index
      %parallel_loop3A_969 = arith.index_cast %parallel_loop3A_535 : i32 to index
      %parallel_loop3A_970 = tpu.vector_load %arg12[%parallel_loop3A_968, %parallel_loop3A_969] {strides = array<i32>} : memref<64x512xf32, #tpu.memory_space<vmem>>, vector<16xf32>,
      tpu.vector_store %arg12[%parallel_loop3A_968, %parallel_loop3A_969], %parallel_loop3A_908 {strides = array<i32>} : memref<64x512xf32, #tpu.memory_space<vmem>>, vector<16xf32>,
      %parallel_loop3A_971 = arith.constant 46 : i32
      %parallel_loop3A_972 = arith.index_cast %parallel_loop3A_971 : i32 to index
      %parallel_loop3A_973 = arith.index_cast %parallel_loop3A_535 : i32 to index
      %parallel_loop3A_974 = tpu.vector_load %arg12[%parallel_loop3A_972, %parallel_loop3A_973] {strides = array<i32>} : memref<64x512xf32, #tpu.memory_space<vmem>>, vector<16xf32>,
      tpu.vector_store %arg12[%parallel_loop3A_972, %parallel_loop3A_973], %parallel_loop3A_911 {strides = array<i32>} : memref<64x512xf32, #tpu.memory_space<vmem>>, vector<16xf32>,
      %parallel_loop3A_975 = arith.constant 47 : i32
      %parallel_loop3A_976 = arith.index_cast %parallel_loop3A_975 : i32 to index
      %parallel_loop3A_977 = arith.index_cast %parallel_loop3A_535 : i32 to index
      %parallel_loop3A_978 = tpu.vector_load %arg12[%parallel_loop3A_976, %parallel_loop3A_977] {strides = array<i32>} : memref<64x512xf32, #tpu.memory_space<vmem>>, vector<16xf32>,
      tpu.vector_store %arg12[%parallel_loop3A_976, %parallel_loop3A_977], %parallel_loop3A_914 {strides = array<i32>} : memref<64x512xf32, #tpu.memory_space<vmem>>, vector<16xf32>,
      %parallel_loop3A_979 = arith.constant 16 : i32
      %parallel_loop3A_980 = vector.broadcast %parallel_loop3A_979 : i32 to vector<16xi32>
      %parallel_loop3A_981 = tpu.vector_load_idx %arg9[%parallel_loop3A_980, %parallel_loop3A_546] : memref<32x32xf32, #tpu.memory_space<vmem>>[vector<16xi32>, vector<16xi32>], vector<16xf32>,
      %parallel_loop3A_982 = arith.constant 17 : i32
      %parallel_loop3A_983 = vector.broadcast %parallel_loop3A_982 : i32 to vector<16xi32>
      %parallel_loop3A_984 = tpu.vector_load_idx %arg9[%parallel_loop3A_983, %parallel_loop3A_546] : memref<32x32xf32, #tpu.memory_space<vmem>>[vector<16xi32>, vector<16xi32>], vector<16xf32>,
      %parallel_loop3A_985 = arith.constant 18 : i32
      %parallel_loop3A_986 = vector.broadcast %parallel_loop3A_985 : i32 to vector<16xi32>
      %parallel_loop3A_987 = tpu.vector_load_idx %arg9[%parallel_loop3A_986, %parallel_loop3A_546] : memref<32x32xf32, #tpu.memory_space<vmem>>[vector<16xi32>, vector<16xi32>], vector<16xf32>,
      %parallel_loop3A_988 = arith.constant 19 : i32
      %parallel_loop3A_989 = vector.broadcast %parallel_loop3A_988 : i32 to vector<16xi32>
      %parallel_loop3A_990 = tpu.vector_load_idx %arg9[%parallel_loop3A_989, %parallel_loop3A_546] : memref<32x32xf32, #tpu.memory_space<vmem>>[vector<16xi32>, vector<16xi32>], vector<16xf32>,
      %parallel_loop3A_991 = arith.constant 20 : i32
      %parallel_loop3A_992 = vector.broadcast %parallel_loop3A_991 : i32 to vector<16xi32>
      %parallel_loop3A_993 = tpu.vector_load_idx %arg9[%parallel_loop3A_992, %parallel_loop3A_546] : memref<32x32xf32, #tpu.memory_space<vmem>>[vector<16xi32>, vector<16xi32>], vector<16xf32>,
      %parallel_loop3A_994 = arith.constant 21 : i32
      %parallel_loop3A_995 = vector.broadcast %parallel_loop3A_994 : i32 to vector<16xi32>
      %parallel_loop3A_996 = tpu.vector_load_idx %arg9[%parallel_loop3A_995, %parallel_loop3A_546] : memref<32x32xf32, #tpu.memory_space<vmem>>[vector<16xi32>, vector<16xi32>], vector<16xf32>,
      %parallel_loop3A_997 = arith.constant 22 : i32
      %parallel_loop3A_998 = vector.broadcast %parallel_loop3A_997 : i32 to vector<16xi32>
      %parallel_loop3A_999 = tpu.vector_load_idx %arg9[%parallel_loop3A_998, %parallel_loop3A_546] : memref<32x32xf32, #tpu.memory_space<vmem>>[vector<16xi32>, vector<16xi32>], vector<16xf32>,
      %parallel_loop3A_1000 = arith.constant 23 : i32
      %parallel_loop3A_1001 = vector.broadcast %parallel_loop3A_1000 : i32 to vector<16xi32>
      %parallel_loop3A_1002 = tpu.vector_load_idx %arg9[%parallel_loop3A_1001, %parallel_loop3A_546] : memref<32x32xf32, #tpu.memory_space<vmem>>[vector<16xi32>, vector<16xi32>], vector<16xf32>,
      %parallel_loop3A_1003 = arith.constant 24 : i32
      %parallel_loop3A_1004 = vector.broadcast %parallel_loop3A_1003 : i32 to vector<16xi32>
      %parallel_loop3A_1005 = tpu.vector_load_idx %arg9[%parallel_loop3A_1004, %parallel_loop3A_546] : memref<32x32xf32, #tpu.memory_space<vmem>>[vector<16xi32>, vector<16xi32>], vector<16xf32>,
      %parallel_loop3A_1006 = arith.constant 25 : i32
      %parallel_loop3A_1007 = vector.broadcast %parallel_loop3A_1006 : i32 to vector<16xi32>
      %parallel_loop3A_1008 = tpu.vector_load_idx %arg9[%parallel_loop3A_1007, %parallel_loop3A_546] : memref<32x32xf32, #tpu.memory_space<vmem>>[vector<16xi32>, vector<16xi32>], vector<16xf32>,
      %parallel_loop3A_1009 = arith.constant 26 : i32
      %parallel_loop3A_1010 = vector.broadcast %parallel_loop3A_1009 : i32 to vector<16xi32>
      %parallel_loop3A_1011 = tpu.vector_load_idx %arg9[%parallel_loop3A_1010, %parallel_loop3A_546] : memref<32x32xf32, #tpu.memory_space<vmem>>[vector<16xi32>, vector<16xi32>], vector<16xf32>,
      %parallel_loop3A_1012 = arith.constant 27 : i32
      %parallel_loop3A_1013 = vector.broadcast %parallel_loop3A_1012 : i32 to vector<16xi32>
      %parallel_loop3A_1014 = tpu.vector_load_idx %arg9[%parallel_loop3A_1013, %parallel_loop3A_546] : memref<32x32xf32, #tpu.memory_space<vmem>>[vector<16xi32>, vector<16xi32>], vector<16xf32>,
      %parallel_loop3A_1015 = arith.constant 28 : i32
      %parallel_loop3A_1016 = vector.broadcast %parallel_loop3A_1015 : i32 to vector<16xi32>
      %parallel_loop3A_1017 = tpu.vector_load_idx %arg9[%parallel_loop3A_1016, %parallel_loop3A_546] : memref<32x32xf32, #tpu.memory_space<vmem>>[vector<16xi32>, vector<16xi32>], vector<16xf32>,
      %parallel_loop3A_1018 = arith.constant 29 : i32
      %parallel_loop3A_1019 = vector.broadcast %parallel_loop3A_1018 : i32 to vector<16xi32>
      %parallel_loop3A_1020 = tpu.vector_load_idx %arg9[%parallel_loop3A_1019, %parallel_loop3A_546] : memref<32x32xf32, #tpu.memory_space<vmem>>[vector<16xi32>, vector<16xi32>], vector<16xf32>,
      %parallel_loop3A_1021 = arith.constant 30 : i32
      %parallel_loop3A_1022 = vector.broadcast %parallel_loop3A_1021 : i32 to vector<16xi32>
      %parallel_loop3A_1023 = tpu.vector_load_idx %arg9[%parallel_loop3A_1022, %parallel_loop3A_546] : memref<32x32xf32, #tpu.memory_space<vmem>>[vector<16xi32>, vector<16xi32>], vector<16xf32>,
      %parallel_loop3A_1024 = arith.constant 31 : i32
      %parallel_loop3A_1025 = vector.broadcast %parallel_loop3A_1024 : i32 to vector<16xi32>
      %parallel_loop3A_1026 = tpu.vector_load_idx %arg9[%parallel_loop3A_1025, %parallel_loop3A_546] : memref<32x32xf32, #tpu.memory_space<vmem>>[vector<16xi32>, vector<16xi32>], vector<16xf32>,
      %parallel_loop3A_1027 = arith.constant 48 : i32
      %parallel_loop3A_1028 = arith.index_cast %parallel_loop3A_1027 : i32 to index
      %parallel_loop3A_1029 = arith.index_cast %parallel_loop3A_535 : i32 to index
      %parallel_loop3A_1030 = tpu.vector_load %arg12[%parallel_loop3A_1028, %parallel_loop3A_1029] {strides = array<i32>} : memref<64x512xf32, #tpu.memory_space<vmem>>, vector<16xf32>,
      tpu.vector_store %arg12[%parallel_loop3A_1028, %parallel_loop3A_1029], %parallel_loop3A_981 {strides = array<i32>} : memref<64x512xf32, #tpu.memory_space<vmem>>, vector<16xf32>,
      %parallel_loop3A_1031 = arith.constant 49 : i32
      %parallel_loop3A_1032 = arith.index_cast %parallel_loop3A_1031 : i32 to index
      %parallel_loop3A_1033 = arith.index_cast %parallel_loop3A_535 : i32 to index
      %parallel_loop3A_1034 = tpu.vector_load %arg12[%parallel_loop3A_1032, %parallel_loop3A_1033] {strides = array<i32>} : memref<64x512xf32, #tpu.memory_space<vmem>>, vector<16xf32>,
      tpu.vector_store %arg12[%parallel_loop3A_1032, %parallel_loop3A_1033], %parallel_loop3A_984 {strides = array<i32>} : memref<64x512xf32, #tpu.memory_space<vmem>>, vector<16xf32>,
      %parallel_loop3A_1035 = arith.constant 50 : i32
      %parallel_loop3A_1036 = arith.index_cast %parallel_loop3A_1035 : i32 to index
      %parallel_loop3A_1037 = arith.index_cast %parallel_loop3A_535 : i32 to index
      %parallel_loop3A_1038 = tpu.vector_load %arg12[%parallel_loop3A_1036, %parallel_loop3A_1037] {strides = array<i32>} : memref<64x512xf32, #tpu.memory_space<vmem>>, vector<16xf32>,
      tpu.vector_store %arg12[%parallel_loop3A_1036, %parallel_loop3A_1037], %parallel_loop3A_987 {strides = array<i32>} : memref<64x512xf32, #tpu.memory_space<vmem>>, vector<16xf32>,
      %parallel_loop3A_1039 = arith.constant 51 : i32
      %parallel_loop3A_1040 = arith.index_cast %parallel_loop3A_1039 : i32 to index
      %parallel_loop3A_1041 = arith.index_cast %parallel_loop3A_535 : i32 to index
      %parallel_loop3A_1042 = tpu.vector_load %arg12[%parallel_loop3A_1040, %parallel_loop3A_1041] {strides = array<i32>} : memref<64x512xf32, #tpu.memory_space<vmem>>, vector<16xf32>,
      tpu.vector_store %arg12[%parallel_loop3A_1040, %parallel_loop3A_1041], %parallel_loop3A_990 {strides = array<i32>} : memref<64x512xf32, #tpu.memory_space<vmem>>, vector<16xf32>,
      %parallel_loop3A_1043 = arith.constant 52 : i32
      %parallel_loop3A_1044 = arith.index_cast %parallel_loop3A_1043 : i32 to index
      %parallel_loop3A_1045 = arith.index_cast %parallel_loop3A_535 : i32 to index
      %parallel_loop3A_1046 = tpu.vector_load %arg12[%parallel_loop3A_1044, %parallel_loop3A_1045] {strides = array<i32>} : memref<64x512xf32, #tpu.memory_space<vmem>>, vector<16xf32>,
      tpu.vector_store %arg12[%parallel_loop3A_1044, %parallel_loop3A_1045], %parallel_loop3A_993 {strides = array<i32>} : memref<64x512xf32, #tpu.memory_space<vmem>>, vector<16xf32>,
      %parallel_loop3A_1047 = arith.constant 53 : i32
      %parallel_loop3A_1048 = arith.index_cast %parallel_loop3A_1047 : i32 to index
      %parallel_loop3A_1049 = arith.index_cast %parallel_loop3A_535 : i32 to index
      %parallel_loop3A_1050 = tpu.vector_load %arg12[%parallel_loop3A_1048, %parallel_loop3A_1049] {strides = array<i32>} : memref<64x512xf32, #tpu.memory_space<vmem>>, vector<16xf32>,
      tpu.vector_store %arg12[%parallel_loop3A_1048, %parallel_loop3A_1049], %parallel_loop3A_996 {strides = array<i32>} : memref<64x512xf32, #tpu.memory_space<vmem>>, vector<16xf32>,
      %parallel_loop3A_1051 = arith.constant 54 : i32
      %parallel_loop3A_1052 = arith.index_cast %parallel_loop3A_1051 : i32 to index
      %parallel_loop3A_1053 = arith.index_cast %parallel_loop3A_535 : i32 to index
      %parallel_loop3A_1054 = tpu.vector_load %arg12[%parallel_loop3A_1052, %parallel_loop3A_1053] {strides = array<i32>} : memref<64x512xf32, #tpu.memory_space<vmem>>, vector<16xf32>,
      tpu.vector_store %arg12[%parallel_loop3A_1052, %parallel_loop3A_1053], %parallel_loop3A_999 {strides = array<i32>} : memref<64x512xf32, #tpu.memory_space<vmem>>, vector<16xf32>,
      %parallel_loop3A_1055 = arith.constant 55 : i32
      %parallel_loop3A_1056 = arith.index_cast %parallel_loop3A_1055 : i32 to index
      %parallel_loop3A_1057 = arith.index_cast %parallel_loop3A_535 : i32 to index
      %parallel_loop3A_1058 = tpu.vector_load %arg12[%parallel_loop3A_1056, %parallel_loop3A_1057] {strides = array<i32>} : memref<64x512xf32, #tpu.memory_space<vmem>>, vector<16xf32>,
      tpu.vector_store %arg12[%parallel_loop3A_1056, %parallel_loop3A_1057], %parallel_loop3A_1002 {strides = array<i32>} : memref<64x512xf32, #tpu.memory_space<vmem>>, vector<16xf32>,
      %parallel_loop3A_1059 = arith.constant 56 : i32
      %parallel_loop3A_1060 = arith.index_cast %parallel_loop3A_1059 : i32 to index
      %parallel_loop3A_1061 = arith.index_cast %parallel_loop3A_535 : i32 to index
      %parallel_loop3A_1062 = tpu.vector_load %arg12[%parallel_loop3A_1060, %parallel_loop3A_1061] {strides = array<i32>} : memref<64x512xf32, #tpu.memory_space<vmem>>, vector<16xf32>,
      tpu.vector_store %arg12[%parallel_loop3A_1060, %parallel_loop3A_1061], %parallel_loop3A_1005 {strides = array<i32>} : memref<64x512xf32, #tpu.memory_space<vmem>>, vector<16xf32>,
      %parallel_loop3A_1063 = arith.constant 57 : i32
      %parallel_loop3A_1064 = arith.index_cast %parallel_loop3A_1063 : i32 to index
      %parallel_loop3A_1065 = arith.index_cast %parallel_loop3A_535 : i32 to index
      %parallel_loop3A_1066 = tpu.vector_load %arg12[%parallel_loop3A_1064, %parallel_loop3A_1065] {strides = array<i32>} : memref<64x512xf32, #tpu.memory_space<vmem>>, vector<16xf32>,
      tpu.vector_store %arg12[%parallel_loop3A_1064, %parallel_loop3A_1065], %parallel_loop3A_1008 {strides = array<i32>} : memref<64x512xf32, #tpu.memory_space<vmem>>, vector<16xf32>,
      %parallel_loop3A_1067 = arith.constant 58 : i32
      %parallel_loop3A_1068 = arith.index_cast %parallel_loop3A_1067 : i32 to index
      %parallel_loop3A_1069 = arith.index_cast %parallel_loop3A_535 : i32 to index
      %parallel_loop3A_1070 = tpu.vector_load %arg12[%parallel_loop3A_1068, %parallel_loop3A_1069] {strides = array<i32>} : memref<64x512xf32, #tpu.memory_space<vmem>>, vector<16xf32>,
      tpu.vector_store %arg12[%parallel_loop3A_1068, %parallel_loop3A_1069], %parallel_loop3A_1011 {strides = array<i32>} : memref<64x512xf32, #tpu.memory_space<vmem>>, vector<16xf32>,
      %parallel_loop3A_1071 = arith.constant 59 : i32
      %parallel_loop3A_1072 = arith.index_cast %parallel_loop3A_1071 : i32 to index
      %parallel_loop3A_1073 = arith.index_cast %parallel_loop3A_535 : i32 to index
      %parallel_loop3A_1074 = tpu.vector_load %arg12[%parallel_loop3A_1072, %parallel_loop3A_1073] {strides = array<i32>} : memref<64x512xf32, #tpu.memory_space<vmem>>, vector<16xf32>,
      tpu.vector_store %arg12[%parallel_loop3A_1072, %parallel_loop3A_1073], %parallel_loop3A_1014 {strides = array<i32>} : memref<64x512xf32, #tpu.memory_space<vmem>>, vector<16xf32>,
      %parallel_loop3A_1075 = arith.constant 60 : i32
      %parallel_loop3A_1076 = arith.index_cast %parallel_loop3A_1075 : i32 to index
      %parallel_loop3A_1077 = arith.index_cast %parallel_loop3A_535 : i32 to index
      %parallel_loop3A_1078 = tpu.vector_load %arg12[%parallel_loop3A_1076, %parallel_loop3A_1077] {strides = array<i32>} : memref<64x512xf32, #tpu.memory_space<vmem>>, vector<16xf32>,
      tpu.vector_store %arg12[%parallel_loop3A_1076, %parallel_loop3A_1077], %parallel_loop3A_1017 {strides = array<i32>} : memref<64x512xf32, #tpu.memory_space<vmem>>, vector<16xf32>,
      %parallel_loop3A_1079 = arith.constant 61 : i32
      %parallel_loop3A_1080 = arith.index_cast %parallel_loop3A_1079 : i32 to index
      %parallel_loop3A_1081 = arith.index_cast %parallel_loop3A_535 : i32 to index
      %parallel_loop3A_1082 = tpu.vector_load %arg12[%parallel_loop3A_1080, %parallel_loop3A_1081] {strides = array<i32>} : memref<64x512xf32, #tpu.memory_space<vmem>>, vector<16xf32>,
      tpu.vector_store %arg12[%parallel_loop3A_1080, %parallel_loop3A_1081], %parallel_loop3A_1020 {strides = array<i32>} : memref<64x512xf32, #tpu.memory_space<vmem>>, vector<16xf32>,
      %parallel_loop3A_1083 = arith.constant 62 : i32
      %parallel_loop3A_1084 = arith.index_cast %parallel_loop3A_1083 : i32 to index
      %parallel_loop3A_1085 = arith.index_cast %parallel_loop3A_535 : i32 to index
      %parallel_loop3A_1086 = tpu.vector_load %arg12[%parallel_loop3A_1084, %parallel_loop3A_1085] {strides = array<i32>} : memref<64x512xf32, #tpu.memory_space<vmem>>, vector<16xf32>,
      tpu.vector_store %arg12[%parallel_loop3A_1084, %parallel_loop3A_1085], %parallel_loop3A_1023 {strides = array<i32>} : memref<64x512xf32, #tpu.memory_space<vmem>>, vector<16xf32>,
      %parallel_loop3A_1087 = arith.constant 63 : i32
      %parallel_loop3A_1088 = arith.index_cast %parallel_loop3A_1087 : i32 to index
      %parallel_loop3A_1089 = arith.index_cast %parallel_loop3A_535 : i32 to index
      %parallel_loop3A_1090 = tpu.vector_load %arg12[%parallel_loop3A_1088, %parallel_loop3A_1089] {strides = array<i32>} : memref<64x512xf32, #tpu.memory_space<vmem>>, vector<16xf32>,
      tpu.vector_store %arg12[%parallel_loop3A_1088, %parallel_loop3A_1089], %parallel_loop3A_1026 {strides = array<i32>} : memref<64x512xf32, #tpu.memory_space<vmem>>, vector<16xf32>,
    } {sc.loop_unroll_factor = 1 : i64, sc.parallel_access}
    "tpu.trace_stop"() : () -> ()
    "tpu.trace_start"() <{level = 10 : i32, message = "out_dma"}> : () -> ()
    %dma_wait3A_520 = arith.constant 0 : i32
    %dma_wait3A_521 = arith.constant 0 : i32
    %dma_wait3A_522 = tpu.memref_slice %arg12[%dma_wait3A_520, %dma_wait3A_521] : memref<64x512xf32, #tpu.memory_space<vmem>> -> memref<64x256xf32, #tpu.memory_space<vmem>>
    %dma_wait3A_523 = arith.constant 0 : i32
    %dma_wait3A_524 = tpu.memref_slice %arg6[%dma_wait3A_523, %mul3A_2] : memref<64x16384xf32, #tpu.memory_space<hbm>> -> memref<64x256xf32, #tpu.memory_space<hbm>>
    %dma_wait3A_525 = arith.constant 0 : i32
    %dma_wait3A_526 = tpu.memref_slice %arg6[%dma_wait3A_525, %mul3A_2] : memref<64x16384xf32, #tpu.memory_space<hbm>> -> memref<64x256xf32, #tpu.memory_space<hbm>>
    %dma_wait3A_527 = arith.constant 0 : i32
    %dma_wait3A_528 = arith.constant 0 : i32
    %dma_wait3A_529 = tpu.memref_slice %arg12[%dma_wait3A_527, %dma_wait3A_528] : memref<64x512xf32, #tpu.memory_space<vmem>> -> memref<64x256xf32, #tpu.memory_space<vmem>>
    tpu.wait_dma2 semaphore(%arg13 : memref<!tpu.dma_semaphore, #tpu.memory_space<semaphore_mem>>) src(%dma_wait3A_529 : memref<64x256xf32, #tpu.memory_space<vmem>>) dst(%dma_wait3A_526 : memref<64x256xf32, #tpu.memory_space<hbm>>)
    %add3A_530 = arith.constant 256 : i32
    %add3A_531 = arith.addi %mul3A_2, %add3A_530 : i32
    "tpu.region"() ({
      %run_scoped3A = tpu.sem_alloc : memref<!tpu.dma_semaphore, #tpu.memory_space<semaphore_mem>>
      %dma_start3A_532 = arith.constant 0 : i32
      %dma_start3A_533 = arith.constant 256 : i32
      %dma_start3A_534 = tpu.memref_slice %arg12[%dma_start3A_532, %dma_start3A_533] : memref<64x512xf32, #tpu.memory_space<vmem>> -> memref<64x256xf32, #tpu.memory_space<vmem>>
      %dma_start3A_535 = arith.constant 0 : i32
      %dma_start3A_536 = tpu.memref_slice %arg6[%dma_start3A_535, %add3A_531] : memref<64x16384xf32, #tpu.memory_space<hbm>> -> memref<64x256xf32, #tpu.memory_space<hbm>>
      %dma_start3A_537 = arith.constant 0 : i32
      %dma_start3A_538 = tpu.memref_slice %arg6[%dma_start3A_537, %add3A_531] : memref<64x16384xf32, #tpu.memory_space<hbm>> -> memref<64x256xf32, #tpu.memory_space<hbm>>
      %dma_start3A_539 = arith.constant 0 : i32
      %dma_start3A_540 = arith.constant 256 : i32
      %dma_start3A_541 = tpu.memref_slice %arg12[%dma_start3A_539, %dma_start3A_540] : memref<64x512xf32, #tpu.memory_space<vmem>> -> memref<64x256xf32, #tpu.memory_space<vmem>>
      tpu.enqueue_dma source(%dma_start3A_541 : memref<64x256xf32, #tpu.memory_space<vmem>>) target(%dma_start3A_538 : memref<64x256xf32, #tpu.memory_space<hbm>>) target_semaphore(%run_scoped3A : memref<!tpu.dma_semaphore, #tpu.memory_space<semaphore_mem>>)
      %dma_wait3A_542 = arith.constant 0 : i32
      %dma_wait3A_543 = arith.constant 256 : i32
      %dma_wait3A_544 = tpu.memref_slice %arg12[%dma_wait3A_542, %dma_wait3A_543] : memref<64x512xf32, #tpu.memory_space<vmem>> -> memref<64x256xf32, #tpu.memory_space<vmem>>
      %dma_wait3A_545 = arith.constant 0 : i32
      %dma_wait3A_546 = tpu.memref_slice %arg6[%dma_wait3A_545, %add3A_531] : memref<64x16384xf32, #tpu.memory_space<hbm>> -> memref<64x256xf32, #tpu.memory_space<hbm>>
      %dma_wait3A_547 = arith.constant 0 : i32
      %dma_wait3A_548 = tpu.memref_slice %arg6[%dma_wait3A_547, %add3A_531] : memref<64x16384xf32, #tpu.memory_space<hbm>> -> memref<64x256xf32, #tpu.memory_space<hbm>>
      %dma_wait3A_549 = arith.constant 0 : i32
      %dma_wait3A_550 = arith.constant 256 : i32
      %dma_wait3A_551 = tpu.memref_slice %arg12[%dma_wait3A_549, %dma_wait3A_550] : memref<64x512xf32, #tpu.memory_space<vmem>> -> memref<64x256xf32, #tpu.memory_space<vmem>>
      tpu.wait_dma2 semaphore(%run_scoped3A : memref<!tpu.dma_semaphore, #tpu.memory_space<semaphore_mem>>) src(%dma_wait3A_551 : memref<64x256xf32, #tpu.memory_space<vmem>>) dst(%dma_wait3A_548 : memref<64x256xf32, #tpu.memory_space<hbm>>)
      tpu.yield
    }) : () -> ()
    "tpu.trace_stop"() : () -> ()
    return
  }
}

</mosaic_0001>

<sc_bundles>
// kernel: kernel.3.cloned.1.call-start
scs
__scs_entry_jumppad:
0x0: {  	(pc) =	sbr.rel $0x88, $3  }
0x1: {  	(tag) =	ssettag $0x0;
	lr =	simm.s32 $0x1  }
0x2: {  	[smem:$0x3F9D] =	sst lr;
	_ =	strace $0xD0000000  }
0x3: {  	_ = 	snop  }
0x4: {  	_ = 	snop  }
0x5: {  	_ = 	snop  }
0x6: {  	_ = 	snop  }
0x7: {  	_ = 	snop  }
__scs_overlays_trampoline_lowered:
0x8: {  	[smem:$0x3FAC] =	sst s0  }
0x9: {  	[smem:$0x3FAD] =	sst s1  }
0xa: {  	[smem:$0x3FAE] =	sst s2  }
0xb: {  	[smem:$0x3FAF] =	sst s3  }
0xc: {  	[smem:$0x3FB0] =	sst s4  }
0xd: {  	[smem:$0x3FB1] =	sst s5  }
0xe: {  	[smem:$0x3FB2] =	sst s6  }
0xf: {  	[smem:$0x3FB3] =	sst s7  }
0x10: {  	[smem:$0x3FB4] =	sst s8  }
0x11: {  	[smem:$0x3FB5] =	sst s9;
	s0 =	simm.s32 @!p0 $0x0  }
0x12: {  	s1 =	sld [smem:$0x3F9B];
	s0 =	simm.s32 @p0 $0x1  }
0x13: {  	[smem:$0x3FB6] =	sst s0;
	s0 =	simm.s32 @!p1 $0x0  }
0x14: {  	s2 =	sld [smem:$0x3F9A];
	s0 =	simm.s32 @p1 $0x1  }
0x15: {  	[smem:$0x3FB7] =	sst s0;
	s0 =	simm.s32 @!p2 $0x0  }
0x16: {  	s3 =	sld [smem:$0x3FDB];
	s0 =	simm.s32 @p2 $0x1  }
0x17: {  	s4 =	simm.s32 $0x1BF5;
	[smem:$0x3FB9] =	sst s0  }
0x18: {  	s0 =	sld [smem:$0x3F9C];
	_ =	swait.ge [sflag:s4], $0x0  }
0x19: {  	s7 =	sld [smem:$0x3F9D]  }
0x1a: {  	s8 =	sadd.s32 $0xFFFFE003, lr  }
0x1b: {  	s9 =	sadd.s32 $0xFFFFFEF7, lr;
	s5 =	simm.s32 $0xFFFFFFFF;
	p2 =	slt.u32 s8, $0xFFFFF086  }
0x1c: {  	p1 =	slt.u32 s9, $0xF7A;
	s5 =	simm.s32 @!p2 $0x0  }
0x1d: {  	s5 =	simm.s32 @p1 $0x1;
	p0 =	seq.s32 s7, s2  }
0x1e: {  	s7 =	smul.u32 @!p0 $0xF7A, s2;
	p2 =	seq.s32 @!p0 s5, $0x0  }
0x1f: {  	s9 =	smul.u32 $0xF7A, s1;
	s8 =	simm.s32 @!p0 $0x1BF5;
	p2 =	por !p2, p0  }
0x20: {  	[sflag:s8] =	ssyncset.s32 @!p0 $0xFFFFF086;
	s6 =	sadd.s32 @!p0 s3, s7;
	s7 =	simm.s32 @!p0 $0x108  }
0x21: {  	s3 =	sadd.s32 s3, s9;
	s6 =	sadd.s32 @!p0 $0x88, s6;
	s7 =	simm.s32 @p2 $0x1082  }
0x22: {  	[simem:s7], [sflag:s8] =	dma.local @!p0 [hbm:s6], $0xF7A  }
0x23: {  	s9 =	sor.u32 $0xD0000000, s2;
	s6 =	simm.s32 $0x108;
	_ =	swait.ge @!p0 [sflag:s8], $0x0  }
0x24: {  	s3 =	sadd.s32 $0x88, s3;
	s6 =	simm.s32 @!p1 $0x1082;
	[sflag:s4] =	ssyncset.s32 $0xFFFFF086  }
0x25: {  	[simem:s6], [sflag:s4] =	dma.local [hbm:s3], $0xF7A  }
0x26: {  	[smem:$0x3F9D] =	sst s1;
	(tag) =	ssettag s2;
	_ =	strace s9  }
0x27: {  	s1 =	sld [smem:$0x3FAD]  }
0x28: {  	s2 =	sld [smem:$0x3FAE]  }
0x29: {  	s4 =	sld [smem:$0x3FB0]  }
0x2a: {  	p0 =	seq.s32 s5, $0x0;
	s5 =	sld [smem:$0x3FB1]  }
0x2b: {  	s6 =	sld [smem:$0x3FB2]  }
0x2c: {  	s7 =	sld [smem:$0x3FB3]  }
0x2d: {  	s3 =	simm.s32 $0x108;
	s8 =	sld [smem:$0x3FB4]  }
0x2e: {  	s3 =	simm.s32 @!p0 $0x1082;
	s9 =	sld [smem:$0x3FB5]  }
0x2f: {  	lr =	sadd.s32 s0, s3;
	s0 =	sld [smem:$0x3FAC]  }
0x30: {  	s3 =	sld [smem:$0x3FAF]  }
0x31: {  	[smem:$0x3FB8] =	sst s10  }
0x32: {  	s10 =	sld [smem:$0x3FB6];
	_ =	sdelay $0x3  }
0x33: {  	p0 =	seq.s32 s10, $0x1;
	s10 =	sld [smem:$0x3FB8];
	_ =	sdelay $0x3  }
0x34: {  	[smem:$0x3FB8] =	sst s10  }
0x35: {  	s10 =	sld [smem:$0x3FB7];
	_ =	sdelay $0x3  }
0x36: {  	p1 =	seq.s32 s10, $0x1;
	s10 =	sld [smem:$0x3FB8];
	_ =	sdelay $0x3  }
0x37: {  	[smem:$0x3FB8] =	sst s10  }
0x38: {  	s10 =	sld [smem:$0x3FB9]  }
0x39: {  	_ = 	snop;
	(pc) =	sbr.ind lr, $3  }
0x3a: {  	_ = 	snop  }
0x3b: {  	_ = 	snop  }
0x3c: {  	p2 =	seq.s32 s10, $0x1;
	s10 =	sld [smem:$0x3FB8]  }
0x3d: {  	_ =	shalt  }
0x3e: {  	_ =	shalt  }
0x3f: {  	_ =	shalt  }
0x40: {  	_ =	shalt  }
0x41: {  	_ =	shalt  }
0x42: {  	_ =	shalt  }
0x43: {  	_ =	shalt  }
0x44: {  	_ =	shalt  }
0x45: {  	_ =	shalt  }
0x46: {  	_ =	shalt  }
0x47: {  	_ =	shalt  }
0x48: {  	_ =	shalt  }
0x49: {  	_ =	shalt  }
0x4a: {  	_ =	shalt  }
0x4b: {  	_ =	shalt  }
0x4c: {  	_ =	shalt  }
0x4d: {  	_ =	shalt  }
0x4e: {  	_ =	shalt  }
0x4f: {  	_ =	shalt  }
0x50: {  	_ =	shalt  }
0x51: {  	_ =	shalt  }
0x52: {  	_ =	shalt  }
0x53: {  	_ =	shalt  }
0x54: {  	_ =	shalt  }
0x55: {  	_ =	shalt  }
0x56: {  	_ =	shalt  }
0x57: {  	_ =	shalt  }
0x58: {  	_ =	shalt  }
0x59: {  	_ =	shalt  }
0x5a: {  	_ =	shalt  }
0x5b: {  	_ =	shalt  }
0x5c: {  	_ =	shalt  }
0x5d: {  	_ =	shalt  }
0x5e: {  	_ =	shalt  }
0x5f: {  	_ =	shalt  }
0x60: {  	_ =	shalt  }
0x61: {  	_ =	shalt  }
0x62: {  	_ =	shalt  }
0x63: {  	_ =	shalt  }
0x64: {  	_ =	shalt  }
0x65: {  	_ =	shalt  }
0x66: {  	_ =	shalt  }
0x67: {  	_ =	shalt  }
0x68: {  	_ =	shalt  }
0x69: {  	_ =	shalt  }
0x6a: {  	_ =	shalt  }
0x6b: {  	_ =	shalt  }
0x6c: {  	_ =	shalt  }
0x6d: {  	_ =	shalt  }
0x6e: {  	_ =	shalt  }
0x6f: {  	_ =	shalt  }
0x70: {  	_ =	shalt  }
0x71: {  	_ =	shalt  }
0x72: {  	_ =	shalt  }
0x73: {  	_ =	shalt  }
0x74: {  	_ =	shalt  }
0x75: {  	_ =	shalt  }
0x76: {  	_ =	shalt  }
0x77: {  	_ =	shalt  }
0x78: {  	_ =	shalt  }
0x79: {  	_ =	shalt  }
0x7a: {  	_ =	shalt  }
0x7b: {  	_ =	shalt  }
0x7c: {  	_ =	shalt  }
0x7d: {  	_ =	shalt  }
0x7e: {  	_ =	shalt  }
0x7f: {  	_ =	shalt  }
0x80: {  	_ =	shalt  }
0x81: {  	_ =	shalt  }
0x82: {  	_ =	shalt  }
0x83: {  	_ =	shalt  }
0x84: {  	_ =	shalt  }
0x85: {  	_ =	shalt  }
0x86: {  	_ =	shalt  }
0x87: {  	_ =	shalt  }
.Lfunc_end0:
.L_simem_size_0:
called_computation_lowered:
.L_overlay_start_0:
0x88: {  	s2 =	sld [smem:$0x3FD9]  }
0x89: {  	s3 =	sld [smem:$0x3FFE];
	_ =	sdelay $0x1  }
0x8a: {  	s1 =	srdreg.scid  }
0x8b: {  	s0 =	sand.u32 $0x1, s1  }
0x8c: {  	s18 =	sshll.u32 s0, $0xA;
	s2 =	sadd.s32 s3, s2  }
0x8d: {  	s2 =	sadd.s32 s2, s18  }
0x8e: {  	[smem:$0x3FC4] =	sst s2  }
0x8f: {  	_ = 	snop  }
0x90: {  	s2 =	sld [smem:$0x3FC9]  }
0x91: {  	s19 =	sld [smem:$0x3FC8]  }
0x92: {  	s4 =	sld [smem:$0x3FC7]  }
0x93: {  	s5 =	sld [smem:$0x3FC6]  }
0x94: {  	s6 =	sld [smem:$0x3FD0];
	(tm) =	ssettm $0x1  }
0x95: {  	s7 =	sld [smem:$0x3FFB];
	_ =	sdelay $0x3  }
0x96: {  	_ =	strace s7  }
0x97: {  	s7 =	sld [smem:$0x3FFC];
	_ =	sdelay $0x3  }
0x98: {  	_ =	strace s7  }
0x99: {  	s7 =	sld [smem:$0x3FFD];
	_ =	sdelay $0x3  }
0x9a: {  	_ =	strace s7  }
0x9b: {  	_ =	strace $0x8FFFFFFF  }
0x9c: {  	s20 =	sld [smem:$0x3FDB];
	_ =	sdelay $0x1  }
0x9d: {  	s8 =	simm.s32 $_scs_section_size  }
0x9e: {  	s9 =	simm.s32 $_size__tile_overlayer_lowered;
	s10 =	simm.s32 $_tile_overlayer_lowered  }
0x9f: {  	s23 =	simm.s32 $0x1BFF;
	s22 =	sshll.u32 s10, $0x1;
	s7 =	sadd.s32 s8, s20  }
0xa0: {  	s11 =	simm.s32 $0x0;
	s21 =	sshll.u32 s9, $0x1;
	s9 =	sadd.s32 s22, s7  }
0xa1: {  	[timem:s11], [sflag:s23] =	dma.local [hbm:s9], s21  }
0xa2: {  	_ =	swait.ge [sflag:s23], s21  }
0xa3: {  	s8 =	ssub.s32 $0x0, s21;
	[sflag:s23] =	ssyncset.done $0x0  }
0xa4: {  	[sflag:s23] =	ssyncadd.s32 s8;
	_ =	sdelay $0x1  }
0xa5: {  	s24 =	simm.s32 $0x1B8B  }
0xa6: {  	_ =	swait.ge [sflag:s24], $0x1  }
0xa7: {  	[sflag:s24] =	ssyncset.done $0x0  }
0xa8: {  	s25 =	simm.s32 $0x1B8E;
	[sflag:s24] =	ssyncadd.s32 $0xFFFFFFFF  }
0xa9: {  	s26 =	simm.s32 $execute0_lowered;
	[smem:$0x3FD2] =	sst s25  }
0xaa: {  	s8 =	sshll.u32 s26, $0x1;
	_ =	strace $0x80000046;
	[dreg:$0x1] =	wrdreg $0xFFFFFFFF  }
0xab: {  	s28 =	simm.s32 $_size_execute0_lowered;
	s7 =	sadd.s32 s7, s8;
	[dreg:$0x0] =	wrdreg $0x0  }
0xac: {  	s8 =	sshll.u32 s28, $0x1;
	[dreg:$0x2] =	wrdreg s7  }
0xad: {  	[dreg:$0x3] =	wrdreg s8  }
0xae: {  	[dreg:$0x4] =	wrdreg $0xC0  }
0xaf: {  	_ =	task [dreg:s11], $0x5FFFF  }
0xb0: {  	[dreg:$0x1] =	wrdreg $0xFFFFFFFF  }
0xb1: {  	[dreg:$0x0] =	wrdreg $0x60  }
0xb2: {  	[dreg:$0x2] =	wrdreg s4  }
0xb3: {  	[dreg:$0x3] =	wrdreg s5  }
0xb4: {  	[dreg:$0x4] =	wrdreg s2  }
0xb5: {  	[dreg:$0x5] =	wrdreg s19  }
0xb6: {  	[dreg:$0x6] =	wrdreg s6  }
0xb7: {  	[dreg:$0x7] =	wrdreg $0x9  }
0xb8: {  	_ =	task.clear_ibuf [dreg:s11], $0x8FFFF;
	_ =	strace $0x90000046  }
0xb9: {  	s29 =	simm.s32 $0x9;
	_ =	strace $0x8000004D  }
0xba: {  	_ =	swait.ge [sflag:s29], $0x1  }
0xbb: {  	[sflag:s29] =	ssyncadd.s32 $0xFFFFFFFF  }
0xbc: {  	_ =	strace $0x9000004D  }
0xbd: {  	_ =	sfence  }
0xbe: {  	s30 =	sld [smem:$0x0];
	_ =	sdelay $0x2  }
0xbf: {  	s31 =	sshll.u32 s1, $0xD;
	s1 =	sshrl.u32 s1, $0x2  }
0xc0: {  	s3 =	sand.u32 $0x4000, s31;
	s1 =	sadd.s32 s1, s30  }
0xc1: {  	s0 =	sor.u32 s3, s0;
	s1 =	sshll.u32 s1, $0x11  }
0xc2: {  	s0 =	sor.u32 s1, s0  }
0xc3: {  	s0 =	sadd.s32 $0x8F2B, s0  }
0xc4: {  	[sflag:s0] =	ssyncadd.remote.s32 $0x1  }
0xc5: {  	_ =	sfence.sel $0xFFFF  }
0xc6: {  	[dreg:$0x0] =	wrdreg $0xFFFFFFFF;
	(pc) =	sbr.abs _section_cstart, $3  }
0xc7: {  	[dreg:$0x1] =	wrdreg $0xFFFFFFFF  }
0xc8: {  	_ =	task.clear_ibuf [dreg:s11], $0x2FFFF;
	_ =	strace $0x9FFFFFFF  }
0xc9: {  	(tm) =	ssettm $0x7FFFFFFF  }
tec
execute0_lowered:
.L_overlay_start_1:
0x0: {  	(tag) =	ssettag $0x1  }
0x1: {  	s0 =	rddreg [dreg:$0x2];
	s1 =	srdreg.scid  }
0x2: {  	s2 =	rddreg [dreg:$0x3];
	s4 =	stileid.u32;
	v26 =	vlaneseq.u32  }
0x3: {  	s3 =	rddreg [dreg:$0x4];
	s15 =	simm.s32 $0x1;
	s16 =	simm.s32 $0x2200;
	v0 =	vmul.u32 $0x80, v26  }
0x4: {  	v1 =	vimm.f32 $0.0e+00;
	s22 =	simm.s32 $0x8600;
	s23 =	simm.s32 $0x9600;
	s24 =	simm.s32 $0xA600;
	v28 =	vand.u32 $0x3, v26  }
0x5: {  	s28 =	simm.s32 $0x4E00;
	s29 =	simm.s32 $0x5E00;
	s30 =	simm.s32 $0x6E00;
	v28 =	vmul.u32 $0x8, v28;
	v2 =	vor.u32 $0x8, v0;
	v3 =	vor.u32 $0x10, v0  }
0x6: {  	s31 =	simm.s32 $0x7E00;
	s12 =	simm.s32 $0x0;
	s1 =	sand.u32 $0x1, s1;
	v4 =	vor.u32 $0x18, v0;
	v5 =	vor.u32 $0x800, v0;
	v6 =	vor.u32 $0x808, v0  }
0x7: {  	s4 =	sshll.u32 s4, $0xA;
	s5 =	sshll.u32 s1, $0x9;
	s1 =	ssub.s32 $0x2, s1;
	v7 =	vor.u32 $0x810, v0;
	v8 =	vor.u32 $0x818, v0;
	v9 =	vor.u32 $0x1, v0  }
0x8: {  	s9 =	sor.u32 s5, s4;
	s4 =	simm.s32 $0x0;
	s6 =	sshrl.u32 s1, $0x1;
	v10 =	vor.u32 $0x9, v0;
	v11 =	vor.u32 $0x11, v0;
	v12 =	vor.u32 $0x19, v0  }
0x9: {  	v13 =	vor.u32 $0x801, v0;
	v14 =	vor.u32 $0x809, v0;
	v15 =	vor.u32 $0x811, v0;
	s5 =	sshrl.u32 s9, $0x7;
	[smem:$0x7FF] =	sst s4;
	s1 =	ssub.s32 s1, s6  }
0xa: {  	v16 =	vor.u32 $0x819, v0;
	v17 =	vor.u32 $0x2, v0;
	v18 =	vor.u32 $0xA, v0;
	s8 =	sshrl.u32 s9, $0x3;
	s9 =	sadd.s32 s3, s9;
	s10 =	sor.u32 $0x2, s5  }
0xb: {  	v19 =	vor.u32 $0x12, v0;
	v20 =	vor.u32 $0x1A, v0;
	v21 =	vor.u32 $0x802, v0;
	_ =	strace $0x80000047;
	s7 =	sadd.s32 s0, s8;
	s8 =	sadd.s32 s2, s8  }
0xc: {  	v22 =	vor.u32 $0x80A, v0;
	v23 =	vor.u32 $0x812, v0;
	v24 =	vor.u32 $0x81A, v0;
	s11 =	smax.u32 s1, $0x1;
	s1 =	simm.s32 $0x9E00;
	s25 =	sshll.u32 s10, $0x4  }
0xd: {  	v25 =	vor.u32 $0x3, v0;
	v26 =	vor.u32 $0xB, v0;
	v27 =	vor.u32 $0x13, v0;
	s26 =	sshll.u32 s10, $0x7;
	s5 =	sadd.s32 s0, s25;
	s6 =	sadd.s32 s2, s25  }
0xe: {  	v29 =	vor.u32 $0x1B, v0;
	v30 =	vor.u32 $0x803, v0;
	v31 =	vor.u32 $0x80B, v0;
	s10 =	sadd.s32 s3, s26;
	s25 =	simm.s32 $0x2;
	s26 =	simm.s32 $0x3E00  }
0xf: {  	v32 =	vor.u32 $0x813, v0;
	v33 =	vor.u32 $0x81B, v0;
	v34 =	vor.u32 $0x4, v28;
	s3 =	simm.s32 $0x8E00;
	s0 =	simm.s32 $0xAE00;
	s2 =	simm.s32 $0x3  }
.LBB2_1:
0x10: {  	_ =	strace $0x80000048;
	s13 =	simm.s32 $0x3300  }
0x11: {  	[tilespmem:s13], [sflag:$0x2] =	stream.linear.gather [hbm4b:s5+s4], $0x100, $0x200038;
	[tilespmem:$0xB600] =	vst v63  }
0x12: {  	s20 =	simm.s32 $0x3500  }
0x13: {  	[tilespmem:s20], [sflag:$0x2] =	stream.linear.gather [hbm4b:s6+s4], $0x100, $0x200038;
	[tilespmem:$0xB600] =	vst v63  }
0x14: {  	s13 =	simm.s32 $0x3200  }
0x15: {  	[tilespmem:s13], [sflag:$0x1] =	stream.linear.gather [hbm4b:s7+s4], $0x100, $0x200038;
	[tilespmem:$0xB600] =	vst v63  }
0x16: {  	s14 =	simm.s32 $0x3400  }
0x17: {  	[tilespmem:s14], [sflag:$0x1] =	stream.linear.gather [hbm4b:s8+s4], $0x100, $0x200038;
	[tilespmem:$0xB600] =	vst v63  }
0x18: {  	s17 =	rddreg [dreg:$0x0]  }
0x19: {  	[tilespmem:s4], [sflag:$0x1] =	stream.linear.gather [hbm4b:s17+s4], $0x2000, $0x200038;
	[tilespmem:$0xB600] =	vst v63  }
0x1a: {  	s18 =	simm.s32 $0x2000;
	s21 =	rddreg [dreg:$0x1]  }
0x1b: {  	[tilespmem:s18], [sflag:$0x1] =	stream.linear.gather [hbm4b:s21+s4], $0x200, $0x200038;
	[tilespmem:$0xB600] =	vst v63  }
0x1c: {  	_ =	swait.ge [sflag:s15], $0x2000  }
0x1d: {  	[sflag:s15] =	ssyncset.done $0x0  }
0x1e: {  	[sflag:s15] =	ssyncadd.s32 $0xFFFFE000  }
0x1f: {  	_ =	swait.ge [sflag:s15], $0x200  }
0x20: {  	[sflag:s15] =	ssyncset.done $0x0  }
0x21: {  	[sflag:s15] =	ssyncadd.s32 $0xFFFFFE00  }
0x22: {  	_ =	swait.ge [sflag:s15], $0x100  }
0x23: {  	[sflag:s15] =	ssyncset.done $0x0  }
0x24: {  	[sflag:s15] =	ssyncadd.s32 $0xFFFFFF00  }
0x25: {  	_ =	swait.ge [sflag:s15], $0x100  }
0x26: {  	[sflag:s15] =	ssyncset.done $0x0  }
0x27: {  	[sflag:s15] =	ssyncadd.s32 $0xFFFFFF00  }
0x28: {  	_ =	strace $0x90000048;
	[tilespmem:$0x2200] =	vst v1  }
0x29: {  	[tilespmem:$0x2210] =	vst v1  }
0x2a: {  	[tilespmem:$0x2280] =	vst v1  }
0x2b: {  	[tilespmem:$0x2290] =	vst v1  }
0x2c: {  	[tilespmem:$0x2300] =	vst v1  }
0x2d: {  	[tilespmem:$0x2310] =	vst v1  }
0x2e: {  	[tilespmem:$0x2380] =	vst v1  }
0x2f: {  	[tilespmem:$0x2390] =	vst v1  }
0x30: {  	[tilespmem:$0x2400] =	vst v1  }
0x31: {  	[tilespmem:$0x2410] =	vst v1  }
0x32: {  	[tilespmem:$0x2480] =	vst v1  }
0x33: {  	[tilespmem:$0x2490] =	vst v1  }
0x34: {  	[tilespmem:$0x2500] =	vst v1  }
0x35: {  	[tilespmem:$0x2510] =	vst v1  }
0x36: {  	[tilespmem:$0x2580] =	vst v1  }
0x37: {  	[tilespmem:$0x2590] =	vst v1  }
0x38: {  	[tilespmem:$0x2600] =	vst v1  }
0x39: {  	[tilespmem:$0x2610] =	vst v1  }
0x3a: {  	[tilespmem:$0x2680] =	vst v1  }
0x3b: {  	[tilespmem:$0x2690] =	vst v1  }
0x3c: {  	[tilespmem:$0x2700] =	vst v1  }
0x3d: {  	[tilespmem:$0x2710] =	vst v1  }
0x3e: {  	[tilespmem:$0x2780] =	vst v1  }
0x3f: {  	[tilespmem:$0x2790] =	vst v1  }
0x40: {  	[tilespmem:$0x2800] =	vst v1  }
0x41: {  	[tilespmem:$0x2810] =	vst v1  }
0x42: {  	[tilespmem:$0x2880] =	vst v1  }
0x43: {  	[tilespmem:$0x2890] =	vst v1  }
0x44: {  	[tilespmem:$0x2900] =	vst v1  }
0x45: {  	[tilespmem:$0x2910] =	vst v1  }
0x46: {  	[tilespmem:$0x2980] =	vst v1  }
0x47: {  	[tilespmem:$0x2990] =	vst v1  }
0x48: {  	[tilespmem:$0x2A00] =	vst v1  }
0x49: {  	[tilespmem:$0x2A10] =	vst v1  }
0x4a: {  	[tilespmem:$0x2A80] =	vst v1  }
0x4b: {  	[tilespmem:$0x2A90] =	vst v1  }
0x4c: {  	[tilespmem:$0x2B00] =	vst v1  }
0x4d: {  	[tilespmem:$0x2B10] =	vst v1  }
0x4e: {  	[tilespmem:$0x2B80] =	vst v1  }
0x4f: {  	[tilespmem:$0x2B90] =	vst v1  }
0x50: {  	[tilespmem:$0x2C00] =	vst v1  }
0x51: {  	[tilespmem:$0x2C10] =	vst v1  }
0x52: {  	[tilespmem:$0x2C80] =	vst v1  }
0x53: {  	[tilespmem:$0x2C90] =	vst v1  }
0x54: {  	[tilespmem:$0x2D00] =	vst v1  }
0x55: {  	[tilespmem:$0x2D10] =	vst v1  }
0x56: {  	[tilespmem:$0x2D80] =	vst v1  }
0x57: {  	[tilespmem:$0x2D90] =	vst v1  }
0x58: {  	[tilespmem:$0x2E00] =	vst v1  }
0x59: {  	[tilespmem:$0x2E10] =	vst v1  }
0x5a: {  	[tilespmem:$0x2E80] =	vst v1  }
0x5b: {  	[tilespmem:$0x2E90] =	vst v1  }
0x5c: {  	[tilespmem:$0x2F00] =	vst v1  }
0x5d: {  	[tilespmem:$0x2F10] =	vst v1  }
0x5e: {  	[tilespmem:$0x2F80] =	vst v1  }
0x5f: {  	[tilespmem:$0x2F90] =	vst v1  }
0x60: {  	[tilespmem:$0x3000] =	vst v1  }
0x61: {  	[tilespmem:$0x3010] =	vst v1  }
0x62: {  	[tilespmem:$0x3080] =	vst v1  }
0x63: {  	[tilespmem:$0x3090] =	vst v1;
	v35 =	vld [tilespmem:$0x2000]  }
0x64: {  	[tilespmem:$0x3100] =	vst v1  }
0x65: {  	[tilespmem:$0x3110] =	vst v1  }
0x66: {  	[tilespmem:$0x3180] =	vst v1  }
0x67: {  	[tilespmem:$0x3190] =	vst v1  }
0x68: {  	[tilespmem:v0+s16+$0x0] =	vst.idx.msk $0xffff, v35  }
0x69: {  	[tilespmem:v2+s16+$0x0] =	vst.idx.msk $0xffff, v35  }
0x6a: {  	[tilespmem:v3+s16+$0x0] =	vst.idx.msk $0xffff, v35  }
0x6b: {  	[tilespmem:v4+s16+$0x0] =	vst.idx.msk $0xffff, v35  }
0x6c: {  	v35 =	vld [tilespmem:$0x2010];
	_ =	sdelay $0x4  }
0x6d: {  	[tilespmem:v5+s16+$0x0] =	vst.idx.msk $0xffff, v35  }
0x6e: {  	[tilespmem:v6+s16+$0x0] =	vst.idx.msk $0xffff, v35  }
0x6f: {  	[tilespmem:v7+s16+$0x0] =	vst.idx.msk $0xffff, v35  }
0x70: {  	[tilespmem:v8+s16+$0x0] =	vst.idx.msk $0xffff, v35  }
0x71: {  	v35 =	vld [tilespmem:$0x2080];
	_ =	sdelay $0x4  }
0x72: {  	[tilespmem:v9+s16+$0x0] =	vst.idx.msk $0xffff, v35  }
0x73: {  	[tilespmem:v10+s16+$0x0] =	vst.idx.msk $0xffff, v35  }
0x74: {  	[tilespmem:v11+s16+$0x0] =	vst.idx.msk $0xffff, v35  }
0x75: {  	[tilespmem:v12+s16+$0x0] =	vst.idx.msk $0xffff, v35  }
0x76: {  	v35 =	vld [tilespmem:$0x2090];
	_ =	sdelay $0x4  }
0x77: {  	[tilespmem:v13+s16+$0x0] =	vst.idx.msk $0xffff, v35  }
0x78: {  	[tilespmem:v14+s16+$0x0] =	vst.idx.msk $0xffff, v35  }
0x79: {  	[tilespmem:v15+s16+$0x0] =	vst.idx.msk $0xffff, v35  }
0x7a: {  	[tilespmem:v16+s16+$0x0] =	vst.idx.msk $0xffff, v35  }
0x7b: {  	v35 =	vld [tilespmem:$0x2100];
	_ =	sdelay $0x4  }
0x7c: {  	[tilespmem:v17+s16+$0x0] =	vst.idx.msk $0xffff, v35  }
0x7d: {  	[tilespmem:v18+s16+$0x0] =	vst.idx.msk $0xffff, v35  }
0x7e: {  	[tilespmem:v19+s16+$0x0] =	vst.idx.msk $0xffff, v35  }
0x7f: {  	[tilespmem:v20+s16+$0x0] =	vst.idx.msk $0xffff, v35  }
0x80: {  	v35 =	vld [tilespmem:$0x2110];
	_ =	sdelay $0x4  }
0x81: {  	[tilespmem:v21+s16+$0x0] =	vst.idx.msk $0xffff, v35  }
0x82: {  	[tilespmem:v22+s16+$0x0] =	vst.idx.msk $0xffff, v35  }
0x83: {  	[tilespmem:v23+s16+$0x0] =	vst.idx.msk $0xffff, v35  }
0x84: {  	[tilespmem:v24+s16+$0x0] =	vst.idx.msk $0xffff, v35  }
0x85: {  	v35 =	vld [tilespmem:$0x2180];
	_ =	sdelay $0x4  }
0x86: {  	[tilespmem:v25+s16+$0x0] =	vst.idx.msk $0xffff, v35  }
0x87: {  	[tilespmem:v26+s16+$0x0] =	vst.idx.msk $0xffff, v35  }
0x88: {  	[tilespmem:v27+s16+$0x0] =	vst.idx.msk $0xffff, v35  }
0x89: {  	[tilespmem:v29+s16+$0x0] =	vst.idx.msk $0xffff, v35  }
0x8a: {  	v35 =	vld [tilespmem:$0x2190];
	_ =	sdelay $0x4  }
0x8b: {  	[tilespmem:v30+s16+$0x0] =	vst.idx.msk $0xffff, v35  }
0x8c: {  	[tilespmem:v31+s16+$0x0] =	vst.idx.msk $0xffff, v35  }
0x8d: {  	[tilespmem:v32+s16+$0x0] =	vst.idx.msk $0xffff, v35  }
0x8e: {  	[tilespmem:v33+s16+$0x0] =	vst.idx.msk $0xffff, v35  }
0x8f: {  	_ =	strace $0x80000049  }
0x90: {  	v63 =	vld [tilespmem:s13+$0x0];
	_ =	sdelay $0x4  }
0x91: {  	v36 =	vshll.u32 v63, $0x3  }
0x92: {  	v37 =	vand.u32 $0x7F, v63;
	v36 =	vand.u32 $0xFFFFFC00, v36  }
0x93: {  	v36 =	vor.u32 v37, v36  }
0x94: {  	v37 =	vor.u32 $0x80, v36  }
0x95: {  	v38 =	vor.u32 $0x100, v36  }
0x96: {  	v39 =	vor.u32 $0x180, v36  }
0x97: {  	v40 =	vld [tilespmem:s14+$0x0];
	v41 =	vor.u32 $0x200, v36  }
0x98: {  	v43 =	vor.u32 $0x280, v36;
	v42 =	vld.idx.msk [tilespmem:v36+s4+$0x0], $0xffff  }
0x99: {  	v44 =	vor.u32 $0x300, v36;
	v37 =	vld.idx.msk [tilespmem:v37+s4+$0x0], $0xffff  }
0x9a: {  	v45 =	vor.u32 $0x380, v36;
	v38 =	vld.idx.msk [tilespmem:v38+s4+$0x0], $0xffff  }
0x9b: {  	v46 =	vadd.s32 $0x800, v36;
	v39 =	vld.idx.msk [tilespmem:v39+s4+$0x0], $0xffff  }
0x9c: {  	v47 =	vadd.s32 $0x880, v36;
	v41 =	vld.idx.msk [tilespmem:v41+s4+$0x0], $0xffff  }
0x9d: {  	v48 =	vadd.s32 $0x900, v36;
	v43 =	vld.idx.msk [tilespmem:v43+s4+$0x0], $0xffff  }
0x9e: {  	v49 =	vadd.s32 $0x980, v36;
	v44 =	vld.idx.msk [tilespmem:v44+s4+$0x0], $0xffff  }
0x9f: {  	v50 =	vadd.s32 $0xA00, v36;
	v45 =	vld.idx.msk [tilespmem:v45+s4+$0x0], $0xffff  }
0xa0: {  	v51 =	vadd.s32 $0xA80, v36;
	v46 =	vld.idx.msk [tilespmem:v46+s4+$0x0], $0xffff  }
0xa1: {  	v52 =	vadd.s32 $0xB00, v36;
	v47 =	vld.idx.msk [tilespmem:v47+s4+$0x0], $0xffff  }
0xa2: {  	v53 =	vadd.s32 $0xB80, v36;
	v48 =	vld.idx.msk [tilespmem:v48+s4+$0x0], $0xffff  }
0xa3: {  	v49 =	vld.idx.msk [tilespmem:v49+s4+$0x0], $0xffff  }
0xa4: {  	v50 =	vld.idx.msk [tilespmem:v50+s4+$0x0], $0xffff  }
0xa5: {  	s19 =	sand.u32 $0x70, s4;
	s20 =	sand.u32 $0x400, s4;
	vm0 =	veq.s32 v63, $0x0;
	v51 =	vld.idx.msk [tilespmem:v51+s4+$0x0], $0xffff  }
0xa6: {  	s17 =	sor.u32 s19, s20;
	v35 =	vld.idx.msk [tilespmem:v52+s4+$0x0], $0xffff;
	v42 =	vsel vm0, $0x0, v42  }
0xa7: {  	v56 =	vld.idx.msk [tilespmem:v53+s4+$0x0], $0xffff;
	v37 =	vsel vm0, $0x0, v37;
	[tilespmem:s17+$0x3600] =	vst v42  }
0xa8: {  	v38 =	vsel vm0, $0x0, v38;
	[tilespmem:s17+$0x3680] =	vst v37  }
0xa9: {  	v57 =	vsel vm0, $0x0, v39;
	[tilespmem:s17+$0x3700] =	vst v38  }
0xaa: {  	v58 =	vsel vm0, $0x0, v41;
	[tilespmem:s17+$0x3780] =	vst v57  }
0xab: {  	v59 =	vsel vm0, $0x0, v43;
	[tilespmem:s17+$0x3800] =	vst v58  }
0xac: {  	s21 =	sor.u32 s4, s4;
	v60 =	vsel vm0, $0x0, v44;
	[tilespmem:s17+$0x3880] =	vst v59  }
0xad: {  	s18 =	sor.u32 $0x380, s21;
	v61 =	vsel vm0, $0x0, v45;
	[tilespmem:s17+$0x3900] =	vst v60  }
0xae: {  	v62 =	vsel vm0, $0x0, v46;
	[tilespmem:s18+$0x3600] =	vst v61  }
0xaf: {  	v63 =	vsel vm0, $0x0, v47;
	[tilespmem:s17+$0x4600] =	vst v62  }
0xb0: {  	v41 =	vsel vm0, $0x0, v48;
	[tilespmem:s17+$0x4680] =	vst v63  }
0xb1: {  	v42 =	vsel vm0, $0x0, v49;
	[tilespmem:s17+$0x4700] =	vst v41  }
0xb2: {  	v52 =	vadd.s32 $0x1300, v36;
	v43 =	vsel vm0, $0x0, v50;
	[tilespmem:s17+$0x4780] =	vst v42  }
0xb3: {  	v54 =	vadd.s32 $0x1800, v36;
	v45 =	vsel vm0, $0x0, v51;
	[tilespmem:s17+$0x4800] =	vst v43  }
0xb4: {  	v44 =	vadd.s32 $0x1000, v36;
	v35 =	vsel vm0, $0x0, v35;
	[tilespmem:s17+$0x4880] =	vst v45  }
0xb5: {  	v46 =	vadd.s32 $0x1080, v36;
	v48 =	vsel vm0, $0x0, v56;
	[tilespmem:s17+$0x4900] =	vst v35  }
0xb6: {  	v47 =	vadd.s32 $0x1100, v36;
	[tilespmem:s17+$0x4980] =	vst v48  }
0xb7: {  	v49 =	vadd.s32 $0x1180, v36;
	v43 =	vld.idx.msk [tilespmem:v52+s4+$0x0], $0xffff  }
0xb8: {  	v50 =	vadd.s32 $0x1200, v36;
	v45 =	vld.idx.msk [tilespmem:v54+s4+$0x0], $0xffff  }
0xb9: {  	v51 =	vadd.s32 $0x1280, v36;
	v37 =	vld.idx.msk [tilespmem:v44+s4+$0x0], $0xffff  }
0xba: {  	v53 =	vadd.s32 $0x1380, v36;
	v38 =	vld.idx.msk [tilespmem:v46+s4+$0x0], $0xffff  }
0xbb: {  	v55 =	vadd.s32 $0x1880, v36;
	v39 =	vld.idx.msk [tilespmem:v47+s4+$0x0], $0xffff  }
0xbc: {  	v56 =	vadd.s32 $0x1900, v36;
	v35 =	vld.idx.msk [tilespmem:v49+s4+$0x0], $0xffff  }
0xbd: {  	v57 =	vadd.s32 $0x1980, v36;
	v41 =	vld.idx.msk [tilespmem:v50+s4+$0x0], $0xffff  }
0xbe: {  	v58 =	vadd.s32 $0x1A00, v36;
	v42 =	vld.idx.msk [tilespmem:v51+s4+$0x0], $0xffff  }
0xbf: {  	v59 =	vadd.s32 $0x1A80, v36;
	v44 =	vld.idx.msk [tilespmem:v53+s4+$0x0], $0xffff  }
0xc0: {  	v60 =	vadd.s32 $0x1B00, v36;
	v46 =	vld.idx.msk [tilespmem:v55+s4+$0x0], $0xffff  }
0xc1: {  	v36 =	vadd.s32 $0x1B80, v36;
	v47 =	vld.idx.msk [tilespmem:v56+s4+$0x0], $0xffff  }
0xc2: {  	v48 =	vld.idx.msk [tilespmem:v57+s4+$0x0], $0xffff  }
0xc3: {  	v49 =	vld.idx.msk [tilespmem:v58+s4+$0x0], $0xffff  }
0xc4: {  	v50 =	vld.idx.msk [tilespmem:v59+s4+$0x0], $0xffff  }
0xc5: {  	v51 =	vld.idx.msk [tilespmem:v60+s4+$0x0], $0xffff;
	v43 =	vsel vm0, $0x0, v43  }
0xc6: {  	v61 =	vld.idx.msk [tilespmem:v36+s4+$0x0], $0xffff;
	v45 =	vsel vm0, $0x0, v45;
	[tilespmem:s17+$0x5900] =	vst v43  }
0xc7: {  	v37 =	vsel vm0, $0x0, v37;
	[tilespmem:s17+$0x6600] =	vst v45  }
0xc8: {  	v62 =	vsel vm0, $0x0, v38;
	[tilespmem:s17+$0x5600] =	vst v37  }
0xc9: {  	v63 =	vsel vm0, $0x0, v39;
	[tilespmem:s17+$0x5680] =	vst v62  }
0xca: {  	v35 =	vsel vm0, $0x0, v35;
	[tilespmem:s17+$0x5700] =	vst v63  }
0xcb: {  	v41 =	vsel vm0, $0x0, v41;
	[tilespmem:s17+$0x5780] =	vst v35  }
0xcc: {  	v42 =	vsel vm0, $0x0, v42;
	[tilespmem:s17+$0x5800] =	vst v41  }
0xcd: {  	v44 =	vsel vm0, $0x0, v44;
	[tilespmem:s17+$0x5880] =	vst v42  }
0xce: {  	v46 =	vsel vm0, $0x0, v46;
	[tilespmem:s17+$0x5980] =	vst v44  }
0xcf: {  	v53 =	vsel vm0, $0x0, v47;
	[tilespmem:s17+$0x6680] =	vst v46  }
0xd0: {  	v54 =	vadd.s32 v28, v40;
	v55 =	vsel vm0, $0x0, v48;
	[tilespmem:s17+$0x6700] =	vst v53  }
0xd1: {  	v36 =	vsel vm0, v34, v54;
	v56 =	vsel vm0, $0x0, v49;
	[tilespmem:s17+$0x6780] =	vst v55  }
0xd2: {  	v58 =	vadd.s32 $0x80, v36;
	v57 =	vsel vm0, $0x0, v50;
	[tilespmem:s17+$0x6800] =	vst v56  }
0xd3: {  	v60 =	vadd.s32 $0x100, v36;
	v59 =	vsel vm0, $0x0, v51;
	[tilespmem:s17+$0x6880] =	vst v57  }
0xd4: {  	v61 =	vsel vm0, $0x0, v61;
	v62 =	vadd.s32 $0x180, v36;
	[tilespmem:s17+$0x6900] =	vst v59  }
0xd5: {  	v63 =	vadd.s32 $0x200, v36;
	[tilespmem:s17+$0x6980] =	vst v61  }
0xd6: {  	v45 =	vadd.s32 $0x280, v36;
	v37 =	vld.idx.msk [tilespmem:v36+s16+$0x0], $0xffff  }
0xd7: {  	v43 =	vadd.s32 $0x300, v36;
	v35 =	vld.idx.msk [tilespmem:v58+s16+$0x0], $0xffff  }
0xd8: {  	v44 =	vadd.s32 $0x380, v36;
	v39 =	vld.idx.msk [tilespmem:v60+s16+$0x0], $0xffff  }
0xd9: {  	v38 =	vadd.s32 $0x400, v36;
	v40 =	vld.idx.msk [tilespmem:v62+s16+$0x0], $0xffff  }
0xda: {  	s19 =	simm.s32 $0x0;
	s18 =	simm.s32 $0x10;
	v42 =	vadd.s32 $0x480, v36;
	v41 =	vld.idx.msk [tilespmem:v63+s16+$0x0], $0xffff  }
.LBB2_2:
0xdb: {  	p0 =	sne.s32 s18, $0xF0;
	v45 =	vld.idx.msk [tilespmem:v45+s16+$0x0], $0xffff;
	v46 =	vadd.s32 $0x500, v36  }
0xdc: {  	v47 =	vadd.s32 $0x580, v36;
	v43 =	vld.idx.msk [tilespmem:v43+s16+$0x0], $0xffff  }
0xdd: {  	v48 =	vadd.s32 $0x600, v36;
	v44 =	vld.idx.msk [tilespmem:v44+s16+$0x0], $0xffff  }
0xde: {  	v49 =	vld.idx.msk [tilespmem:v38+s16+$0x0], $0xffff;
	v38 =	vadd.s32 $0x680, v36  }
0xdf: {  	v50 =	vadd.s32 $0x700, v36;
	v42 =	vld.idx.msk [tilespmem:v42+s16+$0x0], $0xffff  }
0xe0: {  	v51 =	vadd.s32 $0x780, v36;
	v46 =	vld.idx.msk [tilespmem:v46+s16+$0x0], $0xffff  }
0xe1: {  	v47 =	vld.idx.msk [tilespmem:v47+s16+$0x0], $0xffff  }
0xe2: {  	v48 =	vld.idx.msk [tilespmem:v48+s16+$0x0], $0xffff  }
0xe3: {  	v52 =	vld.idx.msk [tilespmem:v38+s16+$0x0], $0xffff  }
0xe4: {  	v50 =	vld.idx.msk [tilespmem:v50+s16+$0x0], $0xffff  }
0xe5: {  	s13 =	sadd.s32 $0x10, s13;
	v51 =	vld.idx.msk [tilespmem:v51+s16+$0x0], $0xffff;
	[tilespmem:s17+$0x7600] =	vst v37  }
0xe6: {  	v38 =	vld [tilespmem:s13+$0x0];
	[tilespmem:s17+$0x7680] =	vst v35  }
0xe7: {  	[tilespmem:s17+$0x7700] =	vst v39  }
0xe8: {  	[tilespmem:s17+$0x7780] =	vst v40  }
0xe9: {  	[tilespmem:s17+$0x7800] =	vst v41  }
0xea: {  	[tilespmem:s17+$0x7880] =	vst v45  }
0xeb: {  	v35 =	vshll.u32 v38, $0x3;
	[tilespmem:s17+$0x7900] =	vst v43  }
0xec: {  	v37 =	vand.u32 $0x7F, v38;
	v35 =	vand.u32 $0xFFFFFC00, v35;
	[tilespmem:s17+$0x7980] =	vst v44  }
0xed: {  	v37 =	vor.u32 v37, v35;
	[tilespmem:s17+$0x8600] =	vst v49  }
0xee: {  	v39 =	vor.u32 $0x80, v37;
	[tilespmem:s17+$0x8680] =	vst v42  }
0xef: {  	v40 =	vor.u32 $0x100, v37;
	[tilespmem:s17+$0x8700] =	vst v46  }
0xf0: {  	s14 =	sadd.s32 $0x10, s14;
	v41 =	vadd.s32 $0x800, v36;
	[tilespmem:s17+$0x8780] =	vst v47  }
0xf1: {  	v42 =	vadd.s32 $0x880, v36;
	v35 =	vld [tilespmem:s14+$0x0];
	[tilespmem:s17+$0x8800] =	vst v48  }
0xf2: {  	v44 =	vadd.s32 $0x900, v36;
	v43 =	vld.idx.msk [tilespmem:v37+s4+$0x0], $0xffff;
	[tilespmem:s17+$0x8880] =	vst v52  }
0xf3: {  	v45 =	vadd.s32 $0x980, v36;
	v39 =	vld.idx.msk [tilespmem:v39+s4+$0x0], $0xffff;
	[tilespmem:s17+$0x8900] =	vst v50  }
0xf4: {  	v46 =	vadd.s32 $0xA00, v36;
	v40 =	vld.idx.msk [tilespmem:v40+s4+$0x0], $0xffff;
	[tilespmem:s17+$0x8980] =	vst v51  }
0xf5: {  	v47 =	vadd.s32 $0xA80, v36;
	v41 =	vld.idx.msk [tilespmem:v41+s16+$0x0], $0xffff  }
0xf6: {  	v48 =	vadd.s32 $0xB00, v36;
	v42 =	vld.idx.msk [tilespmem:v42+s16+$0x0], $0xffff  }
0xf7: {  	v49 =	vadd.s32 $0xB80, v36;
	v44 =	vld.idx.msk [tilespmem:v44+s16+$0x0], $0xffff  }
0xf8: {  	v50 =	vadd.s32 $0xC00, v36;
	v45 =	vld.idx.msk [tilespmem:v45+s16+$0x0], $0xffff  }
0xf9: {  	v51 =	vadd.s32 $0xF80, v36;
	v46 =	vld.idx.msk [tilespmem:v46+s16+$0x0], $0xffff  }
0xfa: {  	v52 =	vadd.s32 $0xC80, v36;
	v47 =	vld.idx.msk [tilespmem:v47+s16+$0x0], $0xffff  }
0xfb: {  	v53 =	vadd.s32 $0xD00, v36;
	v48 =	vld.idx.msk [tilespmem:v48+s16+$0x0], $0xffff  }
0xfc: {  	v54 =	vadd.s32 $0xD80, v36;
	v49 =	vld.idx.msk [tilespmem:v49+s16+$0x0], $0xffff  }
0xfd: {  	v55 =	vadd.s32 $0xE00, v36;
	v50 =	vld.idx.msk [tilespmem:v50+s16+$0x0], $0xffff  }
0xfe: {  	v56 =	vadd.s32 $0xE80, v36;
	v51 =	vld.idx.msk [tilespmem:v51+s16+$0x0], $0xffff  }
0xff: {  	v36 =	vadd.s32 $0xF00, v36;
	v52 =	vld.idx.msk [tilespmem:v52+s16+$0x0], $0xffff  }
0x100: {  	v57 =	vor.u32 $0x180, v37;
	v53 =	vld.idx.msk [tilespmem:v53+s16+$0x0], $0xffff  }
0x101: {  	v58 =	vor.u32 $0x200, v37;
	v54 =	vld.idx.msk [tilespmem:v54+s16+$0x0], $0xffff  }
0x102: {  	v59 =	vor.u32 $0x280, v37;
	v55 =	vld.idx.msk [tilespmem:v55+s16+$0x0], $0xffff  }
0x103: {  	v60 =	vor.u32 $0x300, v37;
	v56 =	vld.idx.msk [tilespmem:v56+s16+$0x0], $0xffff  }
0x104: {  	v61 =	vor.u32 $0x380, v37;
	v36 =	vld.idx.msk [tilespmem:v36+s16+$0x0], $0xffff;
	[tilespmem:s17+$0xA980] =	vst v51  }
0x105: {  	v51 =	vld.idx.msk [tilespmem:v57+s4+$0x0], $0xffff;
	v57 =	vadd.s32 $0x800, v37;
	[tilespmem:s17+$0x9600] =	vst v41  }
0x106: {  	v41 =	vld.idx.msk [tilespmem:v58+s4+$0x0], $0xffff;
	v58 =	vadd.s32 $0x880, v37;
	[tilespmem:s17+$0x9680] =	vst v42  }
0x107: {  	v42 =	vld.idx.msk [tilespmem:v59+s4+$0x0], $0xffff;
	v59 =	vadd.s32 $0x900, v37;
	[tilespmem:s17+$0x9700] =	vst v44  }
0x108: {  	v44 =	vld.idx.msk [tilespmem:v60+s4+$0x0], $0xffff;
	v60 =	vadd.s32 $0x980, v37;
	[tilespmem:s17+$0x9780] =	vst v45  }
0x109: {  	v45 =	vld.idx.msk [tilespmem:v61+s4+$0x0], $0xffff;
	v61 =	vadd.s32 $0xA00, v37;
	[tilespmem:s17+$0x9800] =	vst v46  }
0x10a: {  	v46 =	vld.idx.msk [tilespmem:v57+s4+$0x0], $0xffff;
	v57 =	vadd.s32 $0xA80, v37;
	[tilespmem:s17+$0x9880] =	vst v47  }
0x10b: {  	v47 =	vld.idx.msk [tilespmem:v58+s4+$0x0], $0xffff;
	v58 =	vadd.s32 $0xB00, v37;
	[tilespmem:s17+$0x9900] =	vst v48  }
0x10c: {  	v48 =	vld.idx.msk [tilespmem:v59+s4+$0x0], $0xffff;
	v59 =	vadd.s32 $0xB80, v37;
	[tilespmem:s17+$0x9980] =	vst v49  }
0x10d: {  	v49 =	vld.idx.msk [tilespmem:v60+s4+$0x0], $0xffff;
	[tilespmem:s17+$0xA600] =	vst v50  }
0x10e: {  	s19 =	sadd.s32 $0x80, s19;
	v50 =	vld.idx.msk [tilespmem:v61+s4+$0x0], $0xffff;
	[tilespmem:s17+$0xA680] =	vst v52  }
0x10f: {  	s20 =	sand.u32 $0x70, s18;
	s21 =	sand.u32 $0x400, s19;
	vm0 =	veq.s32 v38, $0x0;
	v38 =	vld.idx.msk [tilespmem:v57+s4+$0x0], $0xffff;
	[tilespmem:s17+$0xA700] =	vst v53  }
0x110: {  	s20 =	sor.u32 s20, s21;
	v43 =	vsel vm0, $0x0, v43;
	v52 =	vld.idx.msk [tilespmem:v58+s4+$0x0], $0xffff;
	[tilespmem:s17+$0xA780] =	vst v54  }
0x111: {  	v39 =	vsel vm0, $0x0, v39;
	v53 =	vld.idx.msk [tilespmem:v59+s4+$0x0], $0xffff;
	[tilespmem:s20+$0x3600] =	vst v43  }
0x112: {  	v40 =	vsel vm0, $0x0, v40;
	[tilespmem:s20+$0x3680] =	vst v39  }
0x113: {  	v39 =	vsel vm0, $0x0, v51;
	[tilespmem:s20+$0x3700] =	vst v40  }
0x114: {  	v40 =	vsel vm0, $0x0, v41;
	[tilespmem:s20+$0x3780] =	vst v39  }
0x115: {  	v39 =	vsel vm0, $0x0, v42;
	[tilespmem:s20+$0x3800] =	vst v40  }
0x116: {  	s21 =	sor.u32 s19, s18;
	v40 =	vsel vm0, $0x0, v44;
	[tilespmem:s20+$0x3880] =	vst v39  }
0x117: {  	s21 =	sor.u32 $0x380, s21;
	v39 =	vsel vm0, $0x0, v45;
	[tilespmem:s20+$0x3900] =	vst v40  }
0x118: {  	v40 =	vsel vm0, $0x0, v46;
	[tilespmem:s21+$0x3600] =	vst v39  }
0x119: {  	v39 =	vsel vm0, $0x0, v47;
	[tilespmem:s20+$0x4600] =	vst v40  }
0x11a: {  	v40 =	vsel vm0, $0x0, v48;
	[tilespmem:s20+$0x4680] =	vst v39  }
0x11b: {  	v39 =	vsel vm0, $0x0, v49;
	[tilespmem:s20+$0x4700] =	vst v40  }
0x11c: {  	v40 =	vsel vm0, $0x0, v50;
	[tilespmem:s20+$0x4780] =	vst v39;
	v39 =	vadd.s32 $0x1000, v37  }
0x11d: {  	v38 =	vsel vm0, $0x0, v38;
	[tilespmem:s20+$0x4800] =	vst v40;
	v40 =	vadd.s32 $0x1080, v37  }
0x11e: {  	v41 =	vsel vm0, $0x0, v52;
	[tilespmem:s20+$0x4880] =	vst v38;
	v38 =	vadd.s32 $0x1100, v37  }
0x11f: {  	v42 =	vsel vm0, $0x0, v53;
	[tilespmem:s20+$0x4900] =	vst v41;
	v41 =	vadd.s32 $0x1180, v37  }
0x120: {  	[tilespmem:s20+$0x4980] =	vst v42;
	v42 =	vadd.s32 $0x1200, v37  }
0x121: {  	v43 =	vadd.s32 $0x1280, v37;
	v39 =	vld.idx.msk [tilespmem:v39+s4+$0x0], $0xffff;
	[tilespmem:s17+$0xA800] =	vst v55  }
0x122: {  	v44 =	vadd.s32 $0x1300, v37;
	v40 =	vld.idx.msk [tilespmem:v40+s4+$0x0], $0xffff;
	[tilespmem:s17+$0xA880] =	vst v56  }
0x123: {  	v45 =	vadd.s32 $0x1380, v37;
	v38 =	vld.idx.msk [tilespmem:v38+s4+$0x0], $0xffff;
	[tilespmem:s17+$0xA900] =	vst v36;
	s17 =	smov.u32 s20  }
0x124: {  	v36 =	vld.idx.msk [tilespmem:v41+s4+$0x0], $0xffff;
	v41 =	vadd.s32 $0x1800, v37  }
0x125: {  	v46 =	vadd.s32 $0x1880, v37;
	v42 =	vld.idx.msk [tilespmem:v42+s4+$0x0], $0xffff  }
0x126: {  	v47 =	vadd.s32 $0x1900, v37;
	v43 =	vld.idx.msk [tilespmem:v43+s4+$0x0], $0xffff  }
0x127: {  	v48 =	vadd.s32 $0x1980, v37;
	v44 =	vld.idx.msk [tilespmem:v44+s4+$0x0], $0xffff  }
0x128: {  	v49 =	vadd.s32 $0x1A00, v37;
	v45 =	vld.idx.msk [tilespmem:v45+s4+$0x0], $0xffff  }
0x129: {  	v50 =	vadd.s32 $0x1A80, v37;
	v41 =	vld.idx.msk [tilespmem:v41+s4+$0x0], $0xffff  }
0x12a: {  	v51 =	vadd.s32 $0x1B00, v37;
	v46 =	vld.idx.msk [tilespmem:v46+s4+$0x0], $0xffff  }
0x12b: {  	v37 =	vadd.s32 $0x1B80, v37;
	v47 =	vld.idx.msk [tilespmem:v47+s4+$0x0], $0xffff  }
0x12c: {  	v48 =	vld.idx.msk [tilespmem:v48+s4+$0x0], $0xffff  }
0x12d: {  	v49 =	vld.idx.msk [tilespmem:v49+s4+$0x0], $0xffff  }
0x12e: {  	v50 =	vld.idx.msk [tilespmem:v50+s4+$0x0], $0xffff  }
0x12f: {  	v39 =	vsel vm0, $0x0, v39;
	v51 =	vld.idx.msk [tilespmem:v51+s4+$0x0], $0xffff  }
0x130: {  	v40 =	vsel vm0, $0x0, v40;
	v37 =	vld.idx.msk [tilespmem:v37+s4+$0x0], $0xffff;
	[tilespmem:s17+$0x5600] =	vst v39  }
0x131: {  	v38 =	vsel vm0, $0x0, v38;
	[tilespmem:s17+$0x5680] =	vst v40  }
0x132: {  	v36 =	vsel vm0, $0x0, v36;
	[tilespmem:s17+$0x5700] =	vst v38  }
0x133: {  	v38 =	vsel vm0, $0x0, v42;
	[tilespmem:s17+$0x5780] =	vst v36  }
0x134: {  	v36 =	vsel vm0, $0x0, v43;
	[tilespmem:s17+$0x5800] =	vst v38  }
0x135: {  	v38 =	vsel vm0, $0x0, v44;
	[tilespmem:s17+$0x5880] =	vst v36  }
0x136: {  	v36 =	vsel vm0, $0x0, v45;
	[tilespmem:s17+$0x5900] =	vst v38  }
0x137: {  	v38 =	vsel vm0, $0x0, v41;
	[tilespmem:s17+$0x5980] =	vst v36  }
0x138: {  	v36 =	vsel vm0, $0x0, v46;
	[tilespmem:s17+$0x6600] =	vst v38  }
0x139: {  	v38 =	vsel vm0, $0x0, v47;
	[tilespmem:s17+$0x6680] =	vst v36  }
0x13a: {  	v35 =	vadd.s32 v28, v35;
	v39 =	vsel vm0, $0x0, v48;
	[tilespmem:s17+$0x6700] =	vst v38  }
0x13b: {  	v36 =	vsel vm0, v34, v35;
	v35 =	vsel vm0, $0x0, v49;
	[tilespmem:s17+$0x6780] =	vst v39  }
0x13c: {  	v38 =	vsel vm0, $0x0, v50;
	[tilespmem:s17+$0x6800] =	vst v35;
	v35 =	vadd.s32 $0x80, v36  }
0x13d: {  	v39 =	vsel vm0, $0x0, v51;
	[tilespmem:s17+$0x6880] =	vst v38;
	v38 =	vadd.s32 $0x100, v36  }
0x13e: {  	v37 =	vsel vm0, $0x0, v37;
	v40 =	vadd.s32 $0x180, v36;
	[tilespmem:s17+$0x6900] =	vst v39  }
0x13f: {  	v41 =	vadd.s32 $0x200, v36;
	[tilespmem:s17+$0x6980] =	vst v37  }
.Ltmp0:
0x140: {  	v45 =	vadd.s32 $0x280, v36;
	v37 =	vld.idx.msk [tilespmem:v36+s16+$0x0], $0xffff;
	(pc) =	sbr.rel @p0 .LBB2_2-.Ltmp0, $4  }
0x141: {  	v43 =	vadd.s32 $0x300, v36;
	v35 =	vld.idx.msk [tilespmem:v35+s16+$0x0], $0xffff  }
0x142: {  	v44 =	vadd.s32 $0x380, v36;
	v39 =	vld.idx.msk [tilespmem:v38+s16+$0x0], $0xffff  }
0x143: {  	v38 =	vadd.s32 $0x400, v36;
	v40 =	vld.idx.msk [tilespmem:v40+s16+$0x0], $0xffff  }
0x144: {  	s18 =	sadd.s32 $0x10, s18;
	v42 =	vadd.s32 $0x480, v36;
	v41 =	vld.idx.msk [tilespmem:v41+s16+$0x0], $0xffff  }
0x145: {  	_ =	sdelay $0x3  }
0x146: {  	v45 =	vld.idx.msk [tilespmem:v45+s16+$0x0], $0xffff;
	v46 =	vadd.s32 $0x500, v36  }
0x147: {  	v43 =	vld.idx.msk [tilespmem:v43+s16+$0x0], $0xffff;
	v47 =	vadd.s32 $0x580, v36  }
0x148: {  	v44 =	vld.idx.msk [tilespmem:v44+s16+$0x0], $0xffff;
	v48 =	vadd.s32 $0x600, v36  }
0x149: {  	v38 =	vld.idx.msk [tilespmem:v38+s16+$0x0], $0xffff;
	v49 =	vadd.s32 $0x680, v36  }
0x14a: {  	v42 =	vld.idx.msk [tilespmem:v42+s16+$0x0], $0xffff;
	v50 =	vadd.s32 $0x700, v36  }
0x14b: {  	v51 =	vadd.s32 $0x780, v36;
	v46 =	vld.idx.msk [tilespmem:v46+s16+$0x0], $0xffff  }
0x14c: {  	v47 =	vld.idx.msk [tilespmem:v47+s16+$0x0], $0xffff  }
0x14d: {  	v48 =	vld.idx.msk [tilespmem:v48+s16+$0x0], $0xffff  }
0x14e: {  	v49 =	vld.idx.msk [tilespmem:v49+s16+$0x0], $0xffff  }
0x14f: {  	v50 =	vld.idx.msk [tilespmem:v50+s16+$0x0], $0xffff  }
0x150: {  	v51 =	vld.idx.msk [tilespmem:v51+s16+$0x0], $0xffff;
	[tilespmem:s17+$0x7600] =	vst v37  }
0x151: {  	[tilespmem:s17+$0x7680] =	vst v35  }
0x152: {  	[tilespmem:s17+$0x7700] =	vst v39  }
0x153: {  	[tilespmem:s17+$0x7780] =	vst v40  }
0x154: {  	[tilespmem:s17+$0x7800] =	vst v41  }
0x155: {  	[tilespmem:s17+$0x7880] =	vst v45  }
0x156: {  	[tilespmem:s17+$0x7900] =	vst v43  }
0x157: {  	[tilespmem:s17+$0x7980] =	vst v44  }
0x158: {  	[tilespmem:s17+$0x8600] =	vst v38  }
0x159: {  	[tilespmem:s17+$0x8680] =	vst v42  }
0x15a: {  	[tilespmem:s17+$0x8700] =	vst v46  }
0x15b: {  	v52 =	vadd.s32 $0xA00, v36;
	[tilespmem:s17+$0x8780] =	vst v47  }
0x15c: {  	v53 =	vadd.s32 $0xA80, v36;
	[tilespmem:s17+$0x8800] =	vst v48  }
0x15d: {  	v54 =	vadd.s32 $0xB00, v36;
	[tilespmem:s17+$0x8880] =	vst v49  }
0x15e: {  	v55 =	vadd.s32 $0xB80, v36;
	[tilespmem:s17+$0x8900] =	vst v50  }
0x15f: {  	v56 =	vadd.s32 $0xC00, v36;
	[tilespmem:s17+$0x8980] =	vst v51  }
0x160: {  	v57 =	vadd.s32 $0xF80, v36;
	v40 =	vld.idx.msk [tilespmem:v52+s16+$0x0], $0xffff  }
0x161: {  	v58 =	vadd.s32 $0xC80, v36;
	v41 =	vld.idx.msk [tilespmem:v53+s16+$0x0], $0xffff  }
0x162: {  	v63 =	vadd.s32 $0xF00, v36;
	v42 =	vld.idx.msk [tilespmem:v54+s16+$0x0], $0xffff  }
0x163: {  	v47 =	vadd.s32 $0x800, v36;
	v43 =	vld.idx.msk [tilespmem:v55+s16+$0x0], $0xffff  }
0x164: {  	v48 =	vadd.s32 $0x880, v36;
	v44 =	vld.idx.msk [tilespmem:v56+s16+$0x0], $0xffff  }
0x165: {  	v49 =	vadd.s32 $0x900, v36;
	v45 =	vld.idx.msk [tilespmem:v57+s16+$0x0], $0xffff  }
0x166: {  	v59 =	vadd.s32 $0xD00, v36;
	v50 =	vadd.s32 $0x980, v36;
	v46 =	vld.idx.msk [tilespmem:v58+s16+$0x0], $0xffff  }
0x167: {  	v60 =	vadd.s32 $0xD80, v36;
	v61 =	vadd.s32 $0xE00, v36;
	v62 =	vadd.s32 $0xE80, v36;
	v36 =	vld.idx.msk [tilespmem:v63+s16+$0x0], $0xffff  }
0x168: {  	v35 =	vld.idx.msk [tilespmem:v47+s16+$0x0], $0xffff  }
0x169: {  	v37 =	vld.idx.msk [tilespmem:v48+s16+$0x0], $0xffff  }
0x16a: {  	v38 =	vld.idx.msk [tilespmem:v49+s16+$0x0], $0xffff  }
0x16b: {  	v39 =	vld.idx.msk [tilespmem:v50+s16+$0x0], $0xffff  }
0x16c: {  	v47 =	vld.idx.msk [tilespmem:v59+s16+$0x0], $0xffff  }
0x16d: {  	v48 =	vld.idx.msk [tilespmem:v60+s16+$0x0], $0xffff  }
0x16e: {  	v49 =	vld.idx.msk [tilespmem:v61+s16+$0x0], $0xffff  }
0x16f: {  	v50 =	vld.idx.msk [tilespmem:v62+s16+$0x0], $0xffff;
	[tilespmem:s17+$0xA980] =	vst v45  }
0x170: {  	[tilespmem:s17+$0x9800] =	vst v40  }
0x171: {  	[tilespmem:s17+$0x9880] =	vst v41  }
0x172: {  	[tilespmem:s17+$0x9900] =	vst v42  }
0x173: {  	[tilespmem:s17+$0x9980] =	vst v43  }
0x174: {  	[tilespmem:s17+$0xA600] =	vst v44  }
0x175: {  	[tilespmem:s17+$0xA680] =	vst v46  }
0x176: {  	[tilespmem:s17+$0xA900] =	vst v36  }
0x177: {  	[tilespmem:s17+$0x9600] =	vst v35  }
0x178: {  	[tilespmem:s17+$0x9680] =	vst v37  }
0x179: {  	[tilespmem:s17+$0x9700] =	vst v38  }
0x17a: {  	[tilespmem:s17+$0x9780] =	vst v39  }
0x17b: {  	[tilespmem:s17+$0xA700] =	vst v47  }
0x17c: {  	[tilespmem:s17+$0xA780] =	vst v48  }
0x17d: {  	[tilespmem:s17+$0xA800] =	vst v49  }
0x17e: {  	[tilespmem:s17+$0xA880] =	vst v50  }
0x17f: {  	s13 =	simm.s32 $0x3600;
	_ =	strace $0x90000049  }
0x180: {  	[hbm4b:s9+s4] =	stream.linear.scatter [tilespmem:s13], [sflag:$0x1], $0x800, $0x38;
	[tilespmem:$0xB600] =	vst v63  }
0x181: {  	s14 =	simm.s32 $0x4600;
	s17 =	sadd.s32 $0x4000, s9  }
0x182: {  	[hbm4b:s17+s4] =	stream.linear.scatter [tilespmem:s14], [sflag:$0x1], $0x800, $0x38;
	[tilespmem:$0xB600] =	vst v63  }
0x183: {  	s18 =	sadd.s32 $0x8000, s9;
	s19 =	simm.s32 $0x5600  }
0x184: {  	[hbm4b:s18+s4] =	stream.linear.scatter [tilespmem:s19], [sflag:$0x1], $0x800, $0x38;
	[tilespmem:$0xB600] =	vst v63  }
0x185: {  	s20 =	sadd.s32 $0xC000, s9;
	s21 =	simm.s32 $0x6600  }
0x186: {  	[hbm4b:s20+s4] =	stream.linear.scatter [tilespmem:s21], [sflag:$0x1], $0x800, $0x38;
	[tilespmem:$0xB600] =	vst v63  }
0x187: {  	s14 =	sadd.s32 $0x10000, s9;
	s17 =	simm.s32 $0x7600  }
0x188: {  	[hbm4b:s14+s4] =	stream.linear.scatter [tilespmem:s17], [sflag:$0x1], $0x800, $0x38;
	[tilespmem:$0xB600] =	vst v63  }
0x189: {  	s18 =	sadd.s32 $0x14000, s9  }
0x18a: {  	[hbm4b:s18+s4] =	stream.linear.scatter [tilespmem:s22], [sflag:$0x1], $0x800, $0x38;
	[tilespmem:$0xB600] =	vst v63  }
0x18b: {  	s19 =	sadd.s32 $0x18000, s9  }
0x18c: {  	[hbm4b:s19+s4] =	stream.linear.scatter [tilespmem:s23], [sflag:$0x1], $0x800, $0x38;
	[tilespmem:$0xB600] =	vst v63  }
0x18d: {  	s20 =	sadd.s32 $0x1C000, s9  }
0x18e: {  	[hbm4b:s20+s4] =	stream.linear.scatter [tilespmem:s24], [sflag:$0x1], $0x800, $0x38;
	[tilespmem:$0xB600] =	vst v63  }
0x18f: {  	_ =	strace $0x8000004A  }
0x190: {  	_ =	swait.ge [sflag:s25], $0x100  }
0x191: {  	[sflag:s25] =	ssyncset.done $0x0  }
0x192: {  	[sflag:s25] =	ssyncadd.s32 $0xFFFFFF00  }
0x193: {  	_ =	swait.ge [sflag:s25], $0x100  }
0x194: {  	[sflag:s25] =	ssyncset.done $0x0  }
0x195: {  	[sflag:s25] =	ssyncadd.s32 $0xFFFFFF00  }
0x196: {  	_ =	strace $0x9000004A  }
0x197: {  	s14 =	simm.s32 $0x3300;
	_ =	strace $0x8000004B  }
0x198: {  	v35 =	vld [tilespmem:s14+$0x0];
	_ =	sdelay $0x4  }
0x199: {  	v50 =	vshll.u32 v35, $0x3  }
0x19a: {  	v51 =	vand.u32 $0x7F, v35;
	v36 =	vand.u32 $0xFFFFFC00, v50  }
0x19b: {  	v36 =	vor.u32 v51, v36  }
0x19c: {  	v37 =	vor.u32 $0x80, v36  }
0x19d: {  	v52 =	vor.u32 $0x100, v36  }
0x19e: {  	s17 =	simm.s32 $0x3500;
	v53 =	vor.u32 $0x180, v36  }
0x19f: {  	v40 =	vld [tilespmem:s17+$0x0];
	v54 =	vor.u32 $0x200, v36  }
0x1a0: {  	v55 =	vor.u32 $0x280, v36;
	v42 =	vld.idx.msk [tilespmem:v36+s4+$0x0], $0xffff  }
0x1a1: {  	v56 =	vor.u32 $0x300, v36;
	v37 =	vld.idx.msk [tilespmem:v37+s4+$0x0], $0xffff  }
0x1a2: {  	v57 =	vor.u32 $0x380, v36;
	v38 =	vld.idx.msk [tilespmem:v52+s4+$0x0], $0xffff  }
0x1a3: {  	v58 =	vadd.s32 $0x800, v36;
	v39 =	vld.idx.msk [tilespmem:v53+s4+$0x0], $0xffff  }
0x1a4: {  	v59 =	vadd.s32 $0x880, v36;
	v41 =	vld.idx.msk [tilespmem:v54+s4+$0x0], $0xffff  }
0x1a5: {  	v60 =	vadd.s32 $0x900, v36;
	v43 =	vld.idx.msk [tilespmem:v55+s4+$0x0], $0xffff  }
0x1a6: {  	v61 =	vadd.s32 $0x980, v36;
	v44 =	vld.idx.msk [tilespmem:v56+s4+$0x0], $0xffff  }
0x1a7: {  	v62 =	vadd.s32 $0xA00, v36;
	v45 =	vld.idx.msk [tilespmem:v57+s4+$0x0], $0xffff  }
0x1a8: {  	v63 =	vadd.s32 $0xA80, v36;
	v46 =	vld.idx.msk [tilespmem:v58+s4+$0x0], $0xffff  }
0x1a9: {  	v47 =	vld.idx.msk [tilespmem:v59+s4+$0x0], $0xffff;
	v52 =	vadd.s32 $0xB00, v36  }
0x1aa: {  	v48 =	vld.idx.msk [tilespmem:v60+s4+$0x0], $0xffff;
	v53 =	vadd.s32 $0xB80, v36  }
0x1ab: {  	v49 =	vld.idx.msk [tilespmem:v61+s4+$0x0], $0xffff  }
0x1ac: {  	s18 =	simm.s32 $0x800;
	s19 =	simm.s32 $0x100;
	v50 =	vld.idx.msk [tilespmem:v62+s4+$0x0], $0xffff  }
0x1ad: {  	s21 =	sand.u32 $0x70, s19;
	s20 =	sand.u32 $0xC00, s18;
	vm0 =	veq.s32 v35, $0x0;
	v51 =	vld.idx.msk [tilespmem:v63+s4+$0x0], $0xffff  }
0x1ae: {  	s13 =	sor.u32 s21, s20;
	v42 =	vsel vm0, $0x0, v42;
	v35 =	vld.idx.msk [tilespmem:v52+s4+$0x0], $0xffff  }
0x1af: {  	v56 =	vld.idx.msk [tilespmem:v53+s4+$0x0], $0xffff;
	v37 =	vsel vm0, $0x0, v37;
	[tilespmem:s13+$0x3600] =	vst v42  }
0x1b0: {  	v38 =	vsel vm0, $0x0, v38;
	[tilespmem:s13+$0x3680] =	vst v37  }
0x1b1: {  	v57 =	vsel vm0, $0x0, v39;
	[tilespmem:s13+$0x3700] =	vst v38  }
0x1b2: {  	v58 =	vsel vm0, $0x0, v41;
	[tilespmem:s13+$0x3780] =	vst v57  }
0x1b3: {  	v59 =	vsel vm0, $0x0, v43;
	[tilespmem:s13+$0x3800] =	vst v58  }
0x1b4: {  	s19 =	sor.u32 s18, s19;
	v60 =	vsel vm0, $0x0, v44;
	[tilespmem:s13+$0x3880] =	vst v59  }
0x1b5: {  	s19 =	sor.u32 $0x380, s19;
	v61 =	vsel vm0, $0x0, v45;
	[tilespmem:s13+$0x3900] =	vst v60  }
0x1b6: {  	v62 =	vsel vm0, $0x0, v46;
	[tilespmem:s19+$0x3600] =	vst v61  }
0x1b7: {  	v63 =	vsel vm0, $0x0, v47;
	[tilespmem:s13+$0x4600] =	vst v62  }
0x1b8: {  	v41 =	vsel vm0, $0x0, v48;
	[tilespmem:s13+$0x4680] =	vst v63  }
0x1b9: {  	v42 =	vsel vm0, $0x0, v49;
	[tilespmem:s13+$0x4700] =	vst v41  }
0x1ba: {  	v43 =	vsel vm0, $0x0, v50;
	v44 =	vadd.s32 $0x1000, v36;
	[tilespmem:s13+$0x4780] =	vst v42  }
0x1bb: {  	v45 =	vsel vm0, $0x0, v51;
	v46 =	vadd.s32 $0x1080, v36;
	[tilespmem:s13+$0x4800] =	vst v43  }
0x1bc: {  	v47 =	vadd.s32 $0x1100, v36;
	[tilespmem:s13+$0x4880] =	vst v45;
	v35 =	vsel vm0, $0x0, v35  }
0x1bd: {  	v49 =	vadd.s32 $0x1180, v36;
	v48 =	vsel vm0, $0x0, v56;
	[tilespmem:s13+$0x4900] =	vst v35  }
0x1be: {  	v50 =	vadd.s32 $0x1200, v36;
	[tilespmem:s13+$0x4980] =	vst v48  }
0x1bf: {  	v51 =	vadd.s32 $0x1280, v36;
	v37 =	vld.idx.msk [tilespmem:v44+s4+$0x0], $0xffff  }
0x1c0: {  	v52 =	vadd.s32 $0x1300, v36;
	v38 =	vld.idx.msk [tilespmem:v46+s4+$0x0], $0xffff  }
0x1c1: {  	v53 =	vadd.s32 $0x1380, v36;
	v39 =	vld.idx.msk [tilespmem:v47+s4+$0x0], $0xffff  }
0x1c2: {  	v54 =	vadd.s32 $0x1800, v36;
	v35 =	vld.idx.msk [tilespmem:v49+s4+$0x0], $0xffff  }
0x1c3: {  	v55 =	vadd.s32 $0x1880, v36;
	v41 =	vld.idx.msk [tilespmem:v50+s4+$0x0], $0xffff  }
0x1c4: {  	v57 =	vadd.s32 $0x1980, v36;
	v42 =	vld.idx.msk [tilespmem:v51+s4+$0x0], $0xffff  }
0x1c5: {  	v58 =	vadd.s32 $0x1A00, v36;
	v43 =	vld.idx.msk [tilespmem:v52+s4+$0x0], $0xffff  }
0x1c6: {  	v59 =	vadd.s32 $0x1A80, v36;
	v44 =	vld.idx.msk [tilespmem:v53+s4+$0x0], $0xffff  }
0x1c7: {  	v60 =	vadd.s32 $0x1B00, v36;
	v45 =	vld.idx.msk [tilespmem:v54+s4+$0x0], $0xffff  }
0x1c8: {  	v56 =	vadd.s32 $0x1900, v36;
	v46 =	vld.idx.msk [tilespmem:v55+s4+$0x0], $0xffff  }
0x1c9: {  	v36 =	vadd.s32 $0x1B80, v36;
	v48 =	vld.idx.msk [tilespmem:v57+s4+$0x0], $0xffff  }
0x1ca: {  	v49 =	vld.idx.msk [tilespmem:v58+s4+$0x0], $0xffff  }
0x1cb: {  	v50 =	vld.idx.msk [tilespmem:v59+s4+$0x0], $0xffff  }
0x1cc: {  	v51 =	vld.idx.msk [tilespmem:v60+s4+$0x0], $0xffff  }
0x1cd: {  	v47 =	vld.idx.msk [tilespmem:v56+s4+$0x0], $0xffff;
	v37 =	vsel vm0, $0x0, v37  }
0x1ce: {  	v61 =	vld.idx.msk [tilespmem:v36+s4+$0x0], $0xffff;
	v62 =	vsel vm0, $0x0, v38;
	[tilespmem:s13+$0x5600] =	vst v37  }
0x1cf: {  	v63 =	vsel vm0, $0x0, v39;
	[tilespmem:s13+$0x5680] =	vst v62  }
0x1d0: {  	v35 =	vsel vm0, $0x0, v35;
	[tilespmem:s13+$0x5700] =	vst v63  }
0x1d1: {  	v41 =	vsel vm0, $0x0, v41;
	[tilespmem:s13+$0x5780] =	vst v35  }
0x1d2: {  	v42 =	vsel vm0, $0x0, v42;
	[tilespmem:s13+$0x5800] =	vst v41  }
0x1d3: {  	v43 =	vsel vm0, $0x0, v43;
	[tilespmem:s13+$0x5880] =	vst v42  }
0x1d4: {  	v44 =	vsel vm0, $0x0, v44;
	[tilespmem:s13+$0x5900] =	vst v43  }
0x1d5: {  	v45 =	vsel vm0, $0x0, v45;
	[tilespmem:s13+$0x5980] =	vst v44  }
0x1d6: {  	v46 =	vsel vm0, $0x0, v46;
	[tilespmem:s13+$0x6600] =	vst v45  }
0x1d7: {  	v55 =	vsel vm0, $0x0, v48;
	[tilespmem:s13+$0x6680] =	vst v46  }
0x1d8: {  	v54 =	vadd.s32 v28, v40;
	v56 =	vsel vm0, $0x0, v49;
	[tilespmem:s13+$0x6780] =	vst v55  }
0x1d9: {  	v36 =	vsel vm0, v34, v54;
	v57 =	vsel vm0, $0x0, v50;
	[tilespmem:s13+$0x6800] =	vst v56  }
0x1da: {  	v58 =	vadd.s32 $0x80, v36;
	v59 =	vsel vm0, $0x0, v51;
	[tilespmem:s13+$0x6880] =	vst v57  }
0x1db: {  	v60 =	vadd.s32 $0x100, v36;
	[tilespmem:s13+$0x6900] =	vst v59;
	v53 =	vsel vm0, $0x0, v47  }
0x1dc: {  	v62 =	vadd.s32 $0x180, v36;
	v61 =	vsel vm0, $0x0, v61;
	[tilespmem:s13+$0x6700] =	vst v53  }
0x1dd: {  	v63 =	vadd.s32 $0x200, v36;
	[tilespmem:s13+$0x6980] =	vst v61  }
0x1de: {  	v45 =	vadd.s32 $0x280, v36;
	v37 =	vld.idx.msk [tilespmem:v36+s16+$0x0], $0xffff  }
0x1df: {  	v43 =	vadd.s32 $0x300, v36;
	v35 =	vld.idx.msk [tilespmem:v58+s16+$0x0], $0xffff  }
0x1e0: {  	v44 =	vadd.s32 $0x380, v36;
	v39 =	vld.idx.msk [tilespmem:v60+s16+$0x0], $0xffff  }
0x1e1: {  	v38 =	vadd.s32 $0x400, v36;
	v40 =	vld.idx.msk [tilespmem:v62+s16+$0x0], $0xffff  }
0x1e2: {  	s19 =	simm.s32 $0x110;
	v42 =	vadd.s32 $0x480, v36;
	v41 =	vld.idx.msk [tilespmem:v63+s16+$0x0], $0xffff  }
.LBB2_4:
0x1e3: {  	p0 =	sne.s32 s19, $0x1F0;
	v45 =	vld.idx.msk [tilespmem:v45+s16+$0x0], $0xffff;
	v46 =	vadd.s32 $0x500, v36  }
0x1e4: {  	v47 =	vadd.s32 $0x580, v36;
	v43 =	vld.idx.msk [tilespmem:v43+s16+$0x0], $0xffff  }
0x1e5: {  	v48 =	vadd.s32 $0x600, v36;
	v44 =	vld.idx.msk [tilespmem:v44+s16+$0x0], $0xffff  }
0x1e6: {  	v49 =	vld.idx.msk [tilespmem:v38+s16+$0x0], $0xffff;
	v38 =	vadd.s32 $0x680, v36  }
0x1e7: {  	v50 =	vadd.s32 $0x700, v36;
	v42 =	vld.idx.msk [tilespmem:v42+s16+$0x0], $0xffff  }
0x1e8: {  	v51 =	vadd.s32 $0x780, v36;
	v46 =	vld.idx.msk [tilespmem:v46+s16+$0x0], $0xffff  }
0x1e9: {  	v47 =	vld.idx.msk [tilespmem:v47+s16+$0x0], $0xffff  }
0x1ea: {  	v48 =	vld.idx.msk [tilespmem:v48+s16+$0x0], $0xffff  }
0x1eb: {  	v52 =	vld.idx.msk [tilespmem:v38+s16+$0x0], $0xffff  }
0x1ec: {  	v50 =	vld.idx.msk [tilespmem:v50+s16+$0x0], $0xffff  }
0x1ed: {  	s14 =	sadd.s32 $0x10, s14;
	v51 =	vld.idx.msk [tilespmem:v51+s16+$0x0], $0xffff;
	[tilespmem:s13+$0x7600] =	vst v37  }
0x1ee: {  	v38 =	vld [tilespmem:s14+$0x0];
	[tilespmem:s13+$0x7680] =	vst v35  }
0x1ef: {  	[tilespmem:s13+$0x7700] =	vst v39  }
0x1f0: {  	[tilespmem:s13+$0x7780] =	vst v40  }
0x1f1: {  	[tilespmem:s13+$0x7800] =	vst v41  }
0x1f2: {  	[tilespmem:s13+$0x7880] =	vst v45  }
0x1f3: {  	v35 =	vshll.u32 v38, $0x3;
	[tilespmem:s13+$0x7900] =	vst v43  }
0x1f4: {  	v37 =	vand.u32 $0x7F, v38;
	v35 =	vand.u32 $0xFFFFFC00, v35;
	[tilespmem:s13+$0x7980] =	vst v44  }
0x1f5: {  	v37 =	vor.u32 v37, v35;
	[tilespmem:s13+$0x8600] =	vst v49  }
0x1f6: {  	v39 =	vor.u32 $0x80, v37;
	[tilespmem:s13+$0x8680] =	vst v42  }
0x1f7: {  	v40 =	vor.u32 $0x100, v37;
	[tilespmem:s13+$0x8700] =	vst v46  }
0x1f8: {  	s17 =	sadd.s32 $0x10, s17;
	v41 =	vadd.s32 $0x800, v36;
	[tilespmem:s13+$0x8780] =	vst v47  }
0x1f9: {  	v42 =	vadd.s32 $0x880, v36;
	v35 =	vld [tilespmem:s17+$0x0];
	[tilespmem:s13+$0x8800] =	vst v48  }
0x1fa: {  	v44 =	vadd.s32 $0x900, v36;
	v43 =	vld.idx.msk [tilespmem:v37+s4+$0x0], $0xffff;
	[tilespmem:s13+$0x8880] =	vst v52  }
0x1fb: {  	v45 =	vadd.s32 $0x980, v36;
	v39 =	vld.idx.msk [tilespmem:v39+s4+$0x0], $0xffff;
	[tilespmem:s13+$0x8900] =	vst v50  }
0x1fc: {  	v46 =	vadd.s32 $0xA00, v36;
	v40 =	vld.idx.msk [tilespmem:v40+s4+$0x0], $0xffff;
	[tilespmem:s13+$0x8980] =	vst v51  }
0x1fd: {  	v47 =	vadd.s32 $0xA80, v36;
	v41 =	vld.idx.msk [tilespmem:v41+s16+$0x0], $0xffff  }
0x1fe: {  	v48 =	vadd.s32 $0xB00, v36;
	v42 =	vld.idx.msk [tilespmem:v42+s16+$0x0], $0xffff  }
0x1ff: {  	v49 =	vadd.s32 $0xB80, v36;
	v44 =	vld.idx.msk [tilespmem:v44+s16+$0x0], $0xffff  }
0x200: {  	v50 =	vadd.s32 $0xC00, v36;
	v45 =	vld.idx.msk [tilespmem:v45+s16+$0x0], $0xffff  }
0x201: {  	v51 =	vadd.s32 $0xF80, v36;
	v46 =	vld.idx.msk [tilespmem:v46+s16+$0x0], $0xffff  }
0x202: {  	v52 =	vadd.s32 $0xC80, v36;
	v47 =	vld.idx.msk [tilespmem:v47+s16+$0x0], $0xffff  }
0x203: {  	v53 =	vadd.s32 $0xD00, v36;
	v48 =	vld.idx.msk [tilespmem:v48+s16+$0x0], $0xffff  }
0x204: {  	v54 =	vadd.s32 $0xD80, v36;
	v49 =	vld.idx.msk [tilespmem:v49+s16+$0x0], $0xffff  }
0x205: {  	v55 =	vadd.s32 $0xE00, v36;
	v50 =	vld.idx.msk [tilespmem:v50+s16+$0x0], $0xffff  }
0x206: {  	v56 =	vadd.s32 $0xE80, v36;
	v51 =	vld.idx.msk [tilespmem:v51+s16+$0x0], $0xffff  }
0x207: {  	v36 =	vadd.s32 $0xF00, v36;
	v52 =	vld.idx.msk [tilespmem:v52+s16+$0x0], $0xffff  }
0x208: {  	v57 =	vor.u32 $0x180, v37;
	v53 =	vld.idx.msk [tilespmem:v53+s16+$0x0], $0xffff  }
0x209: {  	v58 =	vor.u32 $0x200, v37;
	v54 =	vld.idx.msk [tilespmem:v54+s16+$0x0], $0xffff  }
0x20a: {  	v59 =	vor.u32 $0x280, v37;
	v55 =	vld.idx.msk [tilespmem:v55+s16+$0x0], $0xffff  }
0x20b: {  	v60 =	vor.u32 $0x300, v37;
	v56 =	vld.idx.msk [tilespmem:v56+s16+$0x0], $0xffff  }
0x20c: {  	v61 =	vor.u32 $0x380, v37;
	v36 =	vld.idx.msk [tilespmem:v36+s16+$0x0], $0xffff;
	[tilespmem:s13+$0xA980] =	vst v51  }
0x20d: {  	v51 =	vld.idx.msk [tilespmem:v57+s4+$0x0], $0xffff;
	v57 =	vadd.s32 $0x800, v37;
	[tilespmem:s13+$0x9600] =	vst v41  }
0x20e: {  	v41 =	vld.idx.msk [tilespmem:v58+s4+$0x0], $0xffff;
	v58 =	vadd.s32 $0x880, v37;
	[tilespmem:s13+$0x9680] =	vst v42  }
0x20f: {  	v42 =	vld.idx.msk [tilespmem:v59+s4+$0x0], $0xffff;
	v59 =	vadd.s32 $0x900, v37;
	[tilespmem:s13+$0x9700] =	vst v44  }
0x210: {  	v44 =	vld.idx.msk [tilespmem:v60+s4+$0x0], $0xffff;
	v60 =	vadd.s32 $0x980, v37;
	[tilespmem:s13+$0x9780] =	vst v45  }
0x211: {  	v45 =	vld.idx.msk [tilespmem:v61+s4+$0x0], $0xffff;
	v61 =	vadd.s32 $0xA00, v37;
	[tilespmem:s13+$0x9800] =	vst v46  }
0x212: {  	v46 =	vld.idx.msk [tilespmem:v57+s4+$0x0], $0xffff;
	v57 =	vadd.s32 $0xA80, v37;
	[tilespmem:s13+$0x9880] =	vst v47  }
0x213: {  	v47 =	vld.idx.msk [tilespmem:v58+s4+$0x0], $0xffff;
	v58 =	vadd.s32 $0xB00, v37;
	[tilespmem:s13+$0x9900] =	vst v48  }
0x214: {  	v48 =	vld.idx.msk [tilespmem:v59+s4+$0x0], $0xffff;
	v59 =	vadd.s32 $0xB80, v37;
	[tilespmem:s13+$0x9980] =	vst v49  }
0x215: {  	v49 =	vld.idx.msk [tilespmem:v60+s4+$0x0], $0xffff;
	[tilespmem:s13+$0xA600] =	vst v50  }
0x216: {  	s18 =	sadd.s32 $0x80, s18;
	v50 =	vld.idx.msk [tilespmem:v61+s4+$0x0], $0xffff;
	[tilespmem:s13+$0xA680] =	vst v52  }
0x217: {  	s20 =	sand.u32 $0x70, s19;
	s21 =	sand.u32 $0xC00, s18;
	vm0 =	veq.s32 v38, $0x0;
	v38 =	vld.idx.msk [tilespmem:v57+s4+$0x0], $0xffff;
	[tilespmem:s13+$0xA700] =	vst v53  }
0x218: {  	s20 =	sor.u32 s20, s21;
	v43 =	vsel vm0, $0x0, v43;
	v52 =	vld.idx.msk [tilespmem:v58+s4+$0x0], $0xffff;
	[tilespmem:s13+$0xA780] =	vst v54  }
0x219: {  	v39 =	vsel vm0, $0x0, v39;
	v53 =	vld.idx.msk [tilespmem:v59+s4+$0x0], $0xffff;
	[tilespmem:s20+$0x3600] =	vst v43  }
0x21a: {  	v40 =	vsel vm0, $0x0, v40;
	[tilespmem:s20+$0x3680] =	vst v39  }
0x21b: {  	v39 =	vsel vm0, $0x0, v51;
	[tilespmem:s20+$0x3700] =	vst v40  }
0x21c: {  	v40 =	vsel vm0, $0x0, v41;
	[tilespmem:s20+$0x3780] =	vst v39  }
0x21d: {  	v39 =	vsel vm0, $0x0, v42;
	[tilespmem:s20+$0x3800] =	vst v40  }
0x21e: {  	s21 =	sor.u32 s18, s19;
	v40 =	vsel vm0, $0x0, v44;
	[tilespmem:s20+$0x3880] =	vst v39  }
0x21f: {  	s21 =	sor.u32 $0x380, s21;
	v39 =	vsel vm0, $0x0, v45;
	[tilespmem:s20+$0x3900] =	vst v40  }
0x220: {  	v40 =	vsel vm0, $0x0, v46;
	[tilespmem:s21+$0x3600] =	vst v39  }
0x221: {  	v39 =	vsel vm0, $0x0, v47;
	[tilespmem:s20+$0x4600] =	vst v40  }
0x222: {  	v40 =	vsel vm0, $0x0, v48;
	[tilespmem:s20+$0x4680] =	vst v39  }
0x223: {  	v39 =	vsel vm0, $0x0, v49;
	[tilespmem:s20+$0x4700] =	vst v40  }
0x224: {  	v40 =	vsel vm0, $0x0, v50;
	[tilespmem:s20+$0x4780] =	vst v39;
	v39 =	vadd.s32 $0x1000, v37  }
0x225: {  	v38 =	vsel vm0, $0x0, v38;
	[tilespmem:s20+$0x4800] =	vst v40;
	v40 =	vadd.s32 $0x1080, v37  }
0x226: {  	v41 =	vsel vm0, $0x0, v52;
	[tilespmem:s20+$0x4880] =	vst v38;
	v38 =	vadd.s32 $0x1100, v37  }
0x227: {  	v42 =	vsel vm0, $0x0, v53;
	[tilespmem:s20+$0x4900] =	vst v41;
	v41 =	vadd.s32 $0x1180, v37  }
0x228: {  	[tilespmem:s20+$0x4980] =	vst v42;
	v42 =	vadd.s32 $0x1200, v37  }
0x229: {  	v43 =	vadd.s32 $0x1280, v37;
	v39 =	vld.idx.msk [tilespmem:v39+s4+$0x0], $0xffff;
	[tilespmem:s13+$0xA800] =	vst v55  }
0x22a: {  	v44 =	vadd.s32 $0x1300, v37;
	v40 =	vld.idx.msk [tilespmem:v40+s4+$0x0], $0xffff;
	[tilespmem:s13+$0xA880] =	vst v56  }
0x22b: {  	v45 =	vadd.s32 $0x1380, v37;
	v38 =	vld.idx.msk [tilespmem:v38+s4+$0x0], $0xffff;
	[tilespmem:s13+$0xA900] =	vst v36;
	s13 =	smov.u32 s20  }
0x22c: {  	v36 =	vld.idx.msk [tilespmem:v41+s4+$0x0], $0xffff;
	v41 =	vadd.s32 $0x1800, v37  }
0x22d: {  	v46 =	vadd.s32 $0x1880, v37;
	v42 =	vld.idx.msk [tilespmem:v42+s4+$0x0], $0xffff  }
0x22e: {  	v47 =	vadd.s32 $0x1900, v37;
	v43 =	vld.idx.msk [tilespmem:v43+s4+$0x0], $0xffff  }
0x22f: {  	v48 =	vadd.s32 $0x1980, v37;
	v44 =	vld.idx.msk [tilespmem:v44+s4+$0x0], $0xffff  }
0x230: {  	v49 =	vadd.s32 $0x1A00, v37;
	v45 =	vld.idx.msk [tilespmem:v45+s4+$0x0], $0xffff  }
0x231: {  	v50 =	vadd.s32 $0x1A80, v37;
	v41 =	vld.idx.msk [tilespmem:v41+s4+$0x0], $0xffff  }
0x232: {  	v51 =	vadd.s32 $0x1B00, v37;
	v46 =	vld.idx.msk [tilespmem:v46+s4+$0x0], $0xffff  }
0x233: {  	v37 =	vadd.s32 $0x1B80, v37;
	v47 =	vld.idx.msk [tilespmem:v47+s4+$0x0], $0xffff  }
0x234: {  	v48 =	vld.idx.msk [tilespmem:v48+s4+$0x0], $0xffff  }
0x235: {  	v49 =	vld.idx.msk [tilespmem:v49+s4+$0x0], $0xffff  }
0x236: {  	v50 =	vld.idx.msk [tilespmem:v50+s4+$0x0], $0xffff  }
0x237: {  	v39 =	vsel vm0, $0x0, v39;
	v51 =	vld.idx.msk [tilespmem:v51+s4+$0x0], $0xffff  }
0x238: {  	v40 =	vsel vm0, $0x0, v40;
	v37 =	vld.idx.msk [tilespmem:v37+s4+$0x0], $0xffff;
	[tilespmem:s13+$0x5600] =	vst v39  }
0x239: {  	v38 =	vsel vm0, $0x0, v38;
	[tilespmem:s13+$0x5680] =	vst v40  }
0x23a: {  	v36 =	vsel vm0, $0x0, v36;
	[tilespmem:s13+$0x5700] =	vst v38  }
0x23b: {  	v38 =	vsel vm0, $0x0, v42;
	[tilespmem:s13+$0x5780] =	vst v36  }
0x23c: {  	v36 =	vsel vm0, $0x0, v43;
	[tilespmem:s13+$0x5800] =	vst v38  }
0x23d: {  	v38 =	vsel vm0, $0x0, v44;
	[tilespmem:s13+$0x5880] =	vst v36  }
0x23e: {  	v36 =	vsel vm0, $0x0, v45;
	[tilespmem:s13+$0x5900] =	vst v38  }
0x23f: {  	v38 =	vsel vm0, $0x0, v41;
	[tilespmem:s13+$0x5980] =	vst v36  }
0x240: {  	v36 =	vsel vm0, $0x0, v46;
	[tilespmem:s13+$0x6600] =	vst v38  }
0x241: {  	v38 =	vsel vm0, $0x0, v47;
	[tilespmem:s13+$0x6680] =	vst v36  }
0x242: {  	v35 =	vadd.s32 v28, v35;
	v39 =	vsel vm0, $0x0, v48;
	[tilespmem:s13+$0x6700] =	vst v38  }
0x243: {  	v36 =	vsel vm0, v34, v35;
	v35 =	vsel vm0, $0x0, v49;
	[tilespmem:s13+$0x6780] =	vst v39  }
0x244: {  	v38 =	vsel vm0, $0x0, v50;
	[tilespmem:s13+$0x6800] =	vst v35;
	v35 =	vadd.s32 $0x80, v36  }
0x245: {  	v39 =	vsel vm0, $0x0, v51;
	[tilespmem:s13+$0x6880] =	vst v38;
	v38 =	vadd.s32 $0x100, v36  }
0x246: {  	v37 =	vsel vm0, $0x0, v37;
	v40 =	vadd.s32 $0x180, v36;
	[tilespmem:s13+$0x6900] =	vst v39  }
0x247: {  	v41 =	vadd.s32 $0x200, v36;
	[tilespmem:s13+$0x6980] =	vst v37  }
.Ltmp1:
0x248: {  	v45 =	vadd.s32 $0x280, v36;
	v37 =	vld.idx.msk [tilespmem:v36+s16+$0x0], $0xffff;
	(pc) =	sbr.rel @p0 .LBB2_4-.Ltmp1, $4  }
0x249: {  	v43 =	vadd.s32 $0x300, v36;
	v35 =	vld.idx.msk [tilespmem:v35+s16+$0x0], $0xffff  }
0x24a: {  	v44 =	vadd.s32 $0x380, v36;
	v39 =	vld.idx.msk [tilespmem:v38+s16+$0x0], $0xffff  }
0x24b: {  	v38 =	vadd.s32 $0x400, v36;
	v40 =	vld.idx.msk [tilespmem:v40+s16+$0x0], $0xffff  }
0x24c: {  	s19 =	sadd.s32 $0x10, s19;
	v42 =	vadd.s32 $0x480, v36;
	v41 =	vld.idx.msk [tilespmem:v41+s16+$0x0], $0xffff  }
0x24d: {  	_ =	sdelay $0x3  }
0x24e: {  	v45 =	vld.idx.msk [tilespmem:v45+s16+$0x0], $0xffff;
	v46 =	vadd.s32 $0x500, v36  }
0x24f: {  	v43 =	vld.idx.msk [tilespmem:v43+s16+$0x0], $0xffff;
	v47 =	vadd.s32 $0x580, v36  }
0x250: {  	v44 =	vld.idx.msk [tilespmem:v44+s16+$0x0], $0xffff;
	v48 =	vadd.s32 $0x600, v36  }
0x251: {  	v38 =	vld.idx.msk [tilespmem:v38+s16+$0x0], $0xffff;
	v49 =	vadd.s32 $0x680, v36  }
0x252: {  	v42 =	vld.idx.msk [tilespmem:v42+s16+$0x0], $0xffff;
	v50 =	vadd.s32 $0x700, v36  }
0x253: {  	v51 =	vadd.s32 $0x780, v36;
	v46 =	vld.idx.msk [tilespmem:v46+s16+$0x0], $0xffff  }
0x254: {  	v47 =	vld.idx.msk [tilespmem:v47+s16+$0x0], $0xffff  }
0x255: {  	v48 =	vld.idx.msk [tilespmem:v48+s16+$0x0], $0xffff  }
0x256: {  	v49 =	vld.idx.msk [tilespmem:v49+s16+$0x0], $0xffff  }
0x257: {  	v50 =	vld.idx.msk [tilespmem:v50+s16+$0x0], $0xffff  }
0x258: {  	v51 =	vld.idx.msk [tilespmem:v51+s16+$0x0], $0xffff;
	[tilespmem:s13+$0x7600] =	vst v37  }
0x259: {  	[tilespmem:s13+$0x7680] =	vst v35  }
0x25a: {  	[tilespmem:s13+$0x7700] =	vst v39  }
0x25b: {  	[tilespmem:s13+$0x7780] =	vst v40  }
0x25c: {  	[tilespmem:s13+$0x7800] =	vst v41  }
0x25d: {  	[tilespmem:s13+$0x7880] =	vst v45  }
0x25e: {  	[tilespmem:s13+$0x7900] =	vst v43  }
0x25f: {  	[tilespmem:s13+$0x7980] =	vst v44  }
0x260: {  	[tilespmem:s13+$0x8600] =	vst v38  }
0x261: {  	[tilespmem:s13+$0x8680] =	vst v42  }
0x262: {  	[tilespmem:s13+$0x8700] =	vst v46  }
0x263: {  	v52 =	vadd.s32 $0xA00, v36;
	[tilespmem:s13+$0x8780] =	vst v47  }
0x264: {  	v53 =	vadd.s32 $0xA80, v36;
	[tilespmem:s13+$0x8800] =	vst v48  }
0x265: {  	v54 =	vadd.s32 $0xB00, v36;
	[tilespmem:s13+$0x8880] =	vst v49  }
0x266: {  	v55 =	vadd.s32 $0xB80, v36;
	[tilespmem:s13+$0x8900] =	vst v50  }
0x267: {  	v56 =	vadd.s32 $0xC00, v36;
	[tilespmem:s13+$0x8980] =	vst v51  }
0x268: {  	v57 =	vadd.s32 $0xF80, v36;
	v40 =	vld.idx.msk [tilespmem:v52+s16+$0x0], $0xffff  }
0x269: {  	v58 =	vadd.s32 $0xC80, v36;
	v41 =	vld.idx.msk [tilespmem:v53+s16+$0x0], $0xffff  }
0x26a: {  	v63 =	vadd.s32 $0xF00, v36;
	v42 =	vld.idx.msk [tilespmem:v54+s16+$0x0], $0xffff  }
0x26b: {  	v47 =	vadd.s32 $0x800, v36;
	v43 =	vld.idx.msk [tilespmem:v55+s16+$0x0], $0xffff  }
0x26c: {  	v48 =	vadd.s32 $0x880, v36;
	v44 =	vld.idx.msk [tilespmem:v56+s16+$0x0], $0xffff  }
0x26d: {  	v49 =	vadd.s32 $0x900, v36;
	v45 =	vld.idx.msk [tilespmem:v57+s16+$0x0], $0xffff  }
0x26e: {  	v59 =	vadd.s32 $0xD00, v36;
	v50 =	vadd.s32 $0x980, v36;
	v46 =	vld.idx.msk [tilespmem:v58+s16+$0x0], $0xffff  }
0x26f: {  	v60 =	vadd.s32 $0xD80, v36;
	v61 =	vadd.s32 $0xE00, v36;
	v62 =	vadd.s32 $0xE80, v36;
	v36 =	vld.idx.msk [tilespmem:v63+s16+$0x0], $0xffff  }
0x270: {  	v35 =	vld.idx.msk [tilespmem:v47+s16+$0x0], $0xffff  }
0x271: {  	v37 =	vld.idx.msk [tilespmem:v48+s16+$0x0], $0xffff  }
0x272: {  	v38 =	vld.idx.msk [tilespmem:v49+s16+$0x0], $0xffff  }
0x273: {  	v39 =	vld.idx.msk [tilespmem:v50+s16+$0x0], $0xffff  }
0x274: {  	v47 =	vld.idx.msk [tilespmem:v59+s16+$0x0], $0xffff  }
0x275: {  	v48 =	vld.idx.msk [tilespmem:v60+s16+$0x0], $0xffff  }
0x276: {  	v49 =	vld.idx.msk [tilespmem:v61+s16+$0x0], $0xffff  }
0x277: {  	v50 =	vld.idx.msk [tilespmem:v62+s16+$0x0], $0xffff;
	[tilespmem:s13+$0xA980] =	vst v45  }
0x278: {  	[tilespmem:s13+$0x9800] =	vst v40  }
0x279: {  	[tilespmem:s13+$0x9880] =	vst v41  }
0x27a: {  	[tilespmem:s13+$0x9900] =	vst v42  }
0x27b: {  	[tilespmem:s13+$0x9980] =	vst v43  }
0x27c: {  	[tilespmem:s13+$0xA600] =	vst v44  }
0x27d: {  	[tilespmem:s13+$0xA680] =	vst v46  }
0x27e: {  	[tilespmem:s13+$0xA900] =	vst v36  }
0x27f: {  	[tilespmem:s13+$0x9600] =	vst v35  }
0x280: {  	[tilespmem:s13+$0x9680] =	vst v37  }
0x281: {  	[tilespmem:s13+$0x9700] =	vst v38  }
0x282: {  	[tilespmem:s13+$0x9780] =	vst v39  }
0x283: {  	[tilespmem:s13+$0xA700] =	vst v47  }
0x284: {  	[tilespmem:s13+$0xA780] =	vst v48  }
0x285: {  	[tilespmem:s13+$0xA800] =	vst v49  }
0x286: {  	[tilespmem:s13+$0xA880] =	vst v50  }
0x287: {  	_ =	strace $0x9000004B  }
0x288: {  	_ =	strace $0x8000004C  }
0x289: {  	_ =	swait.ge [sflag:s15], $0x4000  }
0x28a: {  	[sflag:s15] =	ssyncset.done $0x0  }
0x28b: {  	[sflag:s15] =	ssyncadd.s32 $0xFFFFC000  }
0x28c: {  	[hbm4b:s10+s4] =	stream.linear.scatter [tilespmem:s26], [sflag:$0x3], $0x800, $0x200038;
	[tilespmem:$0xB600] =	vst v63  }
0x28d: {  	s21 =	sadd.s32 $0x4000, s10  }
0x28e: {  	[hbm4b:s21+s4] =	stream.linear.scatter [tilespmem:s28], [sflag:$0x3], $0x800, $0x200038;
	[tilespmem:$0xB600] =	vst v63  }
0x28f: {  	s14 =	sadd.s32 $0x8000, s10  }
0x290: {  	[hbm4b:s14+s4] =	stream.linear.scatter [tilespmem:s29], [sflag:$0x3], $0x800, $0x200038;
	[tilespmem:$0xB600] =	vst v63  }
0x291: {  	s17 =	sadd.s32 $0xC000, s10  }
0x292: {  	[hbm4b:s17+s4] =	stream.linear.scatter [tilespmem:s30], [sflag:$0x3], $0x800, $0x200038;
	[tilespmem:$0xB600] =	vst v63  }
0x293: {  	s18 =	sadd.s32 $0x10000, s10  }
0x294: {  	[hbm4b:s18+s4] =	stream.linear.scatter [tilespmem:s31], [sflag:$0x3], $0x800, $0x200038;
	[tilespmem:$0xB600] =	vst v63  }
0x295: {  	s19 =	sadd.s32 $0x14000, s10  }
0x296: {  	[hbm4b:s19+s4] =	stream.linear.scatter [tilespmem:s3], [sflag:$0x3], $0x800, $0x200038;
	[tilespmem:$0xB600] =	vst v63  }
0x297: {  	s20 =	sadd.s32 $0x18000, s10;
	s12 =	sadd.s32 $0x1, s12  }
0x298: {  	[hbm4b:s20+s4] =	stream.linear.scatter [tilespmem:s1], [sflag:$0x3], $0x800, $0x200038;
	[tilespmem:$0xB600] =	vst v63  }
0x299: {  	p0 =	sne.s32 s12, s11;
	s21 =	sadd.s32 $0x1C000, s10  }
0x29a: {  	[hbm4b:s21+s4] =	stream.linear.scatter [tilespmem:s0], [sflag:$0x3], $0x800, $0x200038;
	[tilespmem:$0xB600] =	vst v63  }
.Ltmp2:
0x29b: {  	_ = 	snop;
	(pc) =	sbr.rel @p0 .LBB2_1-.Ltmp2, $4  }
0x29c: {  	_ =	swait.ge [sflag:s2], $0x4000  }
0x29d: {  	[sflag:s2] =	ssyncset.done $0x0  }
0x29e: {  	[sflag:s2] =	ssyncadd.s32 $0xFFFFC000  }
0x29f: {  	_ =	strace $0x9000004C  }
0x2a0: {  	_ =	sfence.sel $0x180000  }
0x2a1: {  	[bflag:$0x0] =	sbarrier.arrive $0xFFFF  }
0x2a2: {  	_ =	strace $0x90000047  }
0x2a3: {  	s0 =	stileid.u32;
	[bflag:$0x2] =	sbarrier.arrive $0xFFFF  }
0x2a4: {  	p0 =	sne.s32 s0, $0x0;
	s0 =	rddreg [dreg:$0x5]  }
0x2a5: {  	s0 =	sadd.s32 @!p0 $0x100000, s0  }
0x2a6: {  	[sflag:s0] =	ssyncadd.tile.s32 @!p0 $0x1;
	_ =	shalt  }
.Lfunc_end2:
_tile_overlayer_lowered:
.L_overlay_start_2:
0x2a7: {  	(tag) =	ssettag $0x2  }
0x2a8: {  	s0 =	rddreg [dreg:$0x0];
	s2 =	stileid.u32  }
0x2a9: {  	s1 =	rddreg [dreg:$0x1];
	p0 =	sne.s32 s2, $0x0  }
0x2aa: {  	s3 =	rddreg [dreg:$0x2];
	[bflag:$0x3] =	sbarrier.arrive $0xFFFF;
	s2 =	simm.s32 @!p0 $0x1C03  }
0x2ab: {  	[timem:s3], [sflag:s2] =	dma.local @!p0 [hbm:s0], s1  }
0x2ac: {  	s0 =	simm.s32 @!p0 $0x3  }
0x2ad: {  	_ =	swait.ge @!p0 [sflag:s0], s1  }
0x2ae: {  	s1 =	ssub.s32 @!p0 $0x0, s1;
	[sflag:s0] =	ssyncset.done @!p0 $0x0  }
0x2af: {  	[sflag:s0] =	ssyncadd.s32 @!p0 s1  }
0x2b0: {  	[bflag:$0x3] =	sbarrier.arrive $0xFFFF  }
0x2b1: {  	_ =	shalt  }

</sc_bundles>
